<compile_context>
chip_gen: v7x
topology: tpu7x:2x2x1
jax: 0.10.2.dev20260603
libtpu: 0.0.44.dev20260713+nightly
codegen_flags: <defaults>
</compile_context>

<pallas_src>
import functools

import jax
import jax.numpy as jnp
from jax import lax
from jax.experimental import pallas as pl
from jax.experimental.pallas import tpu as pltpu
from jax.experimental.pallas import tpu_sc as plsc

N_NODES = 10000
NPAD = 10240
D = 256
DH = 128
E = 160000
K = 80
NS = 16
TROWS = E // K // NS
EPT = E // NS
NPT = N_NODES // NS
NBUF = 5
CROWS = NPAD // DH
OFFS = ((0, 80), (80, 80), (160, 80), (240, 80), (320, 80),
        (400, 80), (480, 80), (560, 65))


def _sc_segment_sum(x0, x1, src1, dst1):
    mesh = plsc.VectorSubcoreMesh(core_axis_name="c", subcore_axis_name="s")

    @functools.partial(
        pl.kernel,
        mesh=mesh,
        compiler_params=pltpu.CompilerParams(use_tc_tiling_on_sc=False,
                                             needs_layout_passes=False),
        out_type=(
            jax.ShapeDtypeStruct((N_NODES, DH), jnp.bfloat16),
            jax.ShapeDtypeStruct((N_NODES, DH), jnp.bfloat16),
            jax.ShapeDtypeStruct((NPAD,), jnp.float32),
        ),
        scratch_types=[
            pltpu.VMEM((EPT,), jnp.int32),
            pltpu.VMEM((EPT,), jnp.int32),
            [pltpu.VMEM((K, DH), jnp.bfloat16) for _ in range(NBUF)],
            pltpu.VMEM((CROWS, DH), jnp.float32),
            pltpu.VMEM((CROWS,), jnp.int32),
            pltpu.VMEM_SHARED((N_NODES, DH), jnp.bfloat16),
            pltpu.VMEM_SHARED((CROWS, DH), jnp.float32),
            [pltpu.SemaphoreType.DMA for _ in range(NBUF)],
            [pltpu.SemaphoreType.DMA for _ in range(NBUF)],
            pltpu.SemaphoreType.DMA,
            pltpu.SemaphoreType.DMA,
        ],
    )
    def k(x0_hbm, x1_hbm, src_hbm, dst_hbm, out0, out1, cnt_out,
          sidx, didx, bufs, blk, riota, acc, cnt_sp, semg, sems,
          semi, semw):
        c = lax.axis_index("c")
        s = lax.axis_index("s")

        zero16 = jnp.zeros((16,), jnp.float32)
        one16 = jnp.ones((16,), jnp.float32)
        zero32 = jnp.zeros((32,), jnp.bfloat16)

        pltpu.async_copy(src_hbm.at[pl.ds(s * EPT, EPT)], sidx, semi)
        pltpu.async_copy(dst_hbm.at[pl.ds(s * EPT, EPT)], didx, semi)

        rows0 = bufs[0]

        def zrow(i, carry):
            for j in range(DH // 32):
                rows0[i, pl.ds(j * 32, 32)] = zero32
            return carry

        lax.fori_loop(0, K, zrow, 0)

        def brow(i, carry):
            for j in range(DH // 16):
                blk[i, pl.ds(j * 16, 16)] = zero16
            return carry

        lax.fori_loop(0, CROWS, brow, 0)

        for j in range(CROWS // 16):
            riota[pl.ds(j * 16, 16)] = lax.iota(jnp.int32, 16) + j * 16

        for o, l in OFFS:
            pltpu.async_copy(rows0.at[pl.ds(0, l)],
                             acc.at[pl.ds(s * NPT + o, l)], semw)

        @pl.when(s == 0)
        def _():
            pltpu.async_copy(blk, cnt_sp, semw)

        for o, l in OFFS:
            pltpu.make_async_copy(rows0.at[pl.ds(0, l)],
                                  acc.at[pl.ds(s * NPT + o, l)], semw).wait()

        @pl.when(s == 0)
        def _():
            pltpu.make_async_copy(blk, cnt_sp, semw).wait()

        pltpu.make_async_copy(src_hbm.at[pl.ds(s * EPT, EPT)], sidx,
                              semi).wait()
        pltpu.make_async_copy(dst_hbm.at[pl.ds(s * EPT, EPT)], didx,
                              semi).wait()

        plsc.subcore_barrier()

        def edge_loop(x_ref):
            for i in range(NBUF):
                pltpu.async_copy(x_ref.at[sidx.at[pl.ds(i * K, K)]], bufs[i],
                                 semg[i])

            def cbody(j, carry):
                idx = didx[pl.ds(j * 16, 16)]
                plsc.addupdate_scatter(
                    blk,
                    [lax.shift_right_logical(idx, 7),
                     lax.bitwise_and(idx, 127)],
                    one16,
                )
                return carry

            lax.fori_loop(0, EPT // 16, cbody, 0)

            def step(q, carry):
                for i in range(NBUF):
                    a = NBUF * q + i
                    j = (i - 1) % NBUF
                    b = a - 1
                    pltpu.make_async_copy(x_ref.at[sidx.at[pl.ds(a * K, K)]],
                                          bufs[i], semg[i]).wait()

                    @pl.when(b >= 0)
                    def _():
                        pltpu.make_async_copy(
                            bufs[j], acc.at[didx.at[pl.ds(b * K, K)]],
                            sems[j]).wait()

                    pltpu.async_copy(bufs[i], acc.at[didx.at[pl.ds(a * K, K)]],
                                     sems[i], add=True)

                    @pl.when(jnp.logical_and(b >= 0, b + NBUF < TROWS))
                    def _():
                        pltpu.async_copy(
                            x_ref.at[sidx.at[pl.ds((b + NBUF) * K, K)]],
                            bufs[j], semg[j])
                return carry

            lax.fori_loop(0, TROWS // NBUF, step, 0)

            i = (TROWS - 1) % NBUF
            pltpu.make_async_copy(
                bufs[i], acc.at[didx.at[pl.ds((TROWS - 1) * K, K)]],
                sems[i]).wait()

        @pl.when(c == 0)
        def _():
            edge_loop(x0_hbm)

        @pl.when(c == 1)
        def _():
            edge_loop(x1_hbm)

        plsc.subcore_barrier()

        pltpu.sync_copy(blk, cnt_sp.at[riota], add=True)
        plsc.subcore_barrier()

        def copy_out(dref):
            for n, (o, l) in enumerate(OFFS):
                buf = bufs[n % 2]
                if n >= 2:
                    po, pll = OFFS[n - 2]
                    pltpu.make_async_copy(
                        buf.at[pl.ds(0, pll)],
                        dref.at[pl.ds(s * NPT + po, pll)], semw).wait()
                pltpu.sync_copy(acc.at[pl.ds(s * NPT + o, l)],
                                buf.at[pl.ds(0, l)])
                pltpu.async_copy(buf.at[pl.ds(0, l)],
                                 dref.at[pl.ds(s * NPT + o, l)], semw)
            for n in (len(OFFS) - 2, len(OFFS) - 1):
                o, l = OFFS[n]
                buf = bufs[n % 2]
                pltpu.make_async_copy(buf.at[pl.ds(0, l)],
                                      dref.at[pl.ds(s * NPT + o, l)],
                                      semw).wait()

        @pl.when(c == 0)
        def _():
            copy_out(out0)

        @pl.when(c == 1)
        def _():
            copy_out(out1)

        @pl.when(c == 0)
        def _():
            pltpu.sync_copy(cnt_sp.at[pl.ds(5 * s, 5)], blk.at[pl.ds(0, 5)])
            for r in range(5):
                pltpu.async_copy(blk.at[r],
                                 cnt_out.at[pl.ds((5 * s + r) * DH, DH)],
                                 semw)
            for r in range(5):
                pltpu.make_async_copy(blk.at[r],
                                      cnt_out.at[pl.ds((5 * s + r) * DH, DH)],
                                      semw).wait()

    return k(x0, x1, src1, dst1)


BM = 2000


def _tc_body(x_ref, nb0_ref, nb1_ref, cnt_ref, wst_ref, wnt0_ref, wnt1_ref,
             b_ref, g_ref, be_ref, o_ref):
    hs = jnp.dot(x_ref[...], wst_ref[...], preferred_element_type=jnp.float32)
    hn = (jnp.dot(nb0_ref[...].astype(jnp.float32), wnt0_ref[...],
                  preferred_element_type=jnp.float32)
          + jnp.dot(nb1_ref[...].astype(jnp.float32), wnt1_ref[...],
                    preferred_element_type=jnp.float32))
    inv = 1.0 / jnp.maximum(cnt_ref[...], 1.0)
    h = hs + hn * inv + b_ref[...]
    mu = jnp.mean(h, axis=-1, keepdims=True)
    d = h - mu
    var = jnp.mean(d * d, axis=-1, keepdims=True)
    o_ref[...] = d * lax.rsqrt(var + 1e-5) * g_ref[...] + be_ref[...]


def _tc_combine(x, nb0, nb1, cnt, wst, wnt0, wnt1, bias, gamma, beta):
    grid = (N_NODES // BM,)
    return pl.pallas_call(
        _tc_body,
        grid=grid,
        in_specs=[
            pl.BlockSpec((BM, D), lambda i: (i, 0)),
            pl.BlockSpec((BM, DH), lambda i: (i, 0)),
            pl.BlockSpec((BM, DH), lambda i: (i, 0)),
            pl.BlockSpec((BM, 1), lambda i: (i, 0)),
            pl.BlockSpec((D, D), lambda i: (0, 0)),
            pl.BlockSpec((DH, D), lambda i: (0, 0)),
            pl.BlockSpec((DH, D), lambda i: (0, 0)),
            pl.BlockSpec((1, D), lambda i: (0, 0)),
            pl.BlockSpec((1, D), lambda i: (0, 0)),
            pl.BlockSpec((1, D), lambda i: (0, 0)),
        ],
        out_specs=pl.BlockSpec((BM, D), lambda i: (i, 0)),
        out_shape=jax.ShapeDtypeStruct((N_NODES, D), jnp.float32),
    )(x, nb0, nb1, cnt, wst, wnt0, wnt1, bias, gamma, beta)


@jax.jit
def kernel(x, edge_index, deg, W_self, W_neigh, bias, ln_gamma, ln_beta):
    del deg
    x0 = x[:, :DH].astype(jnp.bfloat16)
    x1 = x[:, DH:].astype(jnp.bfloat16)
    src1 = edge_index[1]
    dst1 = edge_index[0]
    nb0, nb1, cnt1d = _sc_segment_sum(x0, x1, src1, dst1)
    cnt = cnt1d[:N_NODES, None]
    wnt = W_neigh.T
    return _tc_combine(x, nb0, nb1, cnt, W_self.T, wnt[:DH], wnt[DH:],
                       bias[None, :], ln_gamma[None, :], ln_beta[None, :])

# --- scband reference (transcript-rebuilt; emitter-appended) ---
"""Pipeline reference for scband-graph-sagelayer-43946105373339 (READ-ONLY COPY).

The authoritative reference and input builder live on the scoring server;
editing this copy changes nothing except your own understanding.
"""

import jax, jax.numpy as jnp
import numpy as np

N_NODES = 10000
N_EDGES = 160000
D_IN = 256
D_OUT = 256

def setup_inputs(seed: int = 0) -> dict:
    key = jax.random.key(seed)
    ks = jax.random.split(key, 8)
    x = jax.random.normal(ks[0], (N_NODES, D_IN), dtype=jnp.float32)
    edge_index = jax.random.randint(ks[1], (2, N_EDGES), 0, N_NODES)
    deg = jax.random.randint(ks[2], (N_NODES,), 0, 32)
    # learned params sized per init_kwargs (in_dim=256, out_dim=256)
    W_self = jax.random.normal(ks[3], (D_OUT, D_IN), dtype=jnp.float32) * (1.0 / np.sqrt(D_IN))
    W_neigh = jax.random.normal(ks[4], (D_OUT, D_IN), dtype=jnp.float32) * (1.0 / np.sqrt(D_IN))
    bias = jnp.zeros((D_OUT,), dtype=jnp.float32)
    ln_gamma = jnp.ones((D_OUT,), dtype=jnp.float32)
    ln_beta = jnp.zeros((D_OUT,), dtype=jnp.float32)
    return {"x": x, "edge_index": edge_index, "deg": deg, "W_self": W_self,
            "W_neigh": W_neigh, "bias": bias, "ln_gamma": ln_gamma, "ln_beta": ln_beta}

def _layernorm(h, gamma, beta, eps=1e-5):
    mu = jnp.mean(h, axis=-1, keepdims=True)
    var = jnp.mean((h - mu) ** 2, axis=-1, keepdims=True)
    return (h - mu) / jnp.sqrt(var + eps) * gamma + beta

def reference(x, edge_index, deg, W_self, W_neigh, bias, ln_gamma, ln_beta):
    # adj_list is represented as edge_index: row 0 = destination node v, row 1 = neighbor of v.
    # deg is unused in the original forward (it relies on adj_list contents); kept for signature fidelity.
    n = x.shape[0]
    dst = edge_index[0]
    src = edge_index[1]
    h_self = x @ W_self.T
    # mean aggregation over neighbors, per destination node
    nb_sum = jax.ops.segment_sum(x[src], dst, num_segments=n)
    counts = jax.ops.segment_sum(jnp.ones((src.shape[0],), dtype=jnp.float32), dst, num_segments=n)
    nb_mean = nb_sum / jnp.maximum(counts, 1.0)[:, None]
    # nodes with no neighbors have nb_mean == 0, and W_neigh has no bias, so h_neigh stays 0 for them
    h_neigh = nb_mean @ W_neigh.T
    h = h_self + h_neigh + bias
    h = _layernorm(h, ln_gamma, ln_beta)
    return h

if __name__ == "__main__":
    import jax
    _d = setup_inputs()
    print(jax.jit(kernel)(*tuple(_d.values())))

</pallas_src>

<mosaic_0001>
#map = affine_map<(d0, d1) -> (0, 0)>
#map1 = affine_map<(d0, d1) -> (0)>
module attributes {stable_mosaic.version = 14 : i64} {
  func.func @k(%arg0: i32, %arg1: i32, %arg2: memref<10000x128xbf16, #tpu.memory_space<hbm>>, %arg3: memref<10000x128xbf16, #tpu.memory_space<hbm>>, %arg4: memref<160000xi32, #tpu.memory_space<hbm>>, %arg5: memref<160000xi32, #tpu.memory_space<hbm>>, %arg6: memref<10000x128xbf16, #tpu.memory_space<hbm>>, %arg7: memref<10000x128xbf16, #tpu.memory_space<hbm>>, %arg8: memref<10240xf32, #tpu.memory_space<hbm>>, %arg9: memref<10000xi32, #tpu.memory_space<vmem>>, %arg10: memref<10000xi32, #tpu.memory_space<vmem>>, %arg11: memref<80x128xbf16, #tpu.memory_space<vmem>>, %arg12: memref<80x128xbf16, #tpu.memory_space<vmem>>, %arg13: memref<80x128xbf16, #tpu.memory_space<vmem>>, %arg14: memref<80x128xbf16, #tpu.memory_space<vmem>>, %arg15: memref<80x128xbf16, #tpu.memory_space<vmem>>, %arg16: memref<80x128xf32, #tpu.memory_space<vmem>>, %arg17: memref<80xi32, #tpu.memory_space<vmem>>, %arg18: memref<10000x128xbf16, #tpu.memory_space<vmem_shared>>, %arg19: memref<80x128xf32, #tpu.memory_space<vmem_shared>>, %arg20: memref<!tpu.dma_semaphore, #tpu.memory_space<semaphore_mem>>, %arg21: memref<!tpu.dma_semaphore, #tpu.memory_space<semaphore_mem>>, %arg22: memref<!tpu.dma_semaphore, #tpu.memory_space<semaphore_mem>>, %arg23: memref<!tpu.dma_semaphore, #tpu.memory_space<semaphore_mem>>, %arg24: memref<!tpu.dma_semaphore, #tpu.memory_space<semaphore_mem>>, %arg25: memref<!tpu.dma_semaphore, #tpu.memory_space<semaphore_mem>>, %arg26: memref<!tpu.dma_semaphore, #tpu.memory_space<semaphore_mem>>, %arg27: memref<!tpu.dma_semaphore, #tpu.memory_space<semaphore_mem>>, %arg28: memref<!tpu.dma_semaphore, #tpu.memory_space<semaphore_mem>>, %arg29: memref<!tpu.dma_semaphore, #tpu.memory_space<semaphore_mem>>, %arg30: memref<!tpu.dma_semaphore, #tpu.memory_space<semaphore_mem>>, %arg31: memref<!tpu.dma_semaphore, #tpu.memory_space<semaphore_mem>>) attributes {dimension_semantics = [#tpu.dimension_semantics<core_parallel>, #tpu.dimension_semantics<subcore_parallel>], iteration_bounds = array<i64: 2, 16>, scalar_prefetch = 0 : i64, scratch_operands = 23 : i64, tpu.core_type = #tpu.core_type<sc_vector_subcore>, window_params = [{transform_indices = #map}, {transform_indices = #map}, {transform_indices = #map1}, {transform_indices = #map1}, {transform_indices = #map}, {transform_indices = #map}, {transform_indices = #map1}]} {
    %broadcast_in_dim3A = arith.constant 0.000000e+00 : f32
    %broadcast_in_dim3A_0 = vector.broadcast %broadcast_in_dim3A : f32 to vector<16xf32>
    %broadcast_in_dim3A_1 = arith.constant 1.000000e+00 : f32
    %broadcast_in_dim3A_2 = vector.broadcast %broadcast_in_dim3A_1 : f32 to vector<16xf32>
    %broadcast_in_dim3A_3 = arith.constant 0.000000e+00 : bf16
    %broadcast_in_dim3A_4 = vector.broadcast %broadcast_in_dim3A_3 : bf16 to vector<32xbf16>
    %mul3A = arith.constant 10000 : i32
    %mul3A_5 = arith.muli %arg1, %mul3A : i32
    %dma_start3A = tpu.memref_slice %arg4[%mul3A_5] : memref<160000xi32, #tpu.memory_space<hbm>> -> memref<10000xi32, #tpu.memory_space<hbm>>
    %dma_start3A_6 = tpu.memref_slice %arg4[%mul3A_5] : memref<160000xi32, #tpu.memory_space<hbm>> -> memref<10000xi32, #tpu.memory_space<hbm>>
    tpu.enqueue_dma source(%dma_start3A_6 : memref<10000xi32, #tpu.memory_space<hbm>>) target(%arg9 : memref<10000xi32, #tpu.memory_space<vmem>>) target_semaphore(%arg30 : memref<!tpu.dma_semaphore, #tpu.memory_space<semaphore_mem>>)
    %mul3A_7 = arith.constant 10000 : i32
    %mul3A_8 = arith.muli %arg1, %mul3A_7 : i32
    %dma_start3A_9 = tpu.memref_slice %arg5[%mul3A_8] : memref<160000xi32, #tpu.memory_space<hbm>> -> memref<10000xi32, #tpu.memory_space<hbm>>
    %dma_start3A_10 = tpu.memref_slice %arg5[%mul3A_8] : memref<160000xi32, #tpu.memory_space<hbm>> -> memref<10000xi32, #tpu.memory_space<hbm>>
    tpu.enqueue_dma source(%dma_start3A_10 : memref<10000xi32, #tpu.memory_space<hbm>>) target(%arg10 : memref<10000xi32, #tpu.memory_space<vmem>>) target_semaphore(%arg30 : memref<!tpu.dma_semaphore, #tpu.memory_space<semaphore_mem>>)
    %scan3A = arith.constant 0 : i32
    %scan3A_11 = arith.constant 0 : i32
    %scan3A_12 = arith.constant 80 : i32
    %scan3A_13 = arith.addi %scan3A_11, %scan3A_12 : i32
    %scan3A_14 = arith.constant 1 : i32
    scf.for %scan3A_314 = %scan3A_11 to %scan3A_13 step %scan3A_14  : i32 {
      %swap3A_315 = arith.index_cast %scan3A_314 : i32 to index
      %swap3A_316 = arith.constant 0 : index
      %swap3A_317 = tpu.vector_load %arg11[%swap3A_315, %swap3A_316] {strides = array<i32>} : memref<80x128xbf16, #tpu.memory_space<vmem>>, vector<32xbf16>,
      tpu.vector_store %arg11[%swap3A_315, %swap3A_316], %broadcast_in_dim3A_4 {strides = array<i32>} : memref<80x128xbf16, #tpu.memory_space<vmem>>, vector<32xbf16>,
      %swap3A_318 = arith.index_cast %scan3A_314 : i32 to index
      %swap3A_319 = arith.constant 32 : index
      %swap3A_320 = tpu.vector_load %arg11[%swap3A_318, %swap3A_319] {strides = array<i32>} : memref<80x128xbf16, #tpu.memory_space<vmem>>, vector<32xbf16>,
      tpu.vector_store %arg11[%swap3A_318, %swap3A_319], %broadcast_in_dim3A_4 {strides = array<i32>} : memref<80x128xbf16, #tpu.memory_space<vmem>>, vector<32xbf16>,
      %swap3A_321 = arith.index_cast %scan3A_314 : i32 to index
      %swap3A_322 = arith.constant 64 : index
      %swap3A_323 = tpu.vector_load %arg11[%swap3A_321, %swap3A_322] {strides = array<i32>} : memref<80x128xbf16, #tpu.memory_space<vmem>>, vector<32xbf16>,
      tpu.vector_store %arg11[%swap3A_321, %swap3A_322], %broadcast_in_dim3A_4 {strides = array<i32>} : memref<80x128xbf16, #tpu.memory_space<vmem>>, vector<32xbf16>,
      %swap3A_324 = arith.index_cast %scan3A_314 : i32 to index
      %swap3A_325 = arith.constant 96 : index
      %swap3A_326 = tpu.vector_load %arg11[%swap3A_324, %swap3A_325] {strides = array<i32>} : memref<80x128xbf16, #tpu.memory_space<vmem>>, vector<32xbf16>,
      tpu.vector_store %arg11[%swap3A_324, %swap3A_325], %broadcast_in_dim3A_4 {strides = array<i32>} : memref<80x128xbf16, #tpu.memory_space<vmem>>, vector<32xbf16>,
    }
    %scan3A_15 = arith.constant 80 : i32
    %scan3A_16 = arith.constant 0 : i32
    %scan3A_17 = arith.constant 0 : i32
    %scan3A_18 = arith.constant 80 : i32
    %scan3A_19 = arith.addi %scan3A_17, %scan3A_18 : i32
    %scan3A_20 = arith.constant 1 : i32
    scf.for %scan3A_314 = %scan3A_17 to %scan3A_19 step %scan3A_20  : i32 {
      %swap3A_315 = arith.index_cast %scan3A_314 : i32 to index
      %swap3A_316 = arith.constant 0 : index
      %swap3A_317 = tpu.vector_load %arg16[%swap3A_315, %swap3A_316] {strides = array<i32>} : memref<80x128xf32, #tpu.memory_space<vmem>>, vector<16xf32>,
      tpu.vector_store %arg16[%swap3A_315, %swap3A_316], %broadcast_in_dim3A_0 {strides = array<i32>} : memref<80x128xf32, #tpu.memory_space<vmem>>, vector<16xf32>,
      %swap3A_318 = arith.index_cast %scan3A_314 : i32 to index
      %swap3A_319 = arith.constant 16 : index
      %swap3A_320 = tpu.vector_load %arg16[%swap3A_318, %swap3A_319] {strides = array<i32>} : memref<80x128xf32, #tpu.memory_space<vmem>>, vector<16xf32>,
      tpu.vector_store %arg16[%swap3A_318, %swap3A_319], %broadcast_in_dim3A_0 {strides = array<i32>} : memref<80x128xf32, #tpu.memory_space<vmem>>, vector<16xf32>,
      %swap3A_321 = arith.index_cast %scan3A_314 : i32 to index
      %swap3A_322 = arith.constant 32 : index
      %swap3A_323 = tpu.vector_load %arg16[%swap3A_321, %swap3A_322] {strides = array<i32>} : memref<80x128xf32, #tpu.memory_space<vmem>>, vector<16xf32>,
      tpu.vector_store %arg16[%swap3A_321, %swap3A_322], %broadcast_in_dim3A_0 {strides = array<i32>} : memref<80x128xf32, #tpu.memory_space<vmem>>, vector<16xf32>,
      %swap3A_324 = arith.index_cast %scan3A_314 : i32 to index
      %swap3A_325 = arith.constant 48 : index
      %swap3A_326 = tpu.vector_load %arg16[%swap3A_324, %swap3A_325] {strides = array<i32>} : memref<80x128xf32, #tpu.memory_space<vmem>>, vector<16xf32>,
      tpu.vector_store %arg16[%swap3A_324, %swap3A_325], %broadcast_in_dim3A_0 {strides = array<i32>} : memref<80x128xf32, #tpu.memory_space<vmem>>, vector<16xf32>,
      %swap3A_327 = arith.index_cast %scan3A_314 : i32 to index
      %swap3A_328 = arith.constant 64 : index
      %swap3A_329 = tpu.vector_load %arg16[%swap3A_327, %swap3A_328] {strides = array<i32>} : memref<80x128xf32, #tpu.memory_space<vmem>>, vector<16xf32>,
      tpu.vector_store %arg16[%swap3A_327, %swap3A_328], %broadcast_in_dim3A_0 {strides = array<i32>} : memref<80x128xf32, #tpu.memory_space<vmem>>, vector<16xf32>,
      %swap3A_330 = arith.index_cast %scan3A_314 : i32 to index
      %swap3A_331 = arith.constant 80 : index
      %swap3A_332 = tpu.vector_load %arg16[%swap3A_330, %swap3A_331] {strides = array<i32>} : memref<80x128xf32, #tpu.memory_space<vmem>>, vector<16xf32>,
      tpu.vector_store %arg16[%swap3A_330, %swap3A_331], %broadcast_in_dim3A_0 {strides = array<i32>} : memref<80x128xf32, #tpu.memory_space<vmem>>, vector<16xf32>,
      %swap3A_333 = arith.index_cast %scan3A_314 : i32 to index
      %swap3A_334 = arith.constant 96 : index
      %swap3A_335 = tpu.vector_load %arg16[%swap3A_333, %swap3A_334] {strides = array<i32>} : memref<80x128xf32, #tpu.memory_space<vmem>>, vector<16xf32>,
      tpu.vector_store %arg16[%swap3A_333, %swap3A_334], %broadcast_in_dim3A_0 {strides = array<i32>} : memref<80x128xf32, #tpu.memory_space<vmem>>, vector<16xf32>,
      %swap3A_336 = arith.index_cast %scan3A_314 : i32 to index
      %swap3A_337 = arith.constant 112 : index
      %swap3A_338 = tpu.vector_load %arg16[%swap3A_336, %swap3A_337] {strides = array<i32>} : memref<80x128xf32, #tpu.memory_space<vmem>>, vector<16xf32>,
      tpu.vector_store %arg16[%swap3A_336, %swap3A_337], %broadcast_in_dim3A_0 {strides = array<i32>} : memref<80x128xf32, #tpu.memory_space<vmem>>, vector<16xf32>,
    }
    %scan3A_21 = arith.constant 80 : i32
    %iota3A = tpu.iota {dimensions = array<i32: 0>} : vector<16xi32>
    %add3A = arith.constant 0 : i32
    %add3A_22 = vector.broadcast %add3A : i32 to vector<16xi32>
    %add3A_23 = arith.addi %iota3A, %add3A_22 : vector<16xi32>
    %swap3A = arith.constant 0 : index
    %swap3A_24 = tpu.vector_load %arg17[%swap3A] {strides = array<i32>} : memref<80xi32, #tpu.memory_space<vmem>>, vector<16xi32>,
    tpu.vector_store %arg17[%swap3A], %add3A_23 {strides = array<i32>} : memref<80xi32, #tpu.memory_space<vmem>>, vector<16xi32>,
    %iota3A_25 = tpu.iota {dimensions = array<i32: 0>} : vector<16xi32>
    %add3A_26 = arith.constant 16 : i32
    %add3A_27 = vector.broadcast %add3A_26 : i32 to vector<16xi32>
    %add3A_28 = arith.addi %iota3A_25, %add3A_27 : vector<16xi32>
    %swap3A_29 = arith.constant 16 : index
    %swap3A_30 = tpu.vector_load %arg17[%swap3A_29] {strides = array<i32>} : memref<80xi32, #tpu.memory_space<vmem>>, vector<16xi32>,
    tpu.vector_store %arg17[%swap3A_29], %add3A_28 {strides = array<i32>} : memref<80xi32, #tpu.memory_space<vmem>>, vector<16xi32>,
    %iota3A_31 = tpu.iota {dimensions = array<i32: 0>} : vector<16xi32>
    %add3A_32 = arith.constant 32 : i32
    %add3A_33 = vector.broadcast %add3A_32 : i32 to vector<16xi32>
    %add3A_34 = arith.addi %iota3A_31, %add3A_33 : vector<16xi32>
    %swap3A_35 = arith.constant 32 : index
    %swap3A_36 = tpu.vector_load %arg17[%swap3A_35] {strides = array<i32>} : memref<80xi32, #tpu.memory_space<vmem>>, vector<16xi32>,
    tpu.vector_store %arg17[%swap3A_35], %add3A_34 {strides = array<i32>} : memref<80xi32, #tpu.memory_space<vmem>>, vector<16xi32>,
    %iota3A_37 = tpu.iota {dimensions = array<i32: 0>} : vector<16xi32>
    %add3A_38 = arith.constant 48 : i32
    %add3A_39 = vector.broadcast %add3A_38 : i32 to vector<16xi32>
    %add3A_40 = arith.addi %iota3A_37, %add3A_39 : vector<16xi32>
    %swap3A_41 = arith.constant 48 : index
    %swap3A_42 = tpu.vector_load %arg17[%swap3A_41] {strides = array<i32>} : memref<80xi32, #tpu.memory_space<vmem>>, vector<16xi32>,
    tpu.vector_store %arg17[%swap3A_41], %add3A_40 {strides = array<i32>} : memref<80xi32, #tpu.memory_space<vmem>>, vector<16xi32>,
    %iota3A_43 = tpu.iota {dimensions = array<i32: 0>} : vector<16xi32>
    %add3A_44 = arith.constant 64 : i32
    %add3A_45 = vector.broadcast %add3A_44 : i32 to vector<16xi32>
    %add3A_46 = arith.addi %iota3A_43, %add3A_45 : vector<16xi32>
    %swap3A_47 = arith.constant 64 : index
    %swap3A_48 = tpu.vector_load %arg17[%swap3A_47] {strides = array<i32>} : memref<80xi32, #tpu.memory_space<vmem>>, vector<16xi32>,
    tpu.vector_store %arg17[%swap3A_47], %add3A_46 {strides = array<i32>} : memref<80xi32, #tpu.memory_space<vmem>>, vector<16xi32>,
    %mul3A_49 = arith.constant 625 : i32
    %mul3A_50 = arith.muli %arg1, %mul3A_49 : i32
    %add3A_51 = arith.constant 0 : i32
    %add3A_52 = arith.addi %mul3A_50, %add3A_51 : i32
    %dma_start3A_53 = arith.constant 0 : i32
    %dma_start3A_54 = arith.constant 0 : i32
    %dma_start3A_55 = tpu.memref_slice %arg11[%dma_start3A_53, %dma_start3A_54] : memref<80x128xbf16, #tpu.memory_space<vmem>> -> memref<80x128xbf16, #tpu.memory_space<vmem>>
    %dma_start3A_56 = arith.constant 0 : i32
    %dma_start3A_57 = tpu.memref_slice %arg18[%add3A_52, %dma_start3A_56] : memref<10000x128xbf16, #tpu.memory_space<vmem_shared>> -> memref<80x128xbf16, #tpu.memory_space<vmem_shared>>
    %dma_start3A_58 = arith.constant 0 : i32
    %dma_start3A_59 = tpu.memref_slice %arg18[%add3A_52, %dma_start3A_58] : memref<10000x128xbf16, #tpu.memory_space<vmem_shared>> -> memref<80x128xbf16, #tpu.memory_space<vmem_shared>>
    %dma_start3A_60 = arith.constant 0 : i32
    %dma_start3A_61 = arith.constant 0 : i32
    %dma_start3A_62 = tpu.memref_slice %arg11[%dma_start3A_60, %dma_start3A_61] : memref<80x128xbf16, #tpu.memory_space<vmem>> -> memref<80x128xbf16, #tpu.memory_space<vmem>>
    tpu.enqueue_dma source(%dma_start3A_62 : memref<80x128xbf16, #tpu.memory_space<vmem>>) target(%dma_start3A_59 : memref<80x128xbf16, #tpu.memory_space<vmem_shared>>) target_semaphore(%arg31 : memref<!tpu.dma_semaphore, #tpu.memory_space<semaphore_mem>>)
    %mul3A_63 = arith.constant 625 : i32
    %mul3A_64 = arith.muli %arg1, %mul3A_63 : i32
    %add3A_65 = arith.constant 80 : i32
    %add3A_66 = arith.addi %mul3A_64, %add3A_65 : i32
    %dma_start3A_67 = arith.constant 0 : i32
    %dma_start3A_68 = arith.constant 0 : i32
    %dma_start3A_69 = tpu.memref_slice %arg11[%dma_start3A_67, %dma_start3A_68] : memref<80x128xbf16, #tpu.memory_space<vmem>> -> memref<80x128xbf16, #tpu.memory_space<vmem>>
    %dma_start3A_70 = arith.constant 0 : i32
    %dma_start3A_71 = tpu.memref_slice %arg18[%add3A_66, %dma_start3A_70] : memref<10000x128xbf16, #tpu.memory_space<vmem_shared>> -> memref<80x128xbf16, #tpu.memory_space<vmem_shared>>
    %dma_start3A_72 = arith.constant 0 : i32
    %dma_start3A_73 = tpu.memref_slice %arg18[%add3A_66, %dma_start3A_72] : memref<10000x128xbf16, #tpu.memory_space<vmem_shared>> -> memref<80x128xbf16, #tpu.memory_space<vmem_shared>>
    %dma_start3A_74 = arith.constant 0 : i32
    %dma_start3A_75 = arith.constant 0 : i32
    %dma_start3A_76 = tpu.memref_slice %arg11[%dma_start3A_74, %dma_start3A_75] : memref<80x128xbf16, #tpu.memory_space<vmem>> -> memref<80x128xbf16, #tpu.memory_space<vmem>>
    tpu.enqueue_dma source(%dma_start3A_76 : memref<80x128xbf16, #tpu.memory_space<vmem>>) target(%dma_start3A_73 : memref<80x128xbf16, #tpu.memory_space<vmem_shared>>) target_semaphore(%arg31 : memref<!tpu.dma_semaphore, #tpu.memory_space<semaphore_mem>>)
    %mul3A_77 = arith.constant 625 : i32
    %mul3A_78 = arith.muli %arg1, %mul3A_77 : i32
    %add3A_79 = arith.constant 160 : i32
    %add3A_80 = arith.addi %mul3A_78, %add3A_79 : i32
    %dma_start3A_81 = arith.constant 0 : i32
    %dma_start3A_82 = arith.constant 0 : i32
    %dma_start3A_83 = tpu.memref_slice %arg11[%dma_start3A_81, %dma_start3A_82] : memref<80x128xbf16, #tpu.memory_space<vmem>> -> memref<80x128xbf16, #tpu.memory_space<vmem>>
    %dma_start3A_84 = arith.constant 0 : i32
    %dma_start3A_85 = tpu.memref_slice %arg18[%add3A_80, %dma_start3A_84] : memref<10000x128xbf16, #tpu.memory_space<vmem_shared>> -> memref<80x128xbf16, #tpu.memory_space<vmem_shared>>
    %dma_start3A_86 = arith.constant 0 : i32
    %dma_start3A_87 = tpu.memref_slice %arg18[%add3A_80, %dma_start3A_86] : memref<10000x128xbf16, #tpu.memory_space<vmem_shared>> -> memref<80x128xbf16, #tpu.memory_space<vmem_shared>>
    %dma_start3A_88 = arith.constant 0 : i32
    %dma_start3A_89 = arith.constant 0 : i32
    %dma_start3A_90 = tpu.memref_slice %arg11[%dma_start3A_88, %dma_start3A_89] : memref<80x128xbf16, #tpu.memory_space<vmem>> -> memref<80x128xbf16, #tpu.memory_space<vmem>>
    tpu.enqueue_dma source(%dma_start3A_90 : memref<80x128xbf16, #tpu.memory_space<vmem>>) target(%dma_start3A_87 : memref<80x128xbf16, #tpu.memory_space<vmem_shared>>) target_semaphore(%arg31 : memref<!tpu.dma_semaphore, #tpu.memory_space<semaphore_mem>>)
    %mul3A_91 = arith.constant 625 : i32
    %mul3A_92 = arith.muli %arg1, %mul3A_91 : i32
    %add3A_93 = arith.constant 240 : i32
    %add3A_94 = arith.addi %mul3A_92, %add3A_93 : i32
    %dma_start3A_95 = arith.constant 0 : i32
    %dma_start3A_96 = arith.constant 0 : i32
    %dma_start3A_97 = tpu.memref_slice %arg11[%dma_start3A_95, %dma_start3A_96] : memref<80x128xbf16, #tpu.memory_space<vmem>> -> memref<80x128xbf16, #tpu.memory_space<vmem>>
    %dma_start3A_98 = arith.constant 0 : i32
    %dma_start3A_99 = tpu.memref_slice %arg18[%add3A_94, %dma_start3A_98] : memref<10000x128xbf16, #tpu.memory_space<vmem_shared>> -> memref<80x128xbf16, #tpu.memory_space<vmem_shared>>
    %dma_start3A_100 = arith.constant 0 : i32
    %dma_start3A_101 = tpu.memref_slice %arg18[%add3A_94, %dma_start3A_100] : memref<10000x128xbf16, #tpu.memory_space<vmem_shared>> -> memref<80x128xbf16, #tpu.memory_space<vmem_shared>>
    %dma_start3A_102 = arith.constant 0 : i32
    %dma_start3A_103 = arith.constant 0 : i32
    %dma_start3A_104 = tpu.memref_slice %arg11[%dma_start3A_102, %dma_start3A_103] : memref<80x128xbf16, #tpu.memory_space<vmem>> -> memref<80x128xbf16, #tpu.memory_space<vmem>>
    tpu.enqueue_dma source(%dma_start3A_104 : memref<80x128xbf16, #tpu.memory_space<vmem>>) target(%dma_start3A_101 : memref<80x128xbf16, #tpu.memory_space<vmem_shared>>) target_semaphore(%arg31 : memref<!tpu.dma_semaphore, #tpu.memory_space<semaphore_mem>>)
    %mul3A_105 = arith.constant 625 : i32
    %mul3A_106 = arith.muli %arg1, %mul3A_105 : i32
    %add3A_107 = arith.constant 320 : i32
    %add3A_108 = arith.addi %mul3A_106, %add3A_107 : i32
    %dma_start3A_109 = arith.constant 0 : i32
    %dma_start3A_110 = arith.constant 0 : i32
    %dma_start3A_111 = tpu.memref_slice %arg11[%dma_start3A_109, %dma_start3A_110] : memref<80x128xbf16, #tpu.memory_space<vmem>> -> memref<80x128xbf16, #tpu.memory_space<vmem>>
    %dma_start3A_112 = arith.constant 0 : i32
    %dma_start3A_113 = tpu.memref_slice %arg18[%add3A_108, %dma_start3A_112] : memref<10000x128xbf16, #tpu.memory_space<vmem_shared>> -> memref<80x128xbf16, #tpu.memory_space<vmem_shared>>
    %dma_start3A_114 = arith.constant 0 : i32
    %dma_start3A_115 = tpu.memref_slice %arg18[%add3A_108, %dma_start3A_114] : memref<10000x128xbf16, #tpu.memory_space<vmem_shared>> -> memref<80x128xbf16, #tpu.memory_space<vmem_shared>>
    %dma_start3A_116 = arith.constant 0 : i32
    %dma_start3A_117 = arith.constant 0 : i32
    %dma_start3A_118 = tpu.memref_slice %arg11[%dma_start3A_116, %dma_start3A_117] : memref<80x128xbf16, #tpu.memory_space<vmem>> -> memref<80x128xbf16, #tpu.memory_space<vmem>>
    tpu.enqueue_dma source(%dma_start3A_118 : memref<80x128xbf16, #tpu.memory_space<vmem>>) target(%dma_start3A_115 : memref<80x128xbf16, #tpu.memory_space<vmem_shared>>) target_semaphore(%arg31 : memref<!tpu.dma_semaphore, #tpu.memory_space<semaphore_mem>>)
    %mul3A_119 = arith.constant 625 : i32
    %mul3A_120 = arith.muli %arg1, %mul3A_119 : i32
    %add3A_121 = arith.constant 400 : i32
    %add3A_122 = arith.addi %mul3A_120, %add3A_121 : i32
    %dma_start3A_123 = arith.constant 0 : i32
    %dma_start3A_124 = arith.constant 0 : i32
    %dma_start3A_125 = tpu.memref_slice %arg11[%dma_start3A_123, %dma_start3A_124] : memref<80x128xbf16, #tpu.memory_space<vmem>> -> memref<80x128xbf16, #tpu.memory_space<vmem>>
    %dma_start3A_126 = arith.constant 0 : i32
    %dma_start3A_127 = tpu.memref_slice %arg18[%add3A_122, %dma_start3A_126] : memref<10000x128xbf16, #tpu.memory_space<vmem_shared>> -> memref<80x128xbf16, #tpu.memory_space<vmem_shared>>
    %dma_start3A_128 = arith.constant 0 : i32
    %dma_start3A_129 = tpu.memref_slice %arg18[%add3A_122, %dma_start3A_128] : memref<10000x128xbf16, #tpu.memory_space<vmem_shared>> -> memref<80x128xbf16, #tpu.memory_space<vmem_shared>>
    %dma_start3A_130 = arith.constant 0 : i32
    %dma_start3A_131 = arith.constant 0 : i32
    %dma_start3A_132 = tpu.memref_slice %arg11[%dma_start3A_130, %dma_start3A_131] : memref<80x128xbf16, #tpu.memory_space<vmem>> -> memref<80x128xbf16, #tpu.memory_space<vmem>>
    tpu.enqueue_dma source(%dma_start3A_132 : memref<80x128xbf16, #tpu.memory_space<vmem>>) target(%dma_start3A_129 : memref<80x128xbf16, #tpu.memory_space<vmem_shared>>) target_semaphore(%arg31 : memref<!tpu.dma_semaphore, #tpu.memory_space<semaphore_mem>>)
    %mul3A_133 = arith.constant 625 : i32
    %mul3A_134 = arith.muli %arg1, %mul3A_133 : i32
    %add3A_135 = arith.constant 480 : i32
    %add3A_136 = arith.addi %mul3A_134, %add3A_135 : i32
    %dma_start3A_137 = arith.constant 0 : i32
    %dma_start3A_138 = arith.constant 0 : i32
    %dma_start3A_139 = tpu.memref_slice %arg11[%dma_start3A_137, %dma_start3A_138] : memref<80x128xbf16, #tpu.memory_space<vmem>> -> memref<80x128xbf16, #tpu.memory_space<vmem>>
    %dma_start3A_140 = arith.constant 0 : i32
    %dma_start3A_141 = tpu.memref_slice %arg18[%add3A_136, %dma_start3A_140] : memref<10000x128xbf16, #tpu.memory_space<vmem_shared>> -> memref<80x128xbf16, #tpu.memory_space<vmem_shared>>
    %dma_start3A_142 = arith.constant 0 : i32
    %dma_start3A_143 = tpu.memref_slice %arg18[%add3A_136, %dma_start3A_142] : memref<10000x128xbf16, #tpu.memory_space<vmem_shared>> -> memref<80x128xbf16, #tpu.memory_space<vmem_shared>>
    %dma_start3A_144 = arith.constant 0 : i32
    %dma_start3A_145 = arith.constant 0 : i32
    %dma_start3A_146 = tpu.memref_slice %arg11[%dma_start3A_144, %dma_start3A_145] : memref<80x128xbf16, #tpu.memory_space<vmem>> -> memref<80x128xbf16, #tpu.memory_space<vmem>>
    tpu.enqueue_dma source(%dma_start3A_146 : memref<80x128xbf16, #tpu.memory_space<vmem>>) target(%dma_start3A_143 : memref<80x128xbf16, #tpu.memory_space<vmem_shared>>) target_semaphore(%arg31 : memref<!tpu.dma_semaphore, #tpu.memory_space<semaphore_mem>>)
    %mul3A_147 = arith.constant 625 : i32
    %mul3A_148 = arith.muli %arg1, %mul3A_147 : i32
    %add3A_149 = arith.constant 560 : i32
    %add3A_150 = arith.addi %mul3A_148, %add3A_149 : i32
    %dma_start3A_151 = arith.constant 0 : i32
    %dma_start3A_152 = arith.constant 0 : i32
    %dma_start3A_153 = tpu.memref_slice %arg11[%dma_start3A_151, %dma_start3A_152] : memref<80x128xbf16, #tpu.memory_space<vmem>> -> memref<65x128xbf16, #tpu.memory_space<vmem>>
    %dma_start3A_154 = arith.constant 0 : i32
    %dma_start3A_155 = tpu.memref_slice %arg18[%add3A_150, %dma_start3A_154] : memref<10000x128xbf16, #tpu.memory_space<vmem_shared>> -> memref<65x128xbf16, #tpu.memory_space<vmem_shared>>
    %dma_start3A_156 = arith.constant 0 : i32
    %dma_start3A_157 = tpu.memref_slice %arg18[%add3A_150, %dma_start3A_156] : memref<10000x128xbf16, #tpu.memory_space<vmem_shared>> -> memref<65x128xbf16, #tpu.memory_space<vmem_shared>>
    %dma_start3A_158 = arith.constant 0 : i32
    %dma_start3A_159 = arith.constant 0 : i32
    %dma_start3A_160 = tpu.memref_slice %arg11[%dma_start3A_158, %dma_start3A_159] : memref<80x128xbf16, #tpu.memory_space<vmem>> -> memref<65x128xbf16, #tpu.memory_space<vmem>>
    tpu.enqueue_dma source(%dma_start3A_160 : memref<65x128xbf16, #tpu.memory_space<vmem>>) target(%dma_start3A_157 : memref<65x128xbf16, #tpu.memory_space<vmem_shared>>) target_semaphore(%arg31 : memref<!tpu.dma_semaphore, #tpu.memory_space<semaphore_mem>>)
    %eq3A = arith.constant 0 : i32
    %eq3A_161 = arith.cmpi eq, %arg1, %eq3A : i32
    %convert_element_type3A = arith.extui %eq3A_161 : i1 to i32
    %cond3A = arith.constant 0 : i32
    %cond3A_162 = arith.cmpi ne, %convert_element_type3A, %cond3A : i32
    scf.if %cond3A_162 {
      tpu.enqueue_dma source(%arg16 : memref<80x128xf32, #tpu.memory_space<vmem>>) target(%arg19 : memref<80x128xf32, #tpu.memory_space<vmem_shared>>) target_semaphore(%arg31 : memref<!tpu.dma_semaphore, #tpu.memory_space<semaphore_mem>>)
    } else {
    }
    %mul3A_163 = arith.constant 625 : i32
    %mul3A_164 = arith.muli %arg1, %mul3A_163 : i32
    %add3A_165 = arith.constant 0 : i32
    %add3A_166 = arith.addi %mul3A_164, %add3A_165 : i32
    %dma_wait3A = arith.constant 0 : i32
    %dma_wait3A_167 = arith.constant 0 : i32
    %dma_wait3A_168 = tpu.memref_slice %arg11[%dma_wait3A, %dma_wait3A_167] : memref<80x128xbf16, #tpu.memory_space<vmem>> -> memref<80x128xbf16, #tpu.memory_space<vmem>>
    %dma_wait3A_169 = arith.constant 0 : i32
    %dma_wait3A_170 = tpu.memref_slice %arg18[%add3A_166, %dma_wait3A_169] : memref<10000x128xbf16, #tpu.memory_space<vmem_shared>> -> memref<80x128xbf16, #tpu.memory_space<vmem_shared>>
    %dma_wait3A_171 = arith.constant 0 : i32
    %dma_wait3A_172 = tpu.memref_slice %arg18[%add3A_166, %dma_wait3A_171] : memref<10000x128xbf16, #tpu.memory_space<vmem_shared>> -> memref<80x128xbf16, #tpu.memory_space<vmem_shared>>
    %dma_wait3A_173 = arith.constant 0 : i32
    %dma_wait3A_174 = arith.constant 0 : i32
    %dma_wait3A_175 = tpu.memref_slice %arg11[%dma_wait3A_173, %dma_wait3A_174] : memref<80x128xbf16, #tpu.memory_space<vmem>> -> memref<80x128xbf16, #tpu.memory_space<vmem>>
    tpu.wait_dma2 semaphore(%arg31 : memref<!tpu.dma_semaphore, #tpu.memory_space<semaphore_mem>>) src(%dma_wait3A_175 : memref<80x128xbf16, #tpu.memory_space<vmem>>) dst(%dma_wait3A_172 : memref<80x128xbf16, #tpu.memory_space<vmem_shared>>)
    %mul3A_176 = arith.constant 625 : i32
    %mul3A_177 = arith.muli %arg1, %mul3A_176 : i32
    %add3A_178 = arith.constant 80 : i32
    %add3A_179 = arith.addi %mul3A_177, %add3A_178 : i32
    %dma_wait3A_180 = arith.constant 0 : i32
    %dma_wait3A_181 = arith.constant 0 : i32
    %dma_wait3A_182 = tpu.memref_slice %arg11[%dma_wait3A_180, %dma_wait3A_181] : memref<80x128xbf16, #tpu.memory_space<vmem>> -> memref<80x128xbf16, #tpu.memory_space<vmem>>
    %dma_wait3A_183 = arith.constant 0 : i32
    %dma_wait3A_184 = tpu.memref_slice %arg18[%add3A_179, %dma_wait3A_183] : memref<10000x128xbf16, #tpu.memory_space<vmem_shared>> -> memref<80x128xbf16, #tpu.memory_space<vmem_shared>>
    %dma_wait3A_185 = arith.constant 0 : i32
    %dma_wait3A_186 = tpu.memref_slice %arg18[%add3A_179, %dma_wait3A_185] : memref<10000x128xbf16, #tpu.memory_space<vmem_shared>> -> memref<80x128xbf16, #tpu.memory_space<vmem_shared>>
    %dma_wait3A_187 = arith.constant 0 : i32
    %dma_wait3A_188 = arith.constant 0 : i32
    %dma_wait3A_189 = tpu.memref_slice %arg11[%dma_wait3A_187, %dma_wait3A_188] : memref<80x128xbf16, #tpu.memory_space<vmem>> -> memref<80x128xbf16, #tpu.memory_space<vmem>>
    tpu.wait_dma2 semaphore(%arg31 : memref<!tpu.dma_semaphore, #tpu.memory_space<semaphore_mem>>) src(%dma_wait3A_189 : memref<80x128xbf16, #tpu.memory_space<vmem>>) dst(%dma_wait3A_186 : memref<80x128xbf16, #tpu.memory_space<vmem_shared>>)
    %mul3A_190 = arith.constant 625 : i32
    %mul3A_191 = arith.muli %arg1, %mul3A_190 : i32
    %add3A_192 = arith.constant 160 : i32
    %add3A_193 = arith.addi %mul3A_191, %add3A_192 : i32
    %dma_wait3A_194 = arith.constant 0 : i32
    %dma_wait3A_195 = arith.constant 0 : i32
    %dma_wait3A_196 = tpu.memref_slice %arg11[%dma_wait3A_194, %dma_wait3A_195] : memref<80x128xbf16, #tpu.memory_space<vmem>> -> memref<80x128xbf16, #tpu.memory_space<vmem>>
    %dma_wait3A_197 = arith.constant 0 : i32
    %dma_wait3A_198 = tpu.memref_slice %arg18[%add3A_193, %dma_wait3A_197] : memref<10000x128xbf16, #tpu.memory_space<vmem_shared>> -> memref<80x128xbf16, #tpu.memory_space<vmem_shared>>
    %dma_wait3A_199 = arith.constant 0 : i32
    %dma_wait3A_200 = tpu.memref_slice %arg18[%add3A_193, %dma_wait3A_199] : memref<10000x128xbf16, #tpu.memory_space<vmem_shared>> -> memref<80x128xbf16, #tpu.memory_space<vmem_shared>>
    %dma_wait3A_201 = arith.constant 0 : i32
    %dma_wait3A_202 = arith.constant 0 : i32
    %dma_wait3A_203 = tpu.memref_slice %arg11[%dma_wait3A_201, %dma_wait3A_202] : memref<80x128xbf16, #tpu.memory_space<vmem>> -> memref<80x128xbf16, #tpu.memory_space<vmem>>
    tpu.wait_dma2 semaphore(%arg31 : memref<!tpu.dma_semaphore, #tpu.memory_space<semaphore_mem>>) src(%dma_wait3A_203 : memref<80x128xbf16, #tpu.memory_space<vmem>>) dst(%dma_wait3A_200 : memref<80x128xbf16, #tpu.memory_space<vmem_shared>>)
    %mul3A_204 = arith.constant 625 : i32
    %mul3A_205 = arith.muli %arg1, %mul3A_204 : i32
    %add3A_206 = arith.constant 240 : i32
    %add3A_207 = arith.addi %mul3A_205, %add3A_206 : i32
    %dma_wait3A_208 = arith.constant 0 : i32
    %dma_wait3A_209 = arith.constant 0 : i32
    %dma_wait3A_210 = tpu.memref_slice %arg11[%dma_wait3A_208, %dma_wait3A_209] : memref<80x128xbf16, #tpu.memory_space<vmem>> -> memref<80x128xbf16, #tpu.memory_space<vmem>>
    %dma_wait3A_211 = arith.constant 0 : i32
    %dma_wait3A_212 = tpu.memref_slice %arg18[%add3A_207, %dma_wait3A_211] : memref<10000x128xbf16, #tpu.memory_space<vmem_shared>> -> memref<80x128xbf16, #tpu.memory_space<vmem_shared>>
    %dma_wait3A_213 = arith.constant 0 : i32
    %dma_wait3A_214 = tpu.memref_slice %arg18[%add3A_207, %dma_wait3A_213] : memref<10000x128xbf16, #tpu.memory_space<vmem_shared>> -> memref<80x128xbf16, #tpu.memory_space<vmem_shared>>
    %dma_wait3A_215 = arith.constant 0 : i32
    %dma_wait3A_216 = arith.constant 0 : i32
    %dma_wait3A_217 = tpu.memref_slice %arg11[%dma_wait3A_215, %dma_wait3A_216] : memref<80x128xbf16, #tpu.memory_space<vmem>> -> memref<80x128xbf16, #tpu.memory_space<vmem>>
    tpu.wait_dma2 semaphore(%arg31 : memref<!tpu.dma_semaphore, #tpu.memory_space<semaphore_mem>>) src(%dma_wait3A_217 : memref<80x128xbf16, #tpu.memory_space<vmem>>) dst(%dma_wait3A_214 : memref<80x128xbf16, #tpu.memory_space<vmem_shared>>)
    %mul3A_218 = arith.constant 625 : i32
    %mul3A_219 = arith.muli %arg1, %mul3A_218 : i32
    %add3A_220 = arith.constant 320 : i32
    %add3A_221 = arith.addi %mul3A_219, %add3A_220 : i32
    %dma_wait3A_222 = arith.constant 0 : i32
    %dma_wait3A_223 = arith.constant 0 : i32
    %dma_wait3A_224 = tpu.memref_slice %arg11[%dma_wait3A_222, %dma_wait3A_223] : memref<80x128xbf16, #tpu.memory_space<vmem>> -> memref<80x128xbf16, #tpu.memory_space<vmem>>
    %dma_wait3A_225 = arith.constant 0 : i32
    %dma_wait3A_226 = tpu.memref_slice %arg18[%add3A_221, %dma_wait3A_225] : memref<10000x128xbf16, #tpu.memory_space<vmem_shared>> -> memref<80x128xbf16, #tpu.memory_space<vmem_shared>>
    %dma_wait3A_227 = arith.constant 0 : i32
    %dma_wait3A_228 = tpu.memref_slice %arg18[%add3A_221, %dma_wait3A_227] : memref<10000x128xbf16, #tpu.memory_space<vmem_shared>> -> memref<80x128xbf16, #tpu.memory_space<vmem_shared>>
    %dma_wait3A_229 = arith.constant 0 : i32
    %dma_wait3A_230 = arith.constant 0 : i32
    %dma_wait3A_231 = tpu.memref_slice %arg11[%dma_wait3A_229, %dma_wait3A_230] : memref<80x128xbf16, #tpu.memory_space<vmem>> -> memref<80x128xbf16, #tpu.memory_space<vmem>>
    tpu.wait_dma2 semaphore(%arg31 : memref<!tpu.dma_semaphore, #tpu.memory_space<semaphore_mem>>) src(%dma_wait3A_231 : memref<80x128xbf16, #tpu.memory_space<vmem>>) dst(%dma_wait3A_228 : memref<80x128xbf16, #tpu.memory_space<vmem_shared>>)
    %mul3A_232 = arith.constant 625 : i32
    %mul3A_233 = arith.muli %arg1, %mul3A_232 : i32
    %add3A_234 = arith.constant 400 : i32
    %add3A_235 = arith.addi %mul3A_233, %add3A_234 : i32
    %dma_wait3A_236 = arith.constant 0 : i32
    %dma_wait3A_237 = arith.constant 0 : i32
    %dma_wait3A_238 = tpu.memref_slice %arg11[%dma_wait3A_236, %dma_wait3A_237] : memref<80x128xbf16, #tpu.memory_space<vmem>> -> memref<80x128xbf16, #tpu.memory_space<vmem>>
    %dma_wait3A_239 = arith.constant 0 : i32
    %dma_wait3A_240 = tpu.memref_slice %arg18[%add3A_235, %dma_wait3A_239] : memref<10000x128xbf16, #tpu.memory_space<vmem_shared>> -> memref<80x128xbf16, #tpu.memory_space<vmem_shared>>
    %dma_wait3A_241 = arith.constant 0 : i32
    %dma_wait3A_242 = tpu.memref_slice %arg18[%add3A_235, %dma_wait3A_241] : memref<10000x128xbf16, #tpu.memory_space<vmem_shared>> -> memref<80x128xbf16, #tpu.memory_space<vmem_shared>>
    %dma_wait3A_243 = arith.constant 0 : i32
    %dma_wait3A_244 = arith.constant 0 : i32
    %dma_wait3A_245 = tpu.memref_slice %arg11[%dma_wait3A_243, %dma_wait3A_244] : memref<80x128xbf16, #tpu.memory_space<vmem>> -> memref<80x128xbf16, #tpu.memory_space<vmem>>
    tpu.wait_dma2 semaphore(%arg31 : memref<!tpu.dma_semaphore, #tpu.memory_space<semaphore_mem>>) src(%dma_wait3A_245 : memref<80x128xbf16, #tpu.memory_space<vmem>>) dst(%dma_wait3A_242 : memref<80x128xbf16, #tpu.memory_space<vmem_shared>>)
    %mul3A_246 = arith.constant 625 : i32
    %mul3A_247 = arith.muli %arg1, %mul3A_246 : i32
    %add3A_248 = arith.constant 480 : i32
    %add3A_249 = arith.addi %mul3A_247, %add3A_248 : i32
    %dma_wait3A_250 = arith.constant 0 : i32
    %dma_wait3A_251 = arith.constant 0 : i32
    %dma_wait3A_252 = tpu.memref_slice %arg11[%dma_wait3A_250, %dma_wait3A_251] : memref<80x128xbf16, #tpu.memory_space<vmem>> -> memref<80x128xbf16, #tpu.memory_space<vmem>>
    %dma_wait3A_253 = arith.constant 0 : i32
    %dma_wait3A_254 = tpu.memref_slice %arg18[%add3A_249, %dma_wait3A_253] : memref<10000x128xbf16, #tpu.memory_space<vmem_shared>> -> memref<80x128xbf16, #tpu.memory_space<vmem_shared>>
    %dma_wait3A_255 = arith.constant 0 : i32
    %dma_wait3A_256 = tpu.memref_slice %arg18[%add3A_249, %dma_wait3A_255] : memref<10000x128xbf16, #tpu.memory_space<vmem_shared>> -> memref<80x128xbf16, #tpu.memory_space<vmem_shared>>
    %dma_wait3A_257 = arith.constant 0 : i32
    %dma_wait3A_258 = arith.constant 0 : i32
    %dma_wait3A_259 = tpu.memref_slice %arg11[%dma_wait3A_257, %dma_wait3A_258] : memref<80x128xbf16, #tpu.memory_space<vmem>> -> memref<80x128xbf16, #tpu.memory_space<vmem>>
    tpu.wait_dma2 semaphore(%arg31 : memref<!tpu.dma_semaphore, #tpu.memory_space<semaphore_mem>>) src(%dma_wait3A_259 : memref<80x128xbf16, #tpu.memory_space<vmem>>) dst(%dma_wait3A_256 : memref<80x128xbf16, #tpu.memory_space<vmem_shared>>)
    %mul3A_260 = arith.constant 625 : i32
    %mul3A_261 = arith.muli %arg1, %mul3A_260 : i32
    %add3A_262 = arith.constant 560 : i32
    %add3A_263 = arith.addi %mul3A_261, %add3A_262 : i32
    %dma_wait3A_264 = arith.constant 0 : i32
    %dma_wait3A_265 = arith.constant 0 : i32
    %dma_wait3A_266 = tpu.memref_slice %arg11[%dma_wait3A_264, %dma_wait3A_265] : memref<80x128xbf16, #tpu.memory_space<vmem>> -> memref<65x128xbf16, #tpu.memory_space<vmem>>
    %dma_wait3A_267 = arith.constant 0 : i32
    %dma_wait3A_268 = tpu.memref_slice %arg18[%add3A_263, %dma_wait3A_267] : memref<10000x128xbf16, #tpu.memory_space<vmem_shared>> -> memref<65x128xbf16, #tpu.memory_space<vmem_shared>>
    %dma_wait3A_269 = arith.constant 0 : i32
    %dma_wait3A_270 = tpu.memref_slice %arg18[%add3A_263, %dma_wait3A_269] : memref<10000x128xbf16, #tpu.memory_space<vmem_shared>> -> memref<65x128xbf16, #tpu.memory_space<vmem_shared>>
    %dma_wait3A_271 = arith.constant 0 : i32
    %dma_wait3A_272 = arith.constant 0 : i32
    %dma_wait3A_273 = tpu.memref_slice %arg11[%dma_wait3A_271, %dma_wait3A_272] : memref<80x128xbf16, #tpu.memory_space<vmem>> -> memref<65x128xbf16, #tpu.memory_space<vmem>>
    tpu.wait_dma2 semaphore(%arg31 : memref<!tpu.dma_semaphore, #tpu.memory_space<semaphore_mem>>) src(%dma_wait3A_273 : memref<65x128xbf16, #tpu.memory_space<vmem>>) dst(%dma_wait3A_270 : memref<65x128xbf16, #tpu.memory_space<vmem_shared>>)
    %eq3A_274 = arith.constant 0 : i32
    %eq3A_275 = arith.cmpi eq, %arg1, %eq3A_274 : i32
    %convert_element_type3A_276 = arith.extui %eq3A_275 : i1 to i32
    %cond3A_277 = arith.constant 0 : i32
    %cond3A_278 = arith.cmpi ne, %convert_element_type3A_276, %cond3A_277 : i32
    scf.if %cond3A_278 {
      tpu.wait_dma2 semaphore(%arg31 : memref<!tpu.dma_semaphore, #tpu.memory_space<semaphore_mem>>) src(%arg16 : memref<80x128xf32, #tpu.memory_space<vmem>>) dst(%arg19 : memref<80x128xf32, #tpu.memory_space<vmem_shared>>)
    } else {
    }
    %mul3A_279 = arith.constant 10000 : i32
    %mul3A_280 = arith.muli %arg1, %mul3A_279 : i32
    %dma_wait3A_281 = tpu.memref_slice %arg4[%mul3A_280] : memref<160000xi32, #tpu.memory_space<hbm>> -> memref<10000xi32, #tpu.memory_space<hbm>>
    %dma_wait3A_282 = tpu.memref_slice %arg4[%mul3A_280] : memref<160000xi32, #tpu.memory_space<hbm>> -> memref<10000xi32, #tpu.memory_space<hbm>>
    tpu.wait_dma2 semaphore(%arg30 : memref<!tpu.dma_semaphore, #tpu.memory_space<semaphore_mem>>) src(%dma_wait3A_282 : memref<10000xi32, #tpu.memory_space<hbm>>) dst(%arg9 : memref<10000xi32, #tpu.memory_space<vmem>>)
    %mul3A_283 = arith.constant 10000 : i32
    %mul3A_284 = arith.muli %arg1, %mul3A_283 : i32
    %dma_wait3A_285 = tpu.memref_slice %arg5[%mul3A_284] : memref<160000xi32, #tpu.memory_space<hbm>> -> memref<10000xi32, #tpu.memory_space<hbm>>
    %dma_wait3A_286 = tpu.memref_slice %arg5[%mul3A_284] : memref<160000xi32, #tpu.memory_space<hbm>> -> memref<10000xi32, #tpu.memory_space<hbm>>
    tpu.wait_dma2 semaphore(%arg30 : memref<!tpu.dma_semaphore, #tpu.memory_space<semaphore_mem>>) src(%dma_wait3A_286 : memref<10000xi32, #tpu.memory_space<hbm>>) dst(%arg10 : memref<10000xi32, #tpu.memory_space<vmem>>)
    %barrier3A = arith.constant 0 : index
    tpu.barrier barrier_id(%barrier3A)
    %eq3A_287 = arith.constant 0 : i32
    %eq3A_288 = arith.cmpi eq, %arg0, %eq3A_287 : i32
    %convert_element_type3A_289 = arith.extui %eq3A_288 : i1 to i32
    %cond3A_290 = arith.constant 0 : i32
    %cond3A_291 = arith.cmpi ne, %convert_element_type3A_289, %cond3A_290 : i32
    scf.if %cond3A_291 {
      %dma_start3A_314 = arith.constant 0 : i32
      %dma_start3A_315 = tpu.memref_slice %arg9[%dma_start3A_314] : memref<10000xi32, #tpu.memory_space<vmem>> -> memref<80xi32, #tpu.memory_space<vmem>>
      %dma_start3A_316 = arith.constant 0 : i32
      %dma_start3A_317 = arith.constant 0 : i32
      %dma_start3A_318 = tpu.memref_slice %arg2[%dma_start3A_316, %dma_start3A_317] : memref<10000x128xbf16, #tpu.memory_space<hbm>> -> memref<10000x128xbf16, #tpu.memory_space<hbm>>
      tpu.enqueue_indirect_dma source(%dma_start3A_318 : memref<10000x128xbf16, #tpu.memory_space<hbm>>) target(%arg11 : memref<80x128xbf16, #tpu.memory_space<vmem>>) offsets(%dma_start3A_315 : memref<80xi32, #tpu.memory_space<vmem>>) semaphore(%arg20 : memref<!tpu.dma_semaphore, #tpu.memory_space<semaphore_mem>>)
      %dma_start3A_319 = arith.constant 80 : i32
      %dma_start3A_320 = tpu.memref_slice %arg9[%dma_start3A_319] : memref<10000xi32, #tpu.memory_space<vmem>> -> memref<80xi32, #tpu.memory_space<vmem>>
      %dma_start3A_321 = arith.constant 0 : i32
      %dma_start3A_322 = arith.constant 0 : i32
      %dma_start3A_323 = tpu.memref_slice %arg2[%dma_start3A_321, %dma_start3A_322] : memref<10000x128xbf16, #tpu.memory_space<hbm>> -> memref<10000x128xbf16, #tpu.memory_space<hbm>>
      tpu.enqueue_indirect_dma source(%dma_start3A_323 : memref<10000x128xbf16, #tpu.memory_space<hbm>>) target(%arg12 : memref<80x128xbf16, #tpu.memory_space<vmem>>) offsets(%dma_start3A_320 : memref<80xi32, #tpu.memory_space<vmem>>) semaphore(%arg21 : memref<!tpu.dma_semaphore, #tpu.memory_space<semaphore_mem>>)
      %dma_start3A_324 = arith.constant 160 : i32
      %dma_start3A_325 = tpu.memref_slice %arg9[%dma_start3A_324] : memref<10000xi32, #tpu.memory_space<vmem>> -> memref<80xi32, #tpu.memory_space<vmem>>
      %dma_start3A_326 = arith.constant 0 : i32
      %dma_start3A_327 = arith.constant 0 : i32
      %dma_start3A_328 = tpu.memref_slice %arg2[%dma_start3A_326, %dma_start3A_327] : memref<10000x128xbf16, #tpu.memory_space<hbm>> -> memref<10000x128xbf16, #tpu.memory_space<hbm>>
      tpu.enqueue_indirect_dma source(%dma_start3A_328 : memref<10000x128xbf16, #tpu.memory_space<hbm>>) target(%arg13 : memref<80x128xbf16, #tpu.memory_space<vmem>>) offsets(%dma_start3A_325 : memref<80xi32, #tpu.memory_space<vmem>>) semaphore(%arg22 : memref<!tpu.dma_semaphore, #tpu.memory_space<semaphore_mem>>)
      %dma_start3A_329 = arith.constant 240 : i32
      %dma_start3A_330 = tpu.memref_slice %arg9[%dma_start3A_329] : memref<10000xi32, #tpu.memory_space<vmem>> -> memref<80xi32, #tpu.memory_space<vmem>>
      %dma_start3A_331 = arith.constant 0 : i32
      %dma_start3A_332 = arith.constant 0 : i32
      %dma_start3A_333 = tpu.memref_slice %arg2[%dma_start3A_331, %dma_start3A_332] : memref<10000x128xbf16, #tpu.memory_space<hbm>> -> memref<10000x128xbf16, #tpu.memory_space<hbm>>
      tpu.enqueue_indirect_dma source(%dma_start3A_333 : memref<10000x128xbf16, #tpu.memory_space<hbm>>) target(%arg14 : memref<80x128xbf16, #tpu.memory_space<vmem>>) offsets(%dma_start3A_330 : memref<80xi32, #tpu.memory_space<vmem>>) semaphore(%arg23 : memref<!tpu.dma_semaphore, #tpu.memory_space<semaphore_mem>>)
      %dma_start3A_334 = arith.constant 320 : i32
      %dma_start3A_335 = tpu.memref_slice %arg9[%dma_start3A_334] : memref<10000xi32, #tpu.memory_space<vmem>> -> memref<80xi32, #tpu.memory_space<vmem>>
      %dma_start3A_336 = arith.constant 0 : i32
      %dma_start3A_337 = arith.constant 0 : i32
      %dma_start3A_338 = tpu.memref_slice %arg2[%dma_start3A_336, %dma_start3A_337] : memref<10000x128xbf16, #tpu.memory_space<hbm>> -> memref<10000x128xbf16, #tpu.memory_space<hbm>>
      tpu.enqueue_indirect_dma source(%dma_start3A_338 : memref<10000x128xbf16, #tpu.memory_space<hbm>>) target(%arg15 : memref<80x128xbf16, #tpu.memory_space<vmem>>) offsets(%dma_start3A_335 : memref<80xi32, #tpu.memory_space<vmem>>) semaphore(%arg24 : memref<!tpu.dma_semaphore, #tpu.memory_space<semaphore_mem>>)
      %scan3A_339 = arith.constant 0 : i32
      %scan3A_340 = arith.constant 0 : i32
      %scan3A_341 = arith.constant 625 : i32
      %scan3A_342 = arith.addi %scan3A_340, %scan3A_341 : i32
      %scan3A_343 = arith.constant 1 : i32
      scf.for %scan3A_356 = %scan3A_340 to %scan3A_342 step %scan3A_343  : i32 {
        %mul3A_357 = arith.constant 16 : i32
        %mul3A_358 = arith.muli %scan3A_356, %mul3A_357 : i32
        %get3A = arith.index_cast %mul3A_358 : i32 to index
        %get3A_359 = tpu.vector_load %arg10[%get3A] {strides = array<i32>} : memref<10000xi32, #tpu.memory_space<vmem>>, vector<16xi32>,
        %shift_right_logical3A = arith.constant 7 : i32
        %shift_right_logical3A_360 = vector.broadcast %shift_right_logical3A : i32 to vector<16xi32>
        %shift_right_logical3A_361 = arith.shrui %get3A_359, %shift_right_logical3A_360 : vector<16xi32>
        %and3A = arith.constant 127 : i32
        %and3A_362 = vector.broadcast %and3A : i32 to vector<16xi32>
        %and3A_363 = arith.andi %get3A_359, %and3A_362 : vector<16xi32>
        tpu.vector_store_idx %arg16[%shift_right_logical3A_361, %and3A_363], %broadcast_in_dim3A_2 {add = true} : memref<80x128xf32, #tpu.memory_space<vmem>>[vector<16xi32>, vector<16xi32>], vector<16xf32>,
      }
      %scan3A_344 = arith.constant 625 : i32
      %scan3A_345 = arith.constant 0 : i32
      %scan3A_346 = arith.constant 0 : i32
      %scan3A_347 = arith.constant 25 : i32
      %scan3A_348 = arith.addi %scan3A_346, %scan3A_347 : i32
      %scan3A_349 = arith.constant 1 : i32
      scf.for %scan3A_356 = %scan3A_346 to %scan3A_348 step %scan3A_349  : i32 {
        %mul3A_357 = arith.constant 5 : i32
        %mul3A_358 = arith.muli %mul3A_357, %scan3A_356 : i32
        %add3A_359 = arith.constant 0 : i32
        %add3A_360 = arith.addi %mul3A_358, %add3A_359 : i32
        %sub3A = arith.constant 1 : i32
        %sub3A_361 = arith.subi %add3A_360, %sub3A : i32
        %mul3A_362 = arith.constant 80 : i32
        %mul3A_363 = arith.muli %add3A_360, %mul3A_362 : i32
        %dma_wait3A_364 = tpu.memref_slice %arg9[%mul3A_363] : memref<10000xi32, #tpu.memory_space<vmem>> -> memref<80xi32, #tpu.memory_space<vmem>>
        %dma_wait3A_365 = arith.constant 0 : i32
        %dma_wait3A_366 = arith.constant 0 : i32
        %dma_wait3A_367 = tpu.memref_slice %arg2[%dma_wait3A_365, %dma_wait3A_366] : memref<10000x128xbf16, #tpu.memory_space<hbm>> -> memref<10000x128xbf16, #tpu.memory_space<hbm>>
        tpu.wait_indirect_dma semaphore(%arg20 : memref<!tpu.dma_semaphore, #tpu.memory_space<semaphore_mem>>) src(%dma_wait3A_367 : memref<10000x128xbf16, #tpu.memory_space<hbm>>) dst(%arg11 : memref<80x128xbf16, #tpu.memory_space<vmem>>)
        %ge3A = arith.constant 0 : i32
        %ge3A_368 = arith.cmpi sge, %sub3A_361, %ge3A : i32
        %convert_element_type3A_369 = arith.extui %ge3A_368 : i1 to i32
        %cond3A_370 = arith.constant 0 : i32
        %cond3A_371 = arith.cmpi ne, %convert_element_type3A_369, %cond3A_370 : i32
        scf.if %cond3A_371 {
          %mul3A_518 = arith.constant 80 : i32
          %mul3A_519 = arith.muli %sub3A_361, %mul3A_518 : i32
          %dma_wait3A_520 = tpu.memref_slice %arg10[%mul3A_519] : memref<10000xi32, #tpu.memory_space<vmem>> -> memref<80xi32, #tpu.memory_space<vmem>>
          %dma_wait3A_521 = arith.constant 0 : i32
          %dma_wait3A_522 = arith.constant 0 : i32
          %dma_wait3A_523 = tpu.memref_slice %arg18[%dma_wait3A_521, %dma_wait3A_522] : memref<10000x128xbf16, #tpu.memory_space<vmem_shared>> -> memref<10000x128xbf16, #tpu.memory_space<vmem_shared>>
          tpu.wait_indirect_dma semaphore(%arg29 : memref<!tpu.dma_semaphore, #tpu.memory_space<semaphore_mem>>) src(%arg15 : memref<80x128xbf16, #tpu.memory_space<vmem>>) dst(%dma_wait3A_523 : memref<10000x128xbf16, #tpu.memory_space<vmem_shared>>)
        } else {
        }
        %mul3A_372 = arith.constant 80 : i32
        %mul3A_373 = arith.muli %add3A_360, %mul3A_372 : i32
        %dma_start3A_374 = tpu.memref_slice %arg10[%mul3A_373] : memref<10000xi32, #tpu.memory_space<vmem>> -> memref<80xi32, #tpu.memory_space<vmem>>
        %dma_start3A_375 = arith.constant 0 : i32
        %dma_start3A_376 = arith.constant 0 : i32
        %dma_start3A_377 = tpu.memref_slice %arg18[%dma_start3A_375, %dma_start3A_376] : memref<10000x128xbf16, #tpu.memory_space<vmem_shared>> -> memref<10000x128xbf16, #tpu.memory_space<vmem_shared>>
        tpu.enqueue_indirect_dma source(%arg11 : memref<80x128xbf16, #tpu.memory_space<vmem>>) target(%dma_start3A_377 : memref<10000x128xbf16, #tpu.memory_space<vmem_shared>>) offsets(%dma_start3A_374 : memref<80xi32, #tpu.memory_space<vmem>>) semaphore(%arg25 : memref<!tpu.dma_semaphore, #tpu.memory_space<semaphore_mem>>) {add = true}
        %ge3A_378 = arith.constant 0 : i32
        %ge3A_379 = arith.cmpi sge, %sub3A_361, %ge3A_378 : i32
        %add3A_380 = arith.constant 5 : i32
        %add3A_381 = arith.addi %sub3A_361, %add3A_380 : i32
        %lt3A = arith.constant 125 : i32
        %lt3A_382 = arith.cmpi slt, %add3A_381, %lt3A : i32
        %and3A = arith.andi %ge3A_379, %lt3A_382 : i1
        %convert_element_type3A_383 = arith.extui %and3A : i1 to i32
        %cond3A_384 = arith.constant 0 : i32
        %cond3A_385 = arith.cmpi ne, %convert_element_type3A_383, %cond3A_384 : i32
        scf.if %cond3A_385 {
          %add3A_518 = arith.constant 5 : i32
          %add3A_519 = arith.addi %sub3A_361, %add3A_518 : i32
          %mul3A_520 = arith.constant 80 : i32
          %mul3A_521 = arith.muli %add3A_519, %mul3A_520 : i32
          %dma_start3A_522 = tpu.memref_slice %arg9[%mul3A_521] : memref<10000xi32, #tpu.memory_space<vmem>> -> memref<80xi32, #tpu.memory_space<vmem>>
          %dma_start3A_523 = arith.constant 0 : i32
          %dma_start3A_524 = arith.constant 0 : i32
          %dma_start3A_525 = tpu.memref_slice %arg2[%dma_start3A_523, %dma_start3A_524] : memref<10000x128xbf16, #tpu.memory_space<hbm>> -> memref<10000x128xbf16, #tpu.memory_space<hbm>>
          tpu.enqueue_indirect_dma source(%dma_start3A_525 : memref<10000x128xbf16, #tpu.memory_space<hbm>>) target(%arg15 : memref<80x128xbf16, #tpu.memory_space<vmem>>) offsets(%dma_start3A_522 : memref<80xi32, #tpu.memory_space<vmem>>) semaphore(%arg24 : memref<!tpu.dma_semaphore, #tpu.memory_space<semaphore_mem>>)
        } else {
        }
        %mul3A_386 = arith.constant 5 : i32
        %mul3A_387 = arith.muli %mul3A_386, %scan3A_356 : i32
        %add3A_388 = arith.constant 1 : i32
        %add3A_389 = arith.addi %mul3A_387, %add3A_388 : i32
        %sub3A_390 = arith.constant 1 : i32
        %sub3A_391 = arith.subi %add3A_389, %sub3A_390 : i32
        %mul3A_392 = arith.constant 80 : i32
        %mul3A_393 = arith.muli %add3A_389, %mul3A_392 : i32
        %dma_wait3A_394 = tpu.memref_slice %arg9[%mul3A_393] : memref<10000xi32, #tpu.memory_space<vmem>> -> memref<80xi32, #tpu.memory_space<vmem>>
        %dma_wait3A_395 = arith.constant 0 : i32
        %dma_wait3A_396 = arith.constant 0 : i32
        %dma_wait3A_397 = tpu.memref_slice %arg2[%dma_wait3A_395, %dma_wait3A_396] : memref<10000x128xbf16, #tpu.memory_space<hbm>> -> memref<10000x128xbf16, #tpu.memory_space<hbm>>
        tpu.wait_indirect_dma semaphore(%arg21 : memref<!tpu.dma_semaphore, #tpu.memory_space<semaphore_mem>>) src(%dma_wait3A_397 : memref<10000x128xbf16, #tpu.memory_space<hbm>>) dst(%arg12 : memref<80x128xbf16, #tpu.memory_space<vmem>>)
        %ge3A_398 = arith.constant 0 : i32
        %ge3A_399 = arith.cmpi sge, %sub3A_391, %ge3A_398 : i32
        %convert_element_type3A_400 = arith.extui %ge3A_399 : i1 to i32
        %cond3A_401 = arith.constant 0 : i32
        %cond3A_402 = arith.cmpi ne, %convert_element_type3A_400, %cond3A_401 : i32
        scf.if %cond3A_402 {
          %mul3A_518 = arith.constant 80 : i32
          %mul3A_519 = arith.muli %sub3A_391, %mul3A_518 : i32
          %dma_wait3A_520 = tpu.memref_slice %arg10[%mul3A_519] : memref<10000xi32, #tpu.memory_space<vmem>> -> memref<80xi32, #tpu.memory_space<vmem>>
          %dma_wait3A_521 = arith.constant 0 : i32
          %dma_wait3A_522 = arith.constant 0 : i32
          %dma_wait3A_523 = tpu.memref_slice %arg18[%dma_wait3A_521, %dma_wait3A_522] : memref<10000x128xbf16, #tpu.memory_space<vmem_shared>> -> memref<10000x128xbf16, #tpu.memory_space<vmem_shared>>
          tpu.wait_indirect_dma semaphore(%arg25 : memref<!tpu.dma_semaphore, #tpu.memory_space<semaphore_mem>>) src(%arg11 : memref<80x128xbf16, #tpu.memory_space<vmem>>) dst(%dma_wait3A_523 : memref<10000x128xbf16, #tpu.memory_space<vmem_shared>>)
        } else {
        }
        %mul3A_403 = arith.constant 80 : i32
        %mul3A_404 = arith.muli %add3A_389, %mul3A_403 : i32
        %dma_start3A_405 = tpu.memref_slice %arg10[%mul3A_404] : memref<10000xi32, #tpu.memory_space<vmem>> -> memref<80xi32, #tpu.memory_space<vmem>>
        %dma_start3A_406 = arith.constant 0 : i32
        %dma_start3A_407 = arith.constant 0 : i32
        %dma_start3A_408 = tpu.memref_slice %arg18[%dma_start3A_406, %dma_start3A_407] : memref<10000x128xbf16, #tpu.memory_space<vmem_shared>> -> memref<10000x128xbf16, #tpu.memory_space<vmem_shared>>
        tpu.enqueue_indirect_dma source(%arg12 : memref<80x128xbf16, #tpu.memory_space<vmem>>) target(%dma_start3A_408 : memref<10000x128xbf16, #tpu.memory_space<vmem_shared>>) offsets(%dma_start3A_405 : memref<80xi32, #tpu.memory_space<vmem>>) semaphore(%arg26 : memref<!tpu.dma_semaphore, #tpu.memory_space<semaphore_mem>>) {add = true}
        %ge3A_409 = arith.constant 0 : i32
        %ge3A_410 = arith.cmpi sge, %sub3A_391, %ge3A_409 : i32
        %add3A_411 = arith.constant 5 : i32
        %add3A_412 = arith.addi %sub3A_391, %add3A_411 : i32
        %lt3A_413 = arith.constant 125 : i32
        %lt3A_414 = arith.cmpi slt, %add3A_412, %lt3A_413 : i32
        %and3A_415 = arith.andi %ge3A_410, %lt3A_414 : i1
        %convert_element_type3A_416 = arith.extui %and3A_415 : i1 to i32
        %cond3A_417 = arith.constant 0 : i32
        %cond3A_418 = arith.cmpi ne, %convert_element_type3A_416, %cond3A_417 : i32
        scf.if %cond3A_418 {
          %add3A_518 = arith.constant 5 : i32
          %add3A_519 = arith.addi %sub3A_391, %add3A_518 : i32
          %mul3A_520 = arith.constant 80 : i32
          %mul3A_521 = arith.muli %add3A_519, %mul3A_520 : i32
          %dma_start3A_522 = tpu.memref_slice %arg9[%mul3A_521] : memref<10000xi32, #tpu.memory_space<vmem>> -> memref<80xi32, #tpu.memory_space<vmem>>
          %dma_start3A_523 = arith.constant 0 : i32
          %dma_start3A_524 = arith.constant 0 : i32
          %dma_start3A_525 = tpu.memref_slice %arg2[%dma_start3A_523, %dma_start3A_524] : memref<10000x128xbf16, #tpu.memory_space<hbm>> -> memref<10000x128xbf16, #tpu.memory_space<hbm>>
          tpu.enqueue_indirect_dma source(%dma_start3A_525 : memref<10000x128xbf16, #tpu.memory_space<hbm>>) target(%arg11 : memref<80x128xbf16, #tpu.memory_space<vmem>>) offsets(%dma_start3A_522 : memref<80xi32, #tpu.memory_space<vmem>>) semaphore(%arg20 : memref<!tpu.dma_semaphore, #tpu.memory_space<semaphore_mem>>)
        } else {
        }
        %mul3A_419 = arith.constant 5 : i32
        %mul3A_420 = arith.muli %mul3A_419, %scan3A_356 : i32
        %add3A_421 = arith.constant 2 : i32
        %add3A_422 = arith.addi %mul3A_420, %add3A_421 : i32
        %sub3A_423 = arith.constant 1 : i32
        %sub3A_424 = arith.subi %add3A_422, %sub3A_423 : i32
        %mul3A_425 = arith.constant 80 : i32
        %mul3A_426 = arith.muli %add3A_422, %mul3A_425 : i32
        %dma_wait3A_427 = tpu.memref_slice %arg9[%mul3A_426] : memref<10000xi32, #tpu.memory_space<vmem>> -> memref<80xi32, #tpu.memory_space<vmem>>
        %dma_wait3A_428 = arith.constant 0 : i32
        %dma_wait3A_429 = arith.constant 0 : i32
        %dma_wait3A_430 = tpu.memref_slice %arg2[%dma_wait3A_428, %dma_wait3A_429] : memref<10000x128xbf16, #tpu.memory_space<hbm>> -> memref<10000x128xbf16, #tpu.memory_space<hbm>>
        tpu.wait_indirect_dma semaphore(%arg22 : memref<!tpu.dma_semaphore, #tpu.memory_space<semaphore_mem>>) src(%dma_wait3A_430 : memref<10000x128xbf16, #tpu.memory_space<hbm>>) dst(%arg13 : memref<80x128xbf16, #tpu.memory_space<vmem>>)
        %ge3A_431 = arith.constant 0 : i32
        %ge3A_432 = arith.cmpi sge, %sub3A_424, %ge3A_431 : i32
        %convert_element_type3A_433 = arith.extui %ge3A_432 : i1 to i32
        %cond3A_434 = arith.constant 0 : i32
        %cond3A_435 = arith.cmpi ne, %convert_element_type3A_433, %cond3A_434 : i32
        scf.if %cond3A_435 {
          %mul3A_518 = arith.constant 80 : i32
          %mul3A_519 = arith.muli %sub3A_424, %mul3A_518 : i32
          %dma_wait3A_520 = tpu.memref_slice %arg10[%mul3A_519] : memref<10000xi32, #tpu.memory_space<vmem>> -> memref<80xi32, #tpu.memory_space<vmem>>
          %dma_wait3A_521 = arith.constant 0 : i32
          %dma_wait3A_522 = arith.constant 0 : i32
          %dma_wait3A_523 = tpu.memref_slice %arg18[%dma_wait3A_521, %dma_wait3A_522] : memref<10000x128xbf16, #tpu.memory_space<vmem_shared>> -> memref<10000x128xbf16, #tpu.memory_space<vmem_shared>>
          tpu.wait_indirect_dma semaphore(%arg26 : memref<!tpu.dma_semaphore, #tpu.memory_space<semaphore_mem>>) src(%arg12 : memref<80x128xbf16, #tpu.memory_space<vmem>>) dst(%dma_wait3A_523 : memref<10000x128xbf16, #tpu.memory_space<vmem_shared>>)
        } else {
        }
        %mul3A_436 = arith.constant 80 : i32
        %mul3A_437 = arith.muli %add3A_422, %mul3A_436 : i32
        %dma_start3A_438 = tpu.memref_slice %arg10[%mul3A_437] : memref<10000xi32, #tpu.memory_space<vmem>> -> memref<80xi32, #tpu.memory_space<vmem>>
        %dma_start3A_439 = arith.constant 0 : i32
        %dma_start3A_440 = arith.constant 0 : i32
        %dma_start3A_441 = tpu.memref_slice %arg18[%dma_start3A_439, %dma_start3A_440] : memref<10000x128xbf16, #tpu.memory_space<vmem_shared>> -> memref<10000x128xbf16, #tpu.memory_space<vmem_shared>>
        tpu.enqueue_indirect_dma source(%arg13 : memref<80x128xbf16, #tpu.memory_space<vmem>>) target(%dma_start3A_441 : memref<10000x128xbf16, #tpu.memory_space<vmem_shared>>) offsets(%dma_start3A_438 : memref<80xi32, #tpu.memory_space<vmem>>) semaphore(%arg27 : memref<!tpu.dma_semaphore, #tpu.memory_space<semaphore_mem>>) {add = true}
        %ge3A_442 = arith.constant 0 : i32
        %ge3A_443 = arith.cmpi sge, %sub3A_424, %ge3A_442 : i32
        %add3A_444 = arith.constant 5 : i32
        %add3A_445 = arith.addi %sub3A_424, %add3A_444 : i32
        %lt3A_446 = arith.constant 125 : i32
        %lt3A_447 = arith.cmpi slt, %add3A_445, %lt3A_446 : i32
        %and3A_448 = arith.andi %ge3A_443, %lt3A_447 : i1
        %convert_element_type3A_449 = arith.extui %and3A_448 : i1 to i32
        %cond3A_450 = arith.constant 0 : i32
        %cond3A_451 = arith.cmpi ne, %convert_element_type3A_449, %cond3A_450 : i32
        scf.if %cond3A_451 {
          %add3A_518 = arith.constant 5 : i32
          %add3A_519 = arith.addi %sub3A_424, %add3A_518 : i32
          %mul3A_520 = arith.constant 80 : i32
          %mul3A_521 = arith.muli %add3A_519, %mul3A_520 : i32
          %dma_start3A_522 = tpu.memref_slice %arg9[%mul3A_521] : memref<10000xi32, #tpu.memory_space<vmem>> -> memref<80xi32, #tpu.memory_space<vmem>>
          %dma_start3A_523 = arith.constant 0 : i32
          %dma_start3A_524 = arith.constant 0 : i32
          %dma_start3A_525 = tpu.memref_slice %arg2[%dma_start3A_523, %dma_start3A_524] : memref<10000x128xbf16, #tpu.memory_space<hbm>> -> memref<10000x128xbf16, #tpu.memory_space<hbm>>
          tpu.enqueue_indirect_dma source(%dma_start3A_525 : memref<10000x128xbf16, #tpu.memory_space<hbm>>) target(%arg12 : memref<80x128xbf16, #tpu.memory_space<vmem>>) offsets(%dma_start3A_522 : memref<80xi32, #tpu.memory_space<vmem>>) semaphore(%arg21 : memref<!tpu.dma_semaphore, #tpu.memory_space<semaphore_mem>>)
        } else {
        }
        %mul3A_452 = arith.constant 5 : i32
        %mul3A_453 = arith.muli %mul3A_452, %scan3A_356 : i32
        %add3A_454 = arith.constant 3 : i32
        %add3A_455 = arith.addi %mul3A_453, %add3A_454 : i32
        %sub3A_456 = arith.constant 1 : i32
        %sub3A_457 = arith.subi %add3A_455, %sub3A_456 : i32
        %mul3A_458 = arith.constant 80 : i32
        %mul3A_459 = arith.muli %add3A_455, %mul3A_458 : i32
        %dma_wait3A_460 = tpu.memref_slice %arg9[%mul3A_459] : memref<10000xi32, #tpu.memory_space<vmem>> -> memref<80xi32, #tpu.memory_space<vmem>>
        %dma_wait3A_461 = arith.constant 0 : i32
        %dma_wait3A_462 = arith.constant 0 : i32
        %dma_wait3A_463 = tpu.memref_slice %arg2[%dma_wait3A_461, %dma_wait3A_462] : memref<10000x128xbf16, #tpu.memory_space<hbm>> -> memref<10000x128xbf16, #tpu.memory_space<hbm>>
        tpu.wait_indirect_dma semaphore(%arg23 : memref<!tpu.dma_semaphore, #tpu.memory_space<semaphore_mem>>) src(%dma_wait3A_463 : memref<10000x128xbf16, #tpu.memory_space<hbm>>) dst(%arg14 : memref<80x128xbf16, #tpu.memory_space<vmem>>)
        %ge3A_464 = arith.constant 0 : i32
        %ge3A_465 = arith.cmpi sge, %sub3A_457, %ge3A_464 : i32
        %convert_element_type3A_466 = arith.extui %ge3A_465 : i1 to i32
        %cond3A_467 = arith.constant 0 : i32
        %cond3A_468 = arith.cmpi ne, %convert_element_type3A_466, %cond3A_467 : i32
        scf.if %cond3A_468 {
          %mul3A_518 = arith.constant 80 : i32
          %mul3A_519 = arith.muli %sub3A_457, %mul3A_518 : i32
          %dma_wait3A_520 = tpu.memref_slice %arg10[%mul3A_519] : memref<10000xi32, #tpu.memory_space<vmem>> -> memref<80xi32, #tpu.memory_space<vmem>>
          %dma_wait3A_521 = arith.constant 0 : i32
          %dma_wait3A_522 = arith.constant 0 : i32
          %dma_wait3A_523 = tpu.memref_slice %arg18[%dma_wait3A_521, %dma_wait3A_522] : memref<10000x128xbf16, #tpu.memory_space<vmem_shared>> -> memref<10000x128xbf16, #tpu.memory_space<vmem_shared>>
          tpu.wait_indirect_dma semaphore(%arg27 : memref<!tpu.dma_semaphore, #tpu.memory_space<semaphore_mem>>) src(%arg13 : memref<80x128xbf16, #tpu.memory_space<vmem>>) dst(%dma_wait3A_523 : memref<10000x128xbf16, #tpu.memory_space<vmem_shared>>)
        } else {
        }
        %mul3A_469 = arith.constant 80 : i32
        %mul3A_470 = arith.muli %add3A_455, %mul3A_469 : i32
        %dma_start3A_471 = tpu.memref_slice %arg10[%mul3A_470] : memref<10000xi32, #tpu.memory_space<vmem>> -> memref<80xi32, #tpu.memory_space<vmem>>
        %dma_start3A_472 = arith.constant 0 : i32
        %dma_start3A_473 = arith.constant 0 : i32
        %dma_start3A_474 = tpu.memref_slice %arg18[%dma_start3A_472, %dma_start3A_473] : memref<10000x128xbf16, #tpu.memory_space<vmem_shared>> -> memref<10000x128xbf16, #tpu.memory_space<vmem_shared>>
        tpu.enqueue_indirect_dma source(%arg14 : memref<80x128xbf16, #tpu.memory_space<vmem>>) target(%dma_start3A_474 : memref<10000x128xbf16, #tpu.memory_space<vmem_shared>>) offsets(%dma_start3A_471 : memref<80xi32, #tpu.memory_space<vmem>>) semaphore(%arg28 : memref<!tpu.dma_semaphore, #tpu.memory_space<semaphore_mem>>) {add = true}
        %ge3A_475 = arith.constant 0 : i32
        %ge3A_476 = arith.cmpi sge, %sub3A_457, %ge3A_475 : i32
        %add3A_477 = arith.constant 5 : i32
        %add3A_478 = arith.addi %sub3A_457, %add3A_477 : i32
        %lt3A_479 = arith.constant 125 : i32
        %lt3A_480 = arith.cmpi slt, %add3A_478, %lt3A_479 : i32
        %and3A_481 = arith.andi %ge3A_476, %lt3A_480 : i1
        %convert_element_type3A_482 = arith.extui %and3A_481 : i1 to i32
        %cond3A_483 = arith.constant 0 : i32
        %cond3A_484 = arith.cmpi ne, %convert_element_type3A_482, %cond3A_483 : i32
        scf.if %cond3A_484 {
          %add3A_518 = arith.constant 5 : i32
          %add3A_519 = arith.addi %sub3A_457, %add3A_518 : i32
          %mul3A_520 = arith.constant 80 : i32
          %mul3A_521 = arith.muli %add3A_519, %mul3A_520 : i32
          %dma_start3A_522 = tpu.memref_slice %arg9[%mul3A_521] : memref<10000xi32, #tpu.memory_space<vmem>> -> memref<80xi32, #tpu.memory_space<vmem>>
          %dma_start3A_523 = arith.constant 0 : i32
          %dma_start3A_524 = arith.constant 0 : i32
          %dma_start3A_525 = tpu.memref_slice %arg2[%dma_start3A_523, %dma_start3A_524] : memref<10000x128xbf16, #tpu.memory_space<hbm>> -> memref<10000x128xbf16, #tpu.memory_space<hbm>>
          tpu.enqueue_indirect_dma source(%dma_start3A_525 : memref<10000x128xbf16, #tpu.memory_space<hbm>>) target(%arg13 : memref<80x128xbf16, #tpu.memory_space<vmem>>) offsets(%dma_start3A_522 : memref<80xi32, #tpu.memory_space<vmem>>) semaphore(%arg22 : memref<!tpu.dma_semaphore, #tpu.memory_space<semaphore_mem>>)
        } else {
        }
        %mul3A_485 = arith.constant 5 : i32
        %mul3A_486 = arith.muli %mul3A_485, %scan3A_356 : i32
        %add3A_487 = arith.constant 4 : i32
        %add3A_488 = arith.addi %mul3A_486, %add3A_487 : i32
        %sub3A_489 = arith.constant 1 : i32
        %sub3A_490 = arith.subi %add3A_488, %sub3A_489 : i32
        %mul3A_491 = arith.constant 80 : i32
        %mul3A_492 = arith.muli %add3A_488, %mul3A_491 : i32
        %dma_wait3A_493 = tpu.memref_slice %arg9[%mul3A_492] : memref<10000xi32, #tpu.memory_space<vmem>> -> memref<80xi32, #tpu.memory_space<vmem>>
        %dma_wait3A_494 = arith.constant 0 : i32
        %dma_wait3A_495 = arith.constant 0 : i32
        %dma_wait3A_496 = tpu.memref_slice %arg2[%dma_wait3A_494, %dma_wait3A_495] : memref<10000x128xbf16, #tpu.memory_space<hbm>> -> memref<10000x128xbf16, #tpu.memory_space<hbm>>
        tpu.wait_indirect_dma semaphore(%arg24 : memref<!tpu.dma_semaphore, #tpu.memory_space<semaphore_mem>>) src(%dma_wait3A_496 : memref<10000x128xbf16, #tpu.memory_space<hbm>>) dst(%arg15 : memref<80x128xbf16, #tpu.memory_space<vmem>>)
        %ge3A_497 = arith.constant 0 : i32
        %ge3A_498 = arith.cmpi sge, %sub3A_490, %ge3A_497 : i32
        %convert_element_type3A_499 = arith.extui %ge3A_498 : i1 to i32
        %cond3A_500 = arith.constant 0 : i32
        %cond3A_501 = arith.cmpi ne, %convert_element_type3A_499, %cond3A_500 : i32
        scf.if %cond3A_501 {
          %mul3A_518 = arith.constant 80 : i32
          %mul3A_519 = arith.muli %sub3A_490, %mul3A_518 : i32
          %dma_wait3A_520 = tpu.memref_slice %arg10[%mul3A_519] : memref<10000xi32, #tpu.memory_space<vmem>> -> memref<80xi32, #tpu.memory_space<vmem>>
          %dma_wait3A_521 = arith.constant 0 : i32
          %dma_wait3A_522 = arith.constant 0 : i32
          %dma_wait3A_523 = tpu.memref_slice %arg18[%dma_wait3A_521, %dma_wait3A_522] : memref<10000x128xbf16, #tpu.memory_space<vmem_shared>> -> memref<10000x128xbf16, #tpu.memory_space<vmem_shared>>
          tpu.wait_indirect_dma semaphore(%arg28 : memref<!tpu.dma_semaphore, #tpu.memory_space<semaphore_mem>>) src(%arg14 : memref<80x128xbf16, #tpu.memory_space<vmem>>) dst(%dma_wait3A_523 : memref<10000x128xbf16, #tpu.memory_space<vmem_shared>>)
        } else {
        }
        %mul3A_502 = arith.constant 80 : i32
        %mul3A_503 = arith.muli %add3A_488, %mul3A_502 : i32
        %dma_start3A_504 = tpu.memref_slice %arg10[%mul3A_503] : memref<10000xi32, #tpu.memory_space<vmem>> -> memref<80xi32, #tpu.memory_space<vmem>>
        %dma_start3A_505 = arith.constant 0 : i32
        %dma_start3A_506 = arith.constant 0 : i32
        %dma_start3A_507 = tpu.memref_slice %arg18[%dma_start3A_505, %dma_start3A_506] : memref<10000x128xbf16, #tpu.memory_space<vmem_shared>> -> memref<10000x128xbf16, #tpu.memory_space<vmem_shared>>
        tpu.enqueue_indirect_dma source(%arg15 : memref<80x128xbf16, #tpu.memory_space<vmem>>) target(%dma_start3A_507 : memref<10000x128xbf16, #tpu.memory_space<vmem_shared>>) offsets(%dma_start3A_504 : memref<80xi32, #tpu.memory_space<vmem>>) semaphore(%arg29 : memref<!tpu.dma_semaphore, #tpu.memory_space<semaphore_mem>>) {add = true}
        %ge3A_508 = arith.constant 0 : i32
        %ge3A_509 = arith.cmpi sge, %sub3A_490, %ge3A_508 : i32
        %add3A_510 = arith.constant 5 : i32
        %add3A_511 = arith.addi %sub3A_490, %add3A_510 : i32
        %lt3A_512 = arith.constant 125 : i32
        %lt3A_513 = arith.cmpi slt, %add3A_511, %lt3A_512 : i32
        %and3A_514 = arith.andi %ge3A_509, %lt3A_513 : i1
        %convert_element_type3A_515 = arith.extui %and3A_514 : i1 to i32
        %cond3A_516 = arith.constant 0 : i32
        %cond3A_517 = arith.cmpi ne, %convert_element_type3A_515, %cond3A_516 : i32
        scf.if %cond3A_517 {
          %add3A_518 = arith.constant 5 : i32
          %add3A_519 = arith.addi %sub3A_490, %add3A_518 : i32
          %mul3A_520 = arith.constant 80 : i32
          %mul3A_521 = arith.muli %add3A_519, %mul3A_520 : i32
          %dma_start3A_522 = tpu.memref_slice %arg9[%mul3A_521] : memref<10000xi32, #tpu.memory_space<vmem>> -> memref<80xi32, #tpu.memory_space<vmem>>
          %dma_start3A_523 = arith.constant 0 : i32
          %dma_start3A_524 = arith.constant 0 : i32
          %dma_start3A_525 = tpu.memref_slice %arg2[%dma_start3A_523, %dma_start3A_524] : memref<10000x128xbf16, #tpu.memory_space<hbm>> -> memref<10000x128xbf16, #tpu.memory_space<hbm>>
          tpu.enqueue_indirect_dma source(%dma_start3A_525 : memref<10000x128xbf16, #tpu.memory_space<hbm>>) target(%arg14 : memref<80x128xbf16, #tpu.memory_space<vmem>>) offsets(%dma_start3A_522 : memref<80xi32, #tpu.memory_space<vmem>>) semaphore(%arg23 : memref<!tpu.dma_semaphore, #tpu.memory_space<semaphore_mem>>)
        } else {
        }
      }
      %scan3A_350 = arith.constant 25 : i32
      %dma_wait3A_351 = arith.constant 9920 : i32
      %dma_wait3A_352 = tpu.memref_slice %arg10[%dma_wait3A_351] : memref<10000xi32, #tpu.memory_space<vmem>> -> memref<80xi32, #tpu.memory_space<vmem>>
      %dma_wait3A_353 = arith.constant 0 : i32
      %dma_wait3A_354 = arith.constant 0 : i32
      %dma_wait3A_355 = tpu.memref_slice %arg18[%dma_wait3A_353, %dma_wait3A_354] : memref<10000x128xbf16, #tpu.memory_space<vmem_shared>> -> memref<10000x128xbf16, #tpu.memory_space<vmem_shared>>
      tpu.wait_indirect_dma semaphore(%arg29 : memref<!tpu.dma_semaphore, #tpu.memory_space<semaphore_mem>>) src(%arg15 : memref<80x128xbf16, #tpu.memory_space<vmem>>) dst(%dma_wait3A_355 : memref<10000x128xbf16, #tpu.memory_space<vmem_shared>>)
    } else {
    }
    %eq3A_292 = arith.constant 1 : i32
    %eq3A_293 = arith.cmpi eq, %arg0, %eq3A_292 : i32
    %convert_element_type3A_294 = arith.extui %eq3A_293 : i1 to i32
    %cond3A_295 = arith.constant 0 : i32
    %cond3A_296 = arith.cmpi ne, %convert_element_type3A_294, %cond3A_295 : i32
    scf.if %cond3A_296 {
      %dma_start3A_314 = arith.constant 0 : i32
      %dma_start3A_315 = tpu.memref_slice %arg9[%dma_start3A_314] : memref<10000xi32, #tpu.memory_space<vmem>> -> memref<80xi32, #tpu.memory_space<vmem>>
      %dma_start3A_316 = arith.constant 0 : i32
      %dma_start3A_317 = arith.constant 0 : i32
      %dma_start3A_318 = tpu.memref_slice %arg3[%dma_start3A_316, %dma_start3A_317] : memref<10000x128xbf16, #tpu.memory_space<hbm>> -> memref<10000x128xbf16, #tpu.memory_space<hbm>>
      tpu.enqueue_indirect_dma source(%dma_start3A_318 : memref<10000x128xbf16, #tpu.memory_space<hbm>>) target(%arg11 : memref<80x128xbf16, #tpu.memory_space<vmem>>) offsets(%dma_start3A_315 : memref<80xi32, #tpu.memory_space<vmem>>) semaphore(%arg20 : memref<!tpu.dma_semaphore, #tpu.memory_space<semaphore_mem>>)
      %dma_start3A_319 = arith.constant 80 : i32
      %dma_start3A_320 = tpu.memref_slice %arg9[%dma_start3A_319] : memref<10000xi32, #tpu.memory_space<vmem>> -> memref<80xi32, #tpu.memory_space<vmem>>
      %dma_start3A_321 = arith.constant 0 : i32
      %dma_start3A_322 = arith.constant 0 : i32
      %dma_start3A_323 = tpu.memref_slice %arg3[%dma_start3A_321, %dma_start3A_322] : memref<10000x128xbf16, #tpu.memory_space<hbm>> -> memref<10000x128xbf16, #tpu.memory_space<hbm>>
      tpu.enqueue_indirect_dma source(%dma_start3A_323 : memref<10000x128xbf16, #tpu.memory_space<hbm>>) target(%arg12 : memref<80x128xbf16, #tpu.memory_space<vmem>>) offsets(%dma_start3A_320 : memref<80xi32, #tpu.memory_space<vmem>>) semaphore(%arg21 : memref<!tpu.dma_semaphore, #tpu.memory_space<semaphore_mem>>)
      %dma_start3A_324 = arith.constant 160 : i32
      %dma_start3A_325 = tpu.memref_slice %arg9[%dma_start3A_324] : memref<10000xi32, #tpu.memory_space<vmem>> -> memref<80xi32, #tpu.memory_space<vmem>>
      %dma_start3A_326 = arith.constant 0 : i32
      %dma_start3A_327 = arith.constant 0 : i32
      %dma_start3A_328 = tpu.memref_slice %arg3[%dma_start3A_326, %dma_start3A_327] : memref<10000x128xbf16, #tpu.memory_space<hbm>> -> memref<10000x128xbf16, #tpu.memory_space<hbm>>
      tpu.enqueue_indirect_dma source(%dma_start3A_328 : memref<10000x128xbf16, #tpu.memory_space<hbm>>) target(%arg13 : memref<80x128xbf16, #tpu.memory_space<vmem>>) offsets(%dma_start3A_325 : memref<80xi32, #tpu.memory_space<vmem>>) semaphore(%arg22 : memref<!tpu.dma_semaphore, #tpu.memory_space<semaphore_mem>>)
      %dma_start3A_329 = arith.constant 240 : i32
      %dma_start3A_330 = tpu.memref_slice %arg9[%dma_start3A_329] : memref<10000xi32, #tpu.memory_space<vmem>> -> memref<80xi32, #tpu.memory_space<vmem>>
      %dma_start3A_331 = arith.constant 0 : i32
      %dma_start3A_332 = arith.constant 0 : i32
      %dma_start3A_333 = tpu.memref_slice %arg3[%dma_start3A_331, %dma_start3A_332] : memref<10000x128xbf16, #tpu.memory_space<hbm>> -> memref<10000x128xbf16, #tpu.memory_space<hbm>>
      tpu.enqueue_indirect_dma source(%dma_start3A_333 : memref<10000x128xbf16, #tpu.memory_space<hbm>>) target(%arg14 : memref<80x128xbf16, #tpu.memory_space<vmem>>) offsets(%dma_start3A_330 : memref<80xi32, #tpu.memory_space<vmem>>) semaphore(%arg23 : memref<!tpu.dma_semaphore, #tpu.memory_space<semaphore_mem>>)
      %dma_start3A_334 = arith.constant 320 : i32
      %dma_start3A_335 = tpu.memref_slice %arg9[%dma_start3A_334] : memref<10000xi32, #tpu.memory_space<vmem>> -> memref<80xi32, #tpu.memory_space<vmem>>
      %dma_start3A_336 = arith.constant 0 : i32
      %dma_start3A_337 = arith.constant 0 : i32
      %dma_start3A_338 = tpu.memref_slice %arg3[%dma_start3A_336, %dma_start3A_337] : memref<10000x128xbf16, #tpu.memory_space<hbm>> -> memref<10000x128xbf16, #tpu.memory_space<hbm>>
      tpu.enqueue_indirect_dma source(%dma_start3A_338 : memref<10000x128xbf16, #tpu.memory_space<hbm>>) target(%arg15 : memref<80x128xbf16, #tpu.memory_space<vmem>>) offsets(%dma_start3A_335 : memref<80xi32, #tpu.memory_space<vmem>>) semaphore(%arg24 : memref<!tpu.dma_semaphore, #tpu.memory_space<semaphore_mem>>)
      %scan3A_339 = arith.constant 0 : i32
      %scan3A_340 = arith.constant 0 : i32
      %scan3A_341 = arith.constant 625 : i32
      %scan3A_342 = arith.addi %scan3A_340, %scan3A_341 : i32
      %scan3A_343 = arith.constant 1 : i32
      scf.for %scan3A_356 = %scan3A_340 to %scan3A_342 step %scan3A_343  : i32 {
        %mul3A_357 = arith.constant 16 : i32
        %mul3A_358 = arith.muli %scan3A_356, %mul3A_357 : i32
        %get3A = arith.index_cast %mul3A_358 : i32 to index
        %get3A_359 = tpu.vector_load %arg10[%get3A] {strides = array<i32>} : memref<10000xi32, #tpu.memory_space<vmem>>, vector<16xi32>,
        %shift_right_logical3A = arith.constant 7 : i32
        %shift_right_logical3A_360 = vector.broadcast %shift_right_logical3A : i32 to vector<16xi32>
        %shift_right_logical3A_361 = arith.shrui %get3A_359, %shift_right_logical3A_360 : vector<16xi32>
        %and3A = arith.constant 127 : i32
        %and3A_362 = vector.broadcast %and3A : i32 to vector<16xi32>
        %and3A_363 = arith.andi %get3A_359, %and3A_362 : vector<16xi32>
        tpu.vector_store_idx %arg16[%shift_right_logical3A_361, %and3A_363], %broadcast_in_dim3A_2 {add = true} : memref<80x128xf32, #tpu.memory_space<vmem>>[vector<16xi32>, vector<16xi32>], vector<16xf32>,
      }
      %scan3A_344 = arith.constant 625 : i32
      %scan3A_345 = arith.constant 0 : i32
      %scan3A_346 = arith.constant 0 : i32
      %scan3A_347 = arith.constant 25 : i32
      %scan3A_348 = arith.addi %scan3A_346, %scan3A_347 : i32
      %scan3A_349 = arith.constant 1 : i32
      scf.for %scan3A_356 = %scan3A_346 to %scan3A_348 step %scan3A_349  : i32 {
        %mul3A_357 = arith.constant 5 : i32
        %mul3A_358 = arith.muli %mul3A_357, %scan3A_356 : i32
        %add3A_359 = arith.constant 0 : i32
        %add3A_360 = arith.addi %mul3A_358, %add3A_359 : i32
        %sub3A = arith.constant 1 : i32
        %sub3A_361 = arith.subi %add3A_360, %sub3A : i32
        %mul3A_362 = arith.constant 80 : i32
        %mul3A_363 = arith.muli %add3A_360, %mul3A_362 : i32
        %dma_wait3A_364 = tpu.memref_slice %arg9[%mul3A_363] : memref<10000xi32, #tpu.memory_space<vmem>> -> memref<80xi32, #tpu.memory_space<vmem>>
        %dma_wait3A_365 = arith.constant 0 : i32
        %dma_wait3A_366 = arith.constant 0 : i32
        %dma_wait3A_367 = tpu.memref_slice %arg3[%dma_wait3A_365, %dma_wait3A_366] : memref<10000x128xbf16, #tpu.memory_space<hbm>> -> memref<10000x128xbf16, #tpu.memory_space<hbm>>
        tpu.wait_indirect_dma semaphore(%arg20 : memref<!tpu.dma_semaphore, #tpu.memory_space<semaphore_mem>>) src(%dma_wait3A_367 : memref<10000x128xbf16, #tpu.memory_space<hbm>>) dst(%arg11 : memref<80x128xbf16, #tpu.memory_space<vmem>>)
        %ge3A = arith.constant 0 : i32
        %ge3A_368 = arith.cmpi sge, %sub3A_361, %ge3A : i32
        %convert_element_type3A_369 = arith.extui %ge3A_368 : i1 to i32
        %cond3A_370 = arith.constant 0 : i32
        %cond3A_371 = arith.cmpi ne, %convert_element_type3A_369, %cond3A_370 : i32
        scf.if %cond3A_371 {
          %mul3A_518 = arith.constant 80 : i32
          %mul3A_519 = arith.muli %sub3A_361, %mul3A_518 : i32
          %dma_wait3A_520 = tpu.memref_slice %arg10[%mul3A_519] : memref<10000xi32, #tpu.memory_space<vmem>> -> memref<80xi32, #tpu.memory_space<vmem>>
          %dma_wait3A_521 = arith.constant 0 : i32
          %dma_wait3A_522 = arith.constant 0 : i32
          %dma_wait3A_523 = tpu.memref_slice %arg18[%dma_wait3A_521, %dma_wait3A_522] : memref<10000x128xbf16, #tpu.memory_space<vmem_shared>> -> memref<10000x128xbf16, #tpu.memory_space<vmem_shared>>
          tpu.wait_indirect_dma semaphore(%arg29 : memref<!tpu.dma_semaphore, #tpu.memory_space<semaphore_mem>>) src(%arg15 : memref<80x128xbf16, #tpu.memory_space<vmem>>) dst(%dma_wait3A_523 : memref<10000x128xbf16, #tpu.memory_space<vmem_shared>>)
        } else {
        }
        %mul3A_372 = arith.constant 80 : i32
        %mul3A_373 = arith.muli %add3A_360, %mul3A_372 : i32
        %dma_start3A_374 = tpu.memref_slice %arg10[%mul3A_373] : memref<10000xi32, #tpu.memory_space<vmem>> -> memref<80xi32, #tpu.memory_space<vmem>>
        %dma_start3A_375 = arith.constant 0 : i32
        %dma_start3A_376 = arith.constant 0 : i32
        %dma_start3A_377 = tpu.memref_slice %arg18[%dma_start3A_375, %dma_start3A_376] : memref<10000x128xbf16, #tpu.memory_space<vmem_shared>> -> memref<10000x128xbf16, #tpu.memory_space<vmem_shared>>
        tpu.enqueue_indirect_dma source(%arg11 : memref<80x128xbf16, #tpu.memory_space<vmem>>) target(%dma_start3A_377 : memref<10000x128xbf16, #tpu.memory_space<vmem_shared>>) offsets(%dma_start3A_374 : memref<80xi32, #tpu.memory_space<vmem>>) semaphore(%arg25 : memref<!tpu.dma_semaphore, #tpu.memory_space<semaphore_mem>>) {add = true}
        %ge3A_378 = arith.constant 0 : i32
        %ge3A_379 = arith.cmpi sge, %sub3A_361, %ge3A_378 : i32
        %add3A_380 = arith.constant 5 : i32
        %add3A_381 = arith.addi %sub3A_361, %add3A_380 : i32
        %lt3A = arith.constant 125 : i32
        %lt3A_382 = arith.cmpi slt, %add3A_381, %lt3A : i32
        %and3A = arith.andi %ge3A_379, %lt3A_382 : i1
        %convert_element_type3A_383 = arith.extui %and3A : i1 to i32
        %cond3A_384 = arith.constant 0 : i32
        %cond3A_385 = arith.cmpi ne, %convert_element_type3A_383, %cond3A_384 : i32
        scf.if %cond3A_385 {
          %add3A_518 = arith.constant 5 : i32
          %add3A_519 = arith.addi %sub3A_361, %add3A_518 : i32
          %mul3A_520 = arith.constant 80 : i32
          %mul3A_521 = arith.muli %add3A_519, %mul3A_520 : i32
          %dma_start3A_522 = tpu.memref_slice %arg9[%mul3A_521] : memref<10000xi32, #tpu.memory_space<vmem>> -> memref<80xi32, #tpu.memory_space<vmem>>
          %dma_start3A_523 = arith.constant 0 : i32
          %dma_start3A_524 = arith.constant 0 : i32
          %dma_start3A_525 = tpu.memref_slice %arg3[%dma_start3A_523, %dma_start3A_524] : memref<10000x128xbf16, #tpu.memory_space<hbm>> -> memref<10000x128xbf16, #tpu.memory_space<hbm>>
          tpu.enqueue_indirect_dma source(%dma_start3A_525 : memref<10000x128xbf16, #tpu.memory_space<hbm>>) target(%arg15 : memref<80x128xbf16, #tpu.memory_space<vmem>>) offsets(%dma_start3A_522 : memref<80xi32, #tpu.memory_space<vmem>>) semaphore(%arg24 : memref<!tpu.dma_semaphore, #tpu.memory_space<semaphore_mem>>)
        } else {
        }
        %mul3A_386 = arith.constant 5 : i32
        %mul3A_387 = arith.muli %mul3A_386, %scan3A_356 : i32
        %add3A_388 = arith.constant 1 : i32
        %add3A_389 = arith.addi %mul3A_387, %add3A_388 : i32
        %sub3A_390 = arith.constant 1 : i32
        %sub3A_391 = arith.subi %add3A_389, %sub3A_390 : i32
        %mul3A_392 = arith.constant 80 : i32
        %mul3A_393 = arith.muli %add3A_389, %mul3A_392 : i32
        %dma_wait3A_394 = tpu.memref_slice %arg9[%mul3A_393] : memref<10000xi32, #tpu.memory_space<vmem>> -> memref<80xi32, #tpu.memory_space<vmem>>
        %dma_wait3A_395 = arith.constant 0 : i32
        %dma_wait3A_396 = arith.constant 0 : i32
        %dma_wait3A_397 = tpu.memref_slice %arg3[%dma_wait3A_395, %dma_wait3A_396] : memref<10000x128xbf16, #tpu.memory_space<hbm>> -> memref<10000x128xbf16, #tpu.memory_space<hbm>>
        tpu.wait_indirect_dma semaphore(%arg21 : memref<!tpu.dma_semaphore, #tpu.memory_space<semaphore_mem>>) src(%dma_wait3A_397 : memref<10000x128xbf16, #tpu.memory_space<hbm>>) dst(%arg12 : memref<80x128xbf16, #tpu.memory_space<vmem>>)
        %ge3A_398 = arith.constant 0 : i32
        %ge3A_399 = arith.cmpi sge, %sub3A_391, %ge3A_398 : i32
        %convert_element_type3A_400 = arith.extui %ge3A_399 : i1 to i32
        %cond3A_401 = arith.constant 0 : i32
        %cond3A_402 = arith.cmpi ne, %convert_element_type3A_400, %cond3A_401 : i32
        scf.if %cond3A_402 {
          %mul3A_518 = arith.constant 80 : i32
          %mul3A_519 = arith.muli %sub3A_391, %mul3A_518 : i32
          %dma_wait3A_520 = tpu.memref_slice %arg10[%mul3A_519] : memref<10000xi32, #tpu.memory_space<vmem>> -> memref<80xi32, #tpu.memory_space<vmem>>
          %dma_wait3A_521 = arith.constant 0 : i32
          %dma_wait3A_522 = arith.constant 0 : i32
          %dma_wait3A_523 = tpu.memref_slice %arg18[%dma_wait3A_521, %dma_wait3A_522] : memref<10000x128xbf16, #tpu.memory_space<vmem_shared>> -> memref<10000x128xbf16, #tpu.memory_space<vmem_shared>>
          tpu.wait_indirect_dma semaphore(%arg25 : memref<!tpu.dma_semaphore, #tpu.memory_space<semaphore_mem>>) src(%arg11 : memref<80x128xbf16, #tpu.memory_space<vmem>>) dst(%dma_wait3A_523 : memref<10000x128xbf16, #tpu.memory_space<vmem_shared>>)
        } else {
        }
        %mul3A_403 = arith.constant 80 : i32
        %mul3A_404 = arith.muli %add3A_389, %mul3A_403 : i32
        %dma_start3A_405 = tpu.memref_slice %arg10[%mul3A_404] : memref<10000xi32, #tpu.memory_space<vmem>> -> memref<80xi32, #tpu.memory_space<vmem>>
        %dma_start3A_406 = arith.constant 0 : i32
        %dma_start3A_407 = arith.constant 0 : i32
        %dma_start3A_408 = tpu.memref_slice %arg18[%dma_start3A_406, %dma_start3A_407] : memref<10000x128xbf16, #tpu.memory_space<vmem_shared>> -> memref<10000x128xbf16, #tpu.memory_space<vmem_shared>>
        tpu.enqueue_indirect_dma source(%arg12 : memref<80x128xbf16, #tpu.memory_space<vmem>>) target(%dma_start3A_408 : memref<10000x128xbf16, #tpu.memory_space<vmem_shared>>) offsets(%dma_start3A_405 : memref<80xi32, #tpu.memory_space<vmem>>) semaphore(%arg26 : memref<!tpu.dma_semaphore, #tpu.memory_space<semaphore_mem>>) {add = true}
        %ge3A_409 = arith.constant 0 : i32
        %ge3A_410 = arith.cmpi sge, %sub3A_391, %ge3A_409 : i32
        %add3A_411 = arith.constant 5 : i32
        %add3A_412 = arith.addi %sub3A_391, %add3A_411 : i32
        %lt3A_413 = arith.constant 125 : i32
        %lt3A_414 = arith.cmpi slt, %add3A_412, %lt3A_413 : i32
        %and3A_415 = arith.andi %ge3A_410, %lt3A_414 : i1
        %convert_element_type3A_416 = arith.extui %and3A_415 : i1 to i32
        %cond3A_417 = arith.constant 0 : i32
        %cond3A_418 = arith.cmpi ne, %convert_element_type3A_416, %cond3A_417 : i32
        scf.if %cond3A_418 {
          %add3A_518 = arith.constant 5 : i32
          %add3A_519 = arith.addi %sub3A_391, %add3A_518 : i32
          %mul3A_520 = arith.constant 80 : i32
          %mul3A_521 = arith.muli %add3A_519, %mul3A_520 : i32
          %dma_start3A_522 = tpu.memref_slice %arg9[%mul3A_521] : memref<10000xi32, #tpu.memory_space<vmem>> -> memref<80xi32, #tpu.memory_space<vmem>>
          %dma_start3A_523 = arith.constant 0 : i32
          %dma_start3A_524 = arith.constant 0 : i32
          %dma_start3A_525 = tpu.memref_slice %arg3[%dma_start3A_523, %dma_start3A_524] : memref<10000x128xbf16, #tpu.memory_space<hbm>> -> memref<10000x128xbf16, #tpu.memory_space<hbm>>
          tpu.enqueue_indirect_dma source(%dma_start3A_525 : memref<10000x128xbf16, #tpu.memory_space<hbm>>) target(%arg11 : memref<80x128xbf16, #tpu.memory_space<vmem>>) offsets(%dma_start3A_522 : memref<80xi32, #tpu.memory_space<vmem>>) semaphore(%arg20 : memref<!tpu.dma_semaphore, #tpu.memory_space<semaphore_mem>>)
        } else {
        }
        %mul3A_419 = arith.constant 5 : i32
        %mul3A_420 = arith.muli %mul3A_419, %scan3A_356 : i32
        %add3A_421 = arith.constant 2 : i32
        %add3A_422 = arith.addi %mul3A_420, %add3A_421 : i32
        %sub3A_423 = arith.constant 1 : i32
        %sub3A_424 = arith.subi %add3A_422, %sub3A_423 : i32
        %mul3A_425 = arith.constant 80 : i32
        %mul3A_426 = arith.muli %add3A_422, %mul3A_425 : i32
        %dma_wait3A_427 = tpu.memref_slice %arg9[%mul3A_426] : memref<10000xi32, #tpu.memory_space<vmem>> -> memref<80xi32, #tpu.memory_space<vmem>>
        %dma_wait3A_428 = arith.constant 0 : i32
        %dma_wait3A_429 = arith.constant 0 : i32
        %dma_wait3A_430 = tpu.memref_slice %arg3[%dma_wait3A_428, %dma_wait3A_429] : memref<10000x128xbf16, #tpu.memory_space<hbm>> -> memref<10000x128xbf16, #tpu.memory_space<hbm>>
        tpu.wait_indirect_dma semaphore(%arg22 : memref<!tpu.dma_semaphore, #tpu.memory_space<semaphore_mem>>) src(%dma_wait3A_430 : memref<10000x128xbf16, #tpu.memory_space<hbm>>) dst(%arg13 : memref<80x128xbf16, #tpu.memory_space<vmem>>)
        %ge3A_431 = arith.constant 0 : i32
        %ge3A_432 = arith.cmpi sge, %sub3A_424, %ge3A_431 : i32
        %convert_element_type3A_433 = arith.extui %ge3A_432 : i1 to i32
        %cond3A_434 = arith.constant 0 : i32
        %cond3A_435 = arith.cmpi ne, %convert_element_type3A_433, %cond3A_434 : i32
        scf.if %cond3A_435 {
          %mul3A_518 = arith.constant 80 : i32
          %mul3A_519 = arith.muli %sub3A_424, %mul3A_518 : i32
          %dma_wait3A_520 = tpu.memref_slice %arg10[%mul3A_519] : memref<10000xi32, #tpu.memory_space<vmem>> -> memref<80xi32, #tpu.memory_space<vmem>>
          %dma_wait3A_521 = arith.constant 0 : i32
          %dma_wait3A_522 = arith.constant 0 : i32
          %dma_wait3A_523 = tpu.memref_slice %arg18[%dma_wait3A_521, %dma_wait3A_522] : memref<10000x128xbf16, #tpu.memory_space<vmem_shared>> -> memref<10000x128xbf16, #tpu.memory_space<vmem_shared>>
          tpu.wait_indirect_dma semaphore(%arg26 : memref<!tpu.dma_semaphore, #tpu.memory_space<semaphore_mem>>) src(%arg12 : memref<80x128xbf16, #tpu.memory_space<vmem>>) dst(%dma_wait3A_523 : memref<10000x128xbf16, #tpu.memory_space<vmem_shared>>)
        } else {
        }
        %mul3A_436 = arith.constant 80 : i32
        %mul3A_437 = arith.muli %add3A_422, %mul3A_436 : i32
        %dma_start3A_438 = tpu.memref_slice %arg10[%mul3A_437] : memref<10000xi32, #tpu.memory_space<vmem>> -> memref<80xi32, #tpu.memory_space<vmem>>
        %dma_start3A_439 = arith.constant 0 : i32
        %dma_start3A_440 = arith.constant 0 : i32
        %dma_start3A_441 = tpu.memref_slice %arg18[%dma_start3A_439, %dma_start3A_440] : memref<10000x128xbf16, #tpu.memory_space<vmem_shared>> -> memref<10000x128xbf16, #tpu.memory_space<vmem_shared>>
        tpu.enqueue_indirect_dma source(%arg13 : memref<80x128xbf16, #tpu.memory_space<vmem>>) target(%dma_start3A_441 : memref<10000x128xbf16, #tpu.memory_space<vmem_shared>>) offsets(%dma_start3A_438 : memref<80xi32, #tpu.memory_space<vmem>>) semaphore(%arg27 : memref<!tpu.dma_semaphore, #tpu.memory_space<semaphore_mem>>) {add = true}
        %ge3A_442 = arith.constant 0 : i32
        %ge3A_443 = arith.cmpi sge, %sub3A_424, %ge3A_442 : i32
        %add3A_444 = arith.constant 5 : i32
        %add3A_445 = arith.addi %sub3A_424, %add3A_444 : i32
        %lt3A_446 = arith.constant 125 : i32
        %lt3A_447 = arith.cmpi slt, %add3A_445, %lt3A_446 : i32
        %and3A_448 = arith.andi %ge3A_443, %lt3A_447 : i1
        %convert_element_type3A_449 = arith.extui %and3A_448 : i1 to i32
        %cond3A_450 = arith.constant 0 : i32
        %cond3A_451 = arith.cmpi ne, %convert_element_type3A_449, %cond3A_450 : i32
        scf.if %cond3A_451 {
          %add3A_518 = arith.constant 5 : i32
          %add3A_519 = arith.addi %sub3A_424, %add3A_518 : i32
          %mul3A_520 = arith.constant 80 : i32
          %mul3A_521 = arith.muli %add3A_519, %mul3A_520 : i32
          %dma_start3A_522 = tpu.memref_slice %arg9[%mul3A_521] : memref<10000xi32, #tpu.memory_space<vmem>> -> memref<80xi32, #tpu.memory_space<vmem>>
          %dma_start3A_523 = arith.constant 0 : i32
          %dma_start3A_524 = arith.constant 0 : i32
          %dma_start3A_525 = tpu.memref_slice %arg3[%dma_start3A_523, %dma_start3A_524] : memref<10000x128xbf16, #tpu.memory_space<hbm>> -> memref<10000x128xbf16, #tpu.memory_space<hbm>>
          tpu.enqueue_indirect_dma source(%dma_start3A_525 : memref<10000x128xbf16, #tpu.memory_space<hbm>>) target(%arg12 : memref<80x128xbf16, #tpu.memory_space<vmem>>) offsets(%dma_start3A_522 : memref<80xi32, #tpu.memory_space<vmem>>) semaphore(%arg21 : memref<!tpu.dma_semaphore, #tpu.memory_space<semaphore_mem>>)
        } else {
        }
        %mul3A_452 = arith.constant 5 : i32
        %mul3A_453 = arith.muli %mul3A_452, %scan3A_356 : i32
        %add3A_454 = arith.constant 3 : i32
        %add3A_455 = arith.addi %mul3A_453, %add3A_454 : i32
        %sub3A_456 = arith.constant 1 : i32
        %sub3A_457 = arith.subi %add3A_455, %sub3A_456 : i32
        %mul3A_458 = arith.constant 80 : i32
        %mul3A_459 = arith.muli %add3A_455, %mul3A_458 : i32
        %dma_wait3A_460 = tpu.memref_slice %arg9[%mul3A_459] : memref<10000xi32, #tpu.memory_space<vmem>> -> memref<80xi32, #tpu.memory_space<vmem>>
        %dma_wait3A_461 = arith.constant 0 : i32
        %dma_wait3A_462 = arith.constant 0 : i32
        %dma_wait3A_463 = tpu.memref_slice %arg3[%dma_wait3A_461, %dma_wait3A_462] : memref<10000x128xbf16, #tpu.memory_space<hbm>> -> memref<10000x128xbf16, #tpu.memory_space<hbm>>
        tpu.wait_indirect_dma semaphore(%arg23 : memref<!tpu.dma_semaphore, #tpu.memory_space<semaphore_mem>>) src(%dma_wait3A_463 : memref<10000x128xbf16, #tpu.memory_space<hbm>>) dst(%arg14 : memref<80x128xbf16, #tpu.memory_space<vmem>>)
        %ge3A_464 = arith.constant 0 : i32
        %ge3A_465 = arith.cmpi sge, %sub3A_457, %ge3A_464 : i32
        %convert_element_type3A_466 = arith.extui %ge3A_465 : i1 to i32
        %cond3A_467 = arith.constant 0 : i32
        %cond3A_468 = arith.cmpi ne, %convert_element_type3A_466, %cond3A_467 : i32
        scf.if %cond3A_468 {
          %mul3A_518 = arith.constant 80 : i32
          %mul3A_519 = arith.muli %sub3A_457, %mul3A_518 : i32
          %dma_wait3A_520 = tpu.memref_slice %arg10[%mul3A_519] : memref<10000xi32, #tpu.memory_space<vmem>> -> memref<80xi32, #tpu.memory_space<vmem>>
          %dma_wait3A_521 = arith.constant 0 : i32
          %dma_wait3A_522 = arith.constant 0 : i32
          %dma_wait3A_523 = tpu.memref_slice %arg18[%dma_wait3A_521, %dma_wait3A_522] : memref<10000x128xbf16, #tpu.memory_space<vmem_shared>> -> memref<10000x128xbf16, #tpu.memory_space<vmem_shared>>
          tpu.wait_indirect_dma semaphore(%arg27 : memref<!tpu.dma_semaphore, #tpu.memory_space<semaphore_mem>>) src(%arg13 : memref<80x128xbf16, #tpu.memory_space<vmem>>) dst(%dma_wait3A_523 : memref<10000x128xbf16, #tpu.memory_space<vmem_shared>>)
        } else {
        }
        %mul3A_469 = arith.constant 80 : i32
        %mul3A_470 = arith.muli %add3A_455, %mul3A_469 : i32
        %dma_start3A_471 = tpu.memref_slice %arg10[%mul3A_470] : memref<10000xi32, #tpu.memory_space<vmem>> -> memref<80xi32, #tpu.memory_space<vmem>>
        %dma_start3A_472 = arith.constant 0 : i32
        %dma_start3A_473 = arith.constant 0 : i32
        %dma_start3A_474 = tpu.memref_slice %arg18[%dma_start3A_472, %dma_start3A_473] : memref<10000x128xbf16, #tpu.memory_space<vmem_shared>> -> memref<10000x128xbf16, #tpu.memory_space<vmem_shared>>
        tpu.enqueue_indirect_dma source(%arg14 : memref<80x128xbf16, #tpu.memory_space<vmem>>) target(%dma_start3A_474 : memref<10000x128xbf16, #tpu.memory_space<vmem_shared>>) offsets(%dma_start3A_471 : memref<80xi32, #tpu.memory_space<vmem>>) semaphore(%arg28 : memref<!tpu.dma_semaphore, #tpu.memory_space<semaphore_mem>>) {add = true}
        %ge3A_475 = arith.constant 0 : i32
        %ge3A_476 = arith.cmpi sge, %sub3A_457, %ge3A_475 : i32
        %add3A_477 = arith.constant 5 : i32
        %add3A_478 = arith.addi %sub3A_457, %add3A_477 : i32
        %lt3A_479 = arith.constant 125 : i32
        %lt3A_480 = arith.cmpi slt, %add3A_478, %lt3A_479 : i32
        %and3A_481 = arith.andi %ge3A_476, %lt3A_480 : i1
        %convert_element_type3A_482 = arith.extui %and3A_481 : i1 to i32
        %cond3A_483 = arith.constant 0 : i32
        %cond3A_484 = arith.cmpi ne, %convert_element_type3A_482, %cond3A_483 : i32
        scf.if %cond3A_484 {
          %add3A_518 = arith.constant 5 : i32
          %add3A_519 = arith.addi %sub3A_457, %add3A_518 : i32
          %mul3A_520 = arith.constant 80 : i32
          %mul3A_521 = arith.muli %add3A_519, %mul3A_520 : i32
          %dma_start3A_522 = tpu.memref_slice %arg9[%mul3A_521] : memref<10000xi32, #tpu.memory_space<vmem>> -> memref<80xi32, #tpu.memory_space<vmem>>
          %dma_start3A_523 = arith.constant 0 : i32
          %dma_start3A_524 = arith.constant 0 : i32
          %dma_start3A_525 = tpu.memref_slice %arg3[%dma_start3A_523, %dma_start3A_524] : memref<10000x128xbf16, #tpu.memory_space<hbm>> -> memref<10000x128xbf16, #tpu.memory_space<hbm>>
          tpu.enqueue_indirect_dma source(%dma_start3A_525 : memref<10000x128xbf16, #tpu.memory_space<hbm>>) target(%arg13 : memref<80x128xbf16, #tpu.memory_space<vmem>>) offsets(%dma_start3A_522 : memref<80xi32, #tpu.memory_space<vmem>>) semaphore(%arg22 : memref<!tpu.dma_semaphore, #tpu.memory_space<semaphore_mem>>)
        } else {
        }
        %mul3A_485 = arith.constant 5 : i32
        %mul3A_486 = arith.muli %mul3A_485, %scan3A_356 : i32
        %add3A_487 = arith.constant 4 : i32
        %add3A_488 = arith.addi %mul3A_486, %add3A_487 : i32
        %sub3A_489 = arith.constant 1 : i32
        %sub3A_490 = arith.subi %add3A_488, %sub3A_489 : i32
        %mul3A_491 = arith.constant 80 : i32
        %mul3A_492 = arith.muli %add3A_488, %mul3A_491 : i32
        %dma_wait3A_493 = tpu.memref_slice %arg9[%mul3A_492] : memref<10000xi32, #tpu.memory_space<vmem>> -> memref<80xi32, #tpu.memory_space<vmem>>
        %dma_wait3A_494 = arith.constant 0 : i32
        %dma_wait3A_495 = arith.constant 0 : i32
        %dma_wait3A_496 = tpu.memref_slice %arg3[%dma_wait3A_494, %dma_wait3A_495] : memref<10000x128xbf16, #tpu.memory_space<hbm>> -> memref<10000x128xbf16, #tpu.memory_space<hbm>>
        tpu.wait_indirect_dma semaphore(%arg24 : memref<!tpu.dma_semaphore, #tpu.memory_space<semaphore_mem>>) src(%dma_wait3A_496 : memref<10000x128xbf16, #tpu.memory_space<hbm>>) dst(%arg15 : memref<80x128xbf16, #tpu.memory_space<vmem>>)
        %ge3A_497 = arith.constant 0 : i32
        %ge3A_498 = arith.cmpi sge, %sub3A_490, %ge3A_497 : i32
        %convert_element_type3A_499 = arith.extui %ge3A_498 : i1 to i32
        %cond3A_500 = arith.constant 0 : i32
        %cond3A_501 = arith.cmpi ne, %convert_element_type3A_499, %cond3A_500 : i32
        scf.if %cond3A_501 {
          %mul3A_518 = arith.constant 80 : i32
          %mul3A_519 = arith.muli %sub3A_490, %mul3A_518 : i32
          %dma_wait3A_520 = tpu.memref_slice %arg10[%mul3A_519] : memref<10000xi32, #tpu.memory_space<vmem>> -> memref<80xi32, #tpu.memory_space<vmem>>
          %dma_wait3A_521 = arith.constant 0 : i32
          %dma_wait3A_522 = arith.constant 0 : i32
          %dma_wait3A_523 = tpu.memref_slice %arg18[%dma_wait3A_521, %dma_wait3A_522] : memref<10000x128xbf16, #tpu.memory_space<vmem_shared>> -> memref<10000x128xbf16, #tpu.memory_space<vmem_shared>>
          tpu.wait_indirect_dma semaphore(%arg28 : memref<!tpu.dma_semaphore, #tpu.memory_space<semaphore_mem>>) src(%arg14 : memref<80x128xbf16, #tpu.memory_space<vmem>>) dst(%dma_wait3A_523 : memref<10000x128xbf16, #tpu.memory_space<vmem_shared>>)
        } else {
        }
        %mul3A_502 = arith.constant 80 : i32
        %mul3A_503 = arith.muli %add3A_488, %mul3A_502 : i32
        %dma_start3A_504 = tpu.memref_slice %arg10[%mul3A_503] : memref<10000xi32, #tpu.memory_space<vmem>> -> memref<80xi32, #tpu.memory_space<vmem>>
        %dma_start3A_505 = arith.constant 0 : i32
        %dma_start3A_506 = arith.constant 0 : i32
        %dma_start3A_507 = tpu.memref_slice %arg18[%dma_start3A_505, %dma_start3A_506] : memref<10000x128xbf16, #tpu.memory_space<vmem_shared>> -> memref<10000x128xbf16, #tpu.memory_space<vmem_shared>>
        tpu.enqueue_indirect_dma source(%arg15 : memref<80x128xbf16, #tpu.memory_space<vmem>>) target(%dma_start3A_507 : memref<10000x128xbf16, #tpu.memory_space<vmem_shared>>) offsets(%dma_start3A_504 : memref<80xi32, #tpu.memory_space<vmem>>) semaphore(%arg29 : memref<!tpu.dma_semaphore, #tpu.memory_space<semaphore_mem>>) {add = true}
        %ge3A_508 = arith.constant 0 : i32
        %ge3A_509 = arith.cmpi sge, %sub3A_490, %ge3A_508 : i32
        %add3A_510 = arith.constant 5 : i32
        %add3A_511 = arith.addi %sub3A_490, %add3A_510 : i32
        %lt3A_512 = arith.constant 125 : i32
        %lt3A_513 = arith.cmpi slt, %add3A_511, %lt3A_512 : i32
        %and3A_514 = arith.andi %ge3A_509, %lt3A_513 : i1
        %convert_element_type3A_515 = arith.extui %and3A_514 : i1 to i32
        %cond3A_516 = arith.constant 0 : i32
        %cond3A_517 = arith.cmpi ne, %convert_element_type3A_515, %cond3A_516 : i32
        scf.if %cond3A_517 {
          %add3A_518 = arith.constant 5 : i32
          %add3A_519 = arith.addi %sub3A_490, %add3A_518 : i32
          %mul3A_520 = arith.constant 80 : i32
          %mul3A_521 = arith.muli %add3A_519, %mul3A_520 : i32
          %dma_start3A_522 = tpu.memref_slice %arg9[%mul3A_521] : memref<10000xi32, #tpu.memory_space<vmem>> -> memref<80xi32, #tpu.memory_space<vmem>>
          %dma_start3A_523 = arith.constant 0 : i32
          %dma_start3A_524 = arith.constant 0 : i32
          %dma_start3A_525 = tpu.memref_slice %arg3[%dma_start3A_523, %dma_start3A_524] : memref<10000x128xbf16, #tpu.memory_space<hbm>> -> memref<10000x128xbf16, #tpu.memory_space<hbm>>
          tpu.enqueue_indirect_dma source(%dma_start3A_525 : memref<10000x128xbf16, #tpu.memory_space<hbm>>) target(%arg14 : memref<80x128xbf16, #tpu.memory_space<vmem>>) offsets(%dma_start3A_522 : memref<80xi32, #tpu.memory_space<vmem>>) semaphore(%arg23 : memref<!tpu.dma_semaphore, #tpu.memory_space<semaphore_mem>>)
        } else {
        }
      }
      %scan3A_350 = arith.constant 25 : i32
      %dma_wait3A_351 = arith.constant 9920 : i32
      %dma_wait3A_352 = tpu.memref_slice %arg10[%dma_wait3A_351] : memref<10000xi32, #tpu.memory_space<vmem>> -> memref<80xi32, #tpu.memory_space<vmem>>
      %dma_wait3A_353 = arith.constant 0 : i32
      %dma_wait3A_354 = arith.constant 0 : i32
      %dma_wait3A_355 = tpu.memref_slice %arg18[%dma_wait3A_353, %dma_wait3A_354] : memref<10000x128xbf16, #tpu.memory_space<vmem_shared>> -> memref<10000x128xbf16, #tpu.memory_space<vmem_shared>>
      tpu.wait_indirect_dma semaphore(%arg29 : memref<!tpu.dma_semaphore, #tpu.memory_space<semaphore_mem>>) src(%arg15 : memref<80x128xbf16, #tpu.memory_space<vmem>>) dst(%dma_wait3A_355 : memref<10000x128xbf16, #tpu.memory_space<vmem_shared>>)
    } else {
    }
    %barrier3A_297 = arith.constant 0 : index
    tpu.barrier barrier_id(%barrier3A_297)
    "tpu.region"() ({
      %run_scoped3A = tpu.sem_alloc : memref<!tpu.dma_semaphore, #tpu.memory_space<semaphore_mem>>
      %dma_start3A_314 = arith.constant 0 : i32
      %dma_start3A_315 = arith.constant 0 : i32
      %dma_start3A_316 = tpu.memref_slice %arg19[%dma_start3A_314, %dma_start3A_315] : memref<80x128xf32, #tpu.memory_space<vmem_shared>> -> memref<80x128xf32, #tpu.memory_space<vmem_shared>>
      tpu.enqueue_indirect_dma source(%arg16 : memref<80x128xf32, #tpu.memory_space<vmem>>) target(%dma_start3A_316 : memref<80x128xf32, #tpu.memory_space<vmem_shared>>) offsets(%arg17 : memref<80xi32, #tpu.memory_space<vmem>>) semaphore(%run_scoped3A : memref<!tpu.dma_semaphore, #tpu.memory_space<semaphore_mem>>) {add = true}
      %dma_wait3A_317 = arith.constant 0 : i32
      %dma_wait3A_318 = arith.constant 0 : i32
      %dma_wait3A_319 = tpu.memref_slice %arg19[%dma_wait3A_317, %dma_wait3A_318] : memref<80x128xf32, #tpu.memory_space<vmem_shared>> -> memref<80x128xf32, #tpu.memory_space<vmem_shared>>
      tpu.wait_indirect_dma semaphore(%run_scoped3A : memref<!tpu.dma_semaphore, #tpu.memory_space<semaphore_mem>>) src(%arg16 : memref<80x128xf32, #tpu.memory_space<vmem>>) dst(%dma_wait3A_319 : memref<80x128xf32, #tpu.memory_space<vmem_shared>>)
      tpu.yield
    }) : () -> ()
    %barrier3A_298 = arith.constant 0 : index
    tpu.barrier barrier_id(%barrier3A_298)
    %eq3A_299 = arith.constant 0 : i32
    %eq3A_300 = arith.cmpi eq, %arg0, %eq3A_299 : i32
    %convert_element_type3A_301 = arith.extui %eq3A_300 : i1 to i32
    %cond3A_302 = arith.constant 0 : i32
    %cond3A_303 = arith.cmpi ne, %convert_element_type3A_301, %cond3A_302 : i32
    scf.if %cond3A_303 {
      %mul3A_314 = arith.constant 625 : i32
      %mul3A_315 = arith.muli %arg1, %mul3A_314 : i32
      %add3A_316 = arith.constant 0 : i32
      %add3A_317 = arith.addi %mul3A_315, %add3A_316 : i32
      "tpu.region"() ({
        %run_scoped3A = tpu.sem_alloc : memref<!tpu.dma_semaphore, #tpu.memory_space<semaphore_mem>>
        %dma_start3A_570 = arith.constant 0 : i32
        %dma_start3A_571 = arith.constant 0 : i32
        %dma_start3A_572 = tpu.memref_slice %arg11[%dma_start3A_570, %dma_start3A_571] : memref<80x128xbf16, #tpu.memory_space<vmem>> -> memref<80x128xbf16, #tpu.memory_space<vmem>>
        %dma_start3A_573 = arith.constant 0 : i32
        %dma_start3A_574 = tpu.memref_slice %arg18[%add3A_317, %dma_start3A_573] : memref<10000x128xbf16, #tpu.memory_space<vmem_shared>> -> memref<80x128xbf16, #tpu.memory_space<vmem_shared>>
        %dma_start3A_575 = arith.constant 0 : i32
        %dma_start3A_576 = arith.constant 0 : i32
        %dma_start3A_577 = tpu.memref_slice %arg11[%dma_start3A_575, %dma_start3A_576] : memref<80x128xbf16, #tpu.memory_space<vmem>> -> memref<80x128xbf16, #tpu.memory_space<vmem>>
        %dma_start3A_578 = arith.constant 0 : i32
        %dma_start3A_579 = tpu.memref_slice %arg18[%add3A_317, %dma_start3A_578] : memref<10000x128xbf16, #tpu.memory_space<vmem_shared>> -> memref<80x128xbf16, #tpu.memory_space<vmem_shared>>
        tpu.enqueue_dma source(%dma_start3A_579 : memref<80x128xbf16, #tpu.memory_space<vmem_shared>>) target(%dma_start3A_577 : memref<80x128xbf16, #tpu.memory_space<vmem>>) target_semaphore(%run_scoped3A : memref<!tpu.dma_semaphore, #tpu.memory_space<semaphore_mem>>)
        %dma_wait3A_580 = arith.constant 0 : i32
        %dma_wait3A_581 = arith.constant 0 : i32
        %dma_wait3A_582 = tpu.memref_slice %arg11[%dma_wait3A_580, %dma_wait3A_581] : memref<80x128xbf16, #tpu.memory_space<vmem>> -> memref<80x128xbf16, #tpu.memory_space<vmem>>
        %dma_wait3A_583 = arith.constant 0 : i32
        %dma_wait3A_584 = tpu.memref_slice %arg18[%add3A_317, %dma_wait3A_583] : memref<10000x128xbf16, #tpu.memory_space<vmem_shared>> -> memref<80x128xbf16, #tpu.memory_space<vmem_shared>>
        %dma_wait3A_585 = arith.constant 0 : i32
        %dma_wait3A_586 = arith.constant 0 : i32
        %dma_wait3A_587 = tpu.memref_slice %arg11[%dma_wait3A_585, %dma_wait3A_586] : memref<80x128xbf16, #tpu.memory_space<vmem>> -> memref<80x128xbf16, #tpu.memory_space<vmem>>
        %dma_wait3A_588 = arith.constant 0 : i32
        %dma_wait3A_589 = tpu.memref_slice %arg18[%add3A_317, %dma_wait3A_588] : memref<10000x128xbf16, #tpu.memory_space<vmem_shared>> -> memref<80x128xbf16, #tpu.memory_space<vmem_shared>>
        tpu.wait_dma2 semaphore(%run_scoped3A : memref<!tpu.dma_semaphore, #tpu.memory_space<semaphore_mem>>) src(%dma_wait3A_589 : memref<80x128xbf16, #tpu.memory_space<vmem_shared>>) dst(%dma_wait3A_587 : memref<80x128xbf16, #tpu.memory_space<vmem>>)
        tpu.yield
      }) : () -> ()
      %mul3A_318 = arith.constant 625 : i32
      %mul3A_319 = arith.muli %arg1, %mul3A_318 : i32
      %add3A_320 = arith.constant 0 : i32
      %add3A_321 = arith.addi %mul3A_319, %add3A_320 : i32
      %dma_start3A_322 = arith.constant 0 : i32
      %dma_start3A_323 = arith.constant 0 : i32
      %dma_start3A_324 = tpu.memref_slice %arg11[%dma_start3A_322, %dma_start3A_323] : memref<80x128xbf16, #tpu.memory_space<vmem>> -> memref<80x128xbf16, #tpu.memory_space<vmem>>
      %dma_start3A_325 = arith.constant 0 : i32
      %dma_start3A_326 = tpu.memref_slice %arg6[%add3A_321, %dma_start3A_325] : memref<10000x128xbf16, #tpu.memory_space<hbm>> -> memref<80x128xbf16, #tpu.memory_space<hbm>>
      %dma_start3A_327 = arith.constant 0 : i32
      %dma_start3A_328 = tpu.memref_slice %arg6[%add3A_321, %dma_start3A_327] : memref<10000x128xbf16, #tpu.memory_space<hbm>> -> memref<80x128xbf16, #tpu.memory_space<hbm>>
      %dma_start3A_329 = arith.constant 0 : i32
      %dma_start3A_330 = arith.constant 0 : i32
      %dma_start3A_331 = tpu.memref_slice %arg11[%dma_start3A_329, %dma_start3A_330] : memref<80x128xbf16, #tpu.memory_space<vmem>> -> memref<80x128xbf16, #tpu.memory_space<vmem>>
      tpu.enqueue_dma source(%dma_start3A_331 : memref<80x128xbf16, #tpu.memory_space<vmem>>) target(%dma_start3A_328 : memref<80x128xbf16, #tpu.memory_space<hbm>>) target_semaphore(%arg31 : memref<!tpu.dma_semaphore, #tpu.memory_space<semaphore_mem>>)
      %mul3A_332 = arith.constant 625 : i32
      %mul3A_333 = arith.muli %arg1, %mul3A_332 : i32
      %add3A_334 = arith.constant 80 : i32
      %add3A_335 = arith.addi %mul3A_333, %add3A_334 : i32
      "tpu.region"() ({
        %run_scoped3A = tpu.sem_alloc : memref<!tpu.dma_semaphore, #tpu.memory_space<semaphore_mem>>
        %dma_start3A_570 = arith.constant 0 : i32
        %dma_start3A_571 = arith.constant 0 : i32
        %dma_start3A_572 = tpu.memref_slice %arg12[%dma_start3A_570, %dma_start3A_571] : memref<80x128xbf16, #tpu.memory_space<vmem>> -> memref<80x128xbf16, #tpu.memory_space<vmem>>
        %dma_start3A_573 = arith.constant 0 : i32
        %dma_start3A_574 = tpu.memref_slice %arg18[%add3A_335, %dma_start3A_573] : memref<10000x128xbf16, #tpu.memory_space<vmem_shared>> -> memref<80x128xbf16, #tpu.memory_space<vmem_shared>>
        %dma_start3A_575 = arith.constant 0 : i32
        %dma_start3A_576 = arith.constant 0 : i32
        %dma_start3A_577 = tpu.memref_slice %arg12[%dma_start3A_575, %dma_start3A_576] : memref<80x128xbf16, #tpu.memory_space<vmem>> -> memref<80x128xbf16, #tpu.memory_space<vmem>>
        %dma_start3A_578 = arith.constant 0 : i32
        %dma_start3A_579 = tpu.memref_slice %arg18[%add3A_335, %dma_start3A_578] : memref<10000x128xbf16, #tpu.memory_space<vmem_shared>> -> memref<80x128xbf16, #tpu.memory_space<vmem_shared>>
        tpu.enqueue_dma source(%dma_start3A_579 : memref<80x128xbf16, #tpu.memory_space<vmem_shared>>) target(%dma_start3A_577 : memref<80x128xbf16, #tpu.memory_space<vmem>>) target_semaphore(%run_scoped3A : memref<!tpu.dma_semaphore, #tpu.memory_space<semaphore_mem>>)
        %dma_wait3A_580 = arith.constant 0 : i32
        %dma_wait3A_581 = arith.constant 0 : i32
        %dma_wait3A_582 = tpu.memref_slice %arg12[%dma_wait3A_580, %dma_wait3A_581] : memref<80x128xbf16, #tpu.memory_space<vmem>> -> memref<80x128xbf16, #tpu.memory_space<vmem>>
        %dma_wait3A_583 = arith.constant 0 : i32
        %dma_wait3A_584 = tpu.memref_slice %arg18[%add3A_335, %dma_wait3A_583] : memref<10000x128xbf16, #tpu.memory_space<vmem_shared>> -> memref<80x128xbf16, #tpu.memory_space<vmem_shared>>
        %dma_wait3A_585 = arith.constant 0 : i32
        %dma_wait3A_586 = arith.constant 0 : i32
        %dma_wait3A_587 = tpu.memref_slice %arg12[%dma_wait3A_585, %dma_wait3A_586] : memref<80x128xbf16, #tpu.memory_space<vmem>> -> memref<80x128xbf16, #tpu.memory_space<vmem>>
        %dma_wait3A_588 = arith.constant 0 : i32
        %dma_wait3A_589 = tpu.memref_slice %arg18[%add3A_335, %dma_wait3A_588] : memref<10000x128xbf16, #tpu.memory_space<vmem_shared>> -> memref<80x128xbf16, #tpu.memory_space<vmem_shared>>
        tpu.wait_dma2 semaphore(%run_scoped3A : memref<!tpu.dma_semaphore, #tpu.memory_space<semaphore_mem>>) src(%dma_wait3A_589 : memref<80x128xbf16, #tpu.memory_space<vmem_shared>>) dst(%dma_wait3A_587 : memref<80x128xbf16, #tpu.memory_space<vmem>>)
        tpu.yield
      }) : () -> ()
      %mul3A_336 = arith.constant 625 : i32
      %mul3A_337 = arith.muli %arg1, %mul3A_336 : i32
      %add3A_338 = arith.constant 80 : i32
      %add3A_339 = arith.addi %mul3A_337, %add3A_338 : i32
      %dma_start3A_340 = arith.constant 0 : i32
      %dma_start3A_341 = arith.constant 0 : i32
      %dma_start3A_342 = tpu.memref_slice %arg12[%dma_start3A_340, %dma_start3A_341] : memref<80x128xbf16, #tpu.memory_space<vmem>> -> memref<80x128xbf16, #tpu.memory_space<vmem>>
      %dma_start3A_343 = arith.constant 0 : i32
      %dma_start3A_344 = tpu.memref_slice %arg6[%add3A_339, %dma_start3A_343] : memref<10000x128xbf16, #tpu.memory_space<hbm>> -> memref<80x128xbf16, #tpu.memory_space<hbm>>
      %dma_start3A_345 = arith.constant 0 : i32
      %dma_start3A_346 = tpu.memref_slice %arg6[%add3A_339, %dma_start3A_345] : memref<10000x128xbf16, #tpu.memory_space<hbm>> -> memref<80x128xbf16, #tpu.memory_space<hbm>>
      %dma_start3A_347 = arith.constant 0 : i32
      %dma_start3A_348 = arith.constant 0 : i32
      %dma_start3A_349 = tpu.memref_slice %arg12[%dma_start3A_347, %dma_start3A_348] : memref<80x128xbf16, #tpu.memory_space<vmem>> -> memref<80x128xbf16, #tpu.memory_space<vmem>>
      tpu.enqueue_dma source(%dma_start3A_349 : memref<80x128xbf16, #tpu.memory_space<vmem>>) target(%dma_start3A_346 : memref<80x128xbf16, #tpu.memory_space<hbm>>) target_semaphore(%arg31 : memref<!tpu.dma_semaphore, #tpu.memory_space<semaphore_mem>>)
      %mul3A_350 = arith.constant 625 : i32
      %mul3A_351 = arith.muli %arg1, %mul3A_350 : i32
      %add3A_352 = arith.constant 0 : i32
      %add3A_353 = arith.addi %mul3A_351, %add3A_352 : i32
      %dma_wait3A_354 = arith.constant 0 : i32
      %dma_wait3A_355 = arith.constant 0 : i32
      %dma_wait3A_356 = tpu.memref_slice %arg11[%dma_wait3A_354, %dma_wait3A_355] : memref<80x128xbf16, #tpu.memory_space<vmem>> -> memref<80x128xbf16, #tpu.memory_space<vmem>>
      %dma_wait3A_357 = arith.constant 0 : i32
      %dma_wait3A_358 = tpu.memref_slice %arg6[%add3A_353, %dma_wait3A_357] : memref<10000x128xbf16, #tpu.memory_space<hbm>> -> memref<80x128xbf16, #tpu.memory_space<hbm>>
      %dma_wait3A_359 = arith.constant 0 : i32
      %dma_wait3A_360 = tpu.memref_slice %arg6[%add3A_353, %dma_wait3A_359] : memref<10000x128xbf16, #tpu.memory_space<hbm>> -> memref<80x128xbf16, #tpu.memory_space<hbm>>
      %dma_wait3A_361 = arith.constant 0 : i32
      %dma_wait3A_362 = arith.constant 0 : i32
      %dma_wait3A_363 = tpu.memref_slice %arg11[%dma_wait3A_361, %dma_wait3A_362] : memref<80x128xbf16, #tpu.memory_space<vmem>> -> memref<80x128xbf16, #tpu.memory_space<vmem>>
      tpu.wait_dma2 semaphore(%arg31 : memref<!tpu.dma_semaphore, #tpu.memory_space<semaphore_mem>>) src(%dma_wait3A_363 : memref<80x128xbf16, #tpu.memory_space<vmem>>) dst(%dma_wait3A_360 : memref<80x128xbf16, #tpu.memory_space<hbm>>)
      %mul3A_364 = arith.constant 625 : i32
      %mul3A_365 = arith.muli %arg1, %mul3A_364 : i32
      %add3A_366 = arith.constant 160 : i32
      %add3A_367 = arith.addi %mul3A_365, %add3A_366 : i32
      "tpu.region"() ({
        %run_scoped3A = tpu.sem_alloc : memref<!tpu.dma_semaphore, #tpu.memory_space<semaphore_mem>>
        %dma_start3A_570 = arith.constant 0 : i32
        %dma_start3A_571 = arith.constant 0 : i32
        %dma_start3A_572 = tpu.memref_slice %arg11[%dma_start3A_570, %dma_start3A_571] : memref<80x128xbf16, #tpu.memory_space<vmem>> -> memref<80x128xbf16, #tpu.memory_space<vmem>>
        %dma_start3A_573 = arith.constant 0 : i32
        %dma_start3A_574 = tpu.memref_slice %arg18[%add3A_367, %dma_start3A_573] : memref<10000x128xbf16, #tpu.memory_space<vmem_shared>> -> memref<80x128xbf16, #tpu.memory_space<vmem_shared>>
        %dma_start3A_575 = arith.constant 0 : i32
        %dma_start3A_576 = arith.constant 0 : i32
        %dma_start3A_577 = tpu.memref_slice %arg11[%dma_start3A_575, %dma_start3A_576] : memref<80x128xbf16, #tpu.memory_space<vmem>> -> memref<80x128xbf16, #tpu.memory_space<vmem>>
        %dma_start3A_578 = arith.constant 0 : i32
        %dma_start3A_579 = tpu.memref_slice %arg18[%add3A_367, %dma_start3A_578] : memref<10000x128xbf16, #tpu.memory_space<vmem_shared>> -> memref<80x128xbf16, #tpu.memory_space<vmem_shared>>
        tpu.enqueue_dma source(%dma_start3A_579 : memref<80x128xbf16, #tpu.memory_space<vmem_shared>>) target(%dma_start3A_577 : memref<80x128xbf16, #tpu.memory_space<vmem>>) target_semaphore(%run_scoped3A : memref<!tpu.dma_semaphore, #tpu.memory_space<semaphore_mem>>)
        %dma_wait3A_580 = arith.constant 0 : i32
        %dma_wait3A_581 = arith.constant 0 : i32
        %dma_wait3A_582 = tpu.memref_slice %arg11[%dma_wait3A_580, %dma_wait3A_581] : memref<80x128xbf16, #tpu.memory_space<vmem>> -> memref<80x128xbf16, #tpu.memory_space<vmem>>
        %dma_wait3A_583 = arith.constant 0 : i32
        %dma_wait3A_584 = tpu.memref_slice %arg18[%add3A_367, %dma_wait3A_583] : memref<10000x128xbf16, #tpu.memory_space<vmem_shared>> -> memref<80x128xbf16, #tpu.memory_space<vmem_shared>>
        %dma_wait3A_585 = arith.constant 0 : i32
        %dma_wait3A_586 = arith.constant 0 : i32
        %dma_wait3A_587 = tpu.memref_slice %arg11[%dma_wait3A_585, %dma_wait3A_586] : memref<80x128xbf16, #tpu.memory_space<vmem>> -> memref<80x128xbf16, #tpu.memory_space<vmem>>
        %dma_wait3A_588 = arith.constant 0 : i32
        %dma_wait3A_589 = tpu.memref_slice %arg18[%add3A_367, %dma_wait3A_588] : memref<10000x128xbf16, #tpu.memory_space<vmem_shared>> -> memref<80x128xbf16, #tpu.memory_space<vmem_shared>>
        tpu.wait_dma2 semaphore(%run_scoped3A : memref<!tpu.dma_semaphore, #tpu.memory_space<semaphore_mem>>) src(%dma_wait3A_589 : memref<80x128xbf16, #tpu.memory_space<vmem_shared>>) dst(%dma_wait3A_587 : memref<80x128xbf16, #tpu.memory_space<vmem>>)
        tpu.yield
      }) : () -> ()
      %mul3A_368 = arith.constant 625 : i32
      %mul3A_369 = arith.muli %arg1, %mul3A_368 : i32
      %add3A_370 = arith.constant 160 : i32
      %add3A_371 = arith.addi %mul3A_369, %add3A_370 : i32
      %dma_start3A_372 = arith.constant 0 : i32
      %dma_start3A_373 = arith.constant 0 : i32
      %dma_start3A_374 = tpu.memref_slice %arg11[%dma_start3A_372, %dma_start3A_373] : memref<80x128xbf16, #tpu.memory_space<vmem>> -> memref<80x128xbf16, #tpu.memory_space<vmem>>
      %dma_start3A_375 = arith.constant 0 : i32
      %dma_start3A_376 = tpu.memref_slice %arg6[%add3A_371, %dma_start3A_375] : memref<10000x128xbf16, #tpu.memory_space<hbm>> -> memref<80x128xbf16, #tpu.memory_space<hbm>>
      %dma_start3A_377 = arith.constant 0 : i32
      %dma_start3A_378 = tpu.memref_slice %arg6[%add3A_371, %dma_start3A_377] : memref<10000x128xbf16, #tpu.memory_space<hbm>> -> memref<80x128xbf16, #tpu.memory_space<hbm>>
      %dma_start3A_379 = arith.constant 0 : i32
      %dma_start3A_380 = arith.constant 0 : i32
      %dma_start3A_381 = tpu.memref_slice %arg11[%dma_start3A_379, %dma_start3A_380] : memref<80x128xbf16, #tpu.memory_space<vmem>> -> memref<80x128xbf16, #tpu.memory_space<vmem>>
      tpu.enqueue_dma source(%dma_start3A_381 : memref<80x128xbf16, #tpu.memory_space<vmem>>) target(%dma_start3A_378 : memref<80x128xbf16, #tpu.memory_space<hbm>>) target_semaphore(%arg31 : memref<!tpu.dma_semaphore, #tpu.memory_space<semaphore_mem>>)
      %mul3A_382 = arith.constant 625 : i32
      %mul3A_383 = arith.muli %arg1, %mul3A_382 : i32
      %add3A_384 = arith.constant 80 : i32
      %add3A_385 = arith.addi %mul3A_383, %add3A_384 : i32
      %dma_wait3A_386 = arith.constant 0 : i32
      %dma_wait3A_387 = arith.constant 0 : i32
      %dma_wait3A_388 = tpu.memref_slice %arg12[%dma_wait3A_386, %dma_wait3A_387] : memref<80x128xbf16, #tpu.memory_space<vmem>> -> memref<80x128xbf16, #tpu.memory_space<vmem>>
      %dma_wait3A_389 = arith.constant 0 : i32
      %dma_wait3A_390 = tpu.memref_slice %arg6[%add3A_385, %dma_wait3A_389] : memref<10000x128xbf16, #tpu.memory_space<hbm>> -> memref<80x128xbf16, #tpu.memory_space<hbm>>
      %dma_wait3A_391 = arith.constant 0 : i32
      %dma_wait3A_392 = tpu.memref_slice %arg6[%add3A_385, %dma_wait3A_391] : memref<10000x128xbf16, #tpu.memory_space<hbm>> -> memref<80x128xbf16, #tpu.memory_space<hbm>>
      %dma_wait3A_393 = arith.constant 0 : i32
      %dma_wait3A_394 = arith.constant 0 : i32
      %dma_wait3A_395 = tpu.memref_slice %arg12[%dma_wait3A_393, %dma_wait3A_394] : memref<80x128xbf16, #tpu.memory_space<vmem>> -> memref<80x128xbf16, #tpu.memory_space<vmem>>
      tpu.wait_dma2 semaphore(%arg31 : memref<!tpu.dma_semaphore, #tpu.memory_space<semaphore_mem>>) src(%dma_wait3A_395 : memref<80x128xbf16, #tpu.memory_space<vmem>>) dst(%dma_wait3A_392 : memref<80x128xbf16, #tpu.memory_space<hbm>>)
      %mul3A_396 = arith.constant 625 : i32
      %mul3A_397 = arith.muli %arg1, %mul3A_396 : i32
      %add3A_398 = arith.constant 240 : i32
      %add3A_399 = arith.addi %mul3A_397, %add3A_398 : i32
      "tpu.region"() ({
        %run_scoped3A = tpu.sem_alloc : memref<!tpu.dma_semaphore, #tpu.memory_space<semaphore_mem>>
        %dma_start3A_570 = arith.constant 0 : i32
        %dma_start3A_571 = arith.constant 0 : i32
        %dma_start3A_572 = tpu.memref_slice %arg12[%dma_start3A_570, %dma_start3A_571] : memref<80x128xbf16, #tpu.memory_space<vmem>> -> memref<80x128xbf16, #tpu.memory_space<vmem>>
        %dma_start3A_573 = arith.constant 0 : i32
        %dma_start3A_574 = tpu.memref_slice %arg18[%add3A_399, %dma_start3A_573] : memref<10000x128xbf16, #tpu.memory_space<vmem_shared>> -> memref<80x128xbf16, #tpu.memory_space<vmem_shared>>
        %dma_start3A_575 = arith.constant 0 : i32
        %dma_start3A_576 = arith.constant 0 : i32
        %dma_start3A_577 = tpu.memref_slice %arg12[%dma_start3A_575, %dma_start3A_576] : memref<80x128xbf16, #tpu.memory_space<vmem>> -> memref<80x128xbf16, #tpu.memory_space<vmem>>
        %dma_start3A_578 = arith.constant 0 : i32
        %dma_start3A_579 = tpu.memref_slice %arg18[%add3A_399, %dma_start3A_578] : memref<10000x128xbf16, #tpu.memory_space<vmem_shared>> -> memref<80x128xbf16, #tpu.memory_space<vmem_shared>>
        tpu.enqueue_dma source(%dma_start3A_579 : memref<80x128xbf16, #tpu.memory_space<vmem_shared>>) target(%dma_start3A_577 : memref<80x128xbf16, #tpu.memory_space<vmem>>) target_semaphore(%run_scoped3A : memref<!tpu.dma_semaphore, #tpu.memory_space<semaphore_mem>>)
        %dma_wait3A_580 = arith.constant 0 : i32
        %dma_wait3A_581 = arith.constant 0 : i32
        %dma_wait3A_582 = tpu.memref_slice %arg12[%dma_wait3A_580, %dma_wait3A_581] : memref<80x128xbf16, #tpu.memory_space<vmem>> -> memref<80x128xbf16, #tpu.memory_space<vmem>>
        %dma_wait3A_583 = arith.constant 0 : i32
        %dma_wait3A_584 = tpu.memref_slice %arg18[%add3A_399, %dma_wait3A_583] : memref<10000x128xbf16, #tpu.memory_space<vmem_shared>> -> memref<80x128xbf16, #tpu.memory_space<vmem_shared>>
        %dma_wait3A_585 = arith.constant 0 : i32
        %dma_wait3A_586 = arith.constant 0 : i32
        %dma_wait3A_587 = tpu.memref_slice %arg12[%dma_wait3A_585, %dma_wait3A_586] : memref<80x128xbf16, #tpu.memory_space<vmem>> -> memref<80x128xbf16, #tpu.memory_space<vmem>>
        %dma_wait3A_588 = arith.constant 0 : i32
        %dma_wait3A_589 = tpu.memref_slice %arg18[%add3A_399, %dma_wait3A_588] : memref<10000x128xbf16, #tpu.memory_space<vmem_shared>> -> memref<80x128xbf16, #tpu.memory_space<vmem_shared>>
        tpu.wait_dma2 semaphore(%run_scoped3A : memref<!tpu.dma_semaphore, #tpu.memory_space<semaphore_mem>>) src(%dma_wait3A_589 : memref<80x128xbf16, #tpu.memory_space<vmem_shared>>) dst(%dma_wait3A_587 : memref<80x128xbf16, #tpu.memory_space<vmem>>)
        tpu.yield
      }) : () -> ()
      %mul3A_400 = arith.constant 625 : i32
      %mul3A_401 = arith.muli %arg1, %mul3A_400 : i32
      %add3A_402 = arith.constant 240 : i32
      %add3A_403 = arith.addi %mul3A_401, %add3A_402 : i32
      %dma_start3A_404 = arith.constant 0 : i32
      %dma_start3A_405 = arith.constant 0 : i32
      %dma_start3A_406 = tpu.memref_slice %arg12[%dma_start3A_404, %dma_start3A_405] : memref<80x128xbf16, #tpu.memory_space<vmem>> -> memref<80x128xbf16, #tpu.memory_space<vmem>>
      %dma_start3A_407 = arith.constant 0 : i32
      %dma_start3A_408 = tpu.memref_slice %arg6[%add3A_403, %dma_start3A_407] : memref<10000x128xbf16, #tpu.memory_space<hbm>> -> memref<80x128xbf16, #tpu.memory_space<hbm>>
      %dma_start3A_409 = arith.constant 0 : i32
      %dma_start3A_410 = tpu.memref_slice %arg6[%add3A_403, %dma_start3A_409] : memref<10000x128xbf16, #tpu.memory_space<hbm>> -> memref<80x128xbf16, #tpu.memory_space<hbm>>
      %dma_start3A_411 = arith.constant 0 : i32
      %dma_start3A_412 = arith.constant 0 : i32
      %dma_start3A_413 = tpu.memref_slice %arg12[%dma_start3A_411, %dma_start3A_412] : memref<80x128xbf16, #tpu.memory_space<vmem>> -> memref<80x128xbf16, #tpu.memory_space<vmem>>
      tpu.enqueue_dma source(%dma_start3A_413 : memref<80x128xbf16, #tpu.memory_space<vmem>>) target(%dma_start3A_410 : memref<80x128xbf16, #tpu.memory_space<hbm>>) target_semaphore(%arg31 : memref<!tpu.dma_semaphore, #tpu.memory_space<semaphore_mem>>)
      %mul3A_414 = arith.constant 625 : i32
      %mul3A_415 = arith.muli %arg1, %mul3A_414 : i32
      %add3A_416 = arith.constant 160 : i32
      %add3A_417 = arith.addi %mul3A_415, %add3A_416 : i32
      %dma_wait3A_418 = arith.constant 0 : i32
      %dma_wait3A_419 = arith.constant 0 : i32
      %dma_wait3A_420 = tpu.memref_slice %arg11[%dma_wait3A_418, %dma_wait3A_419] : memref<80x128xbf16, #tpu.memory_space<vmem>> -> memref<80x128xbf16, #tpu.memory_space<vmem>>
      %dma_wait3A_421 = arith.constant 0 : i32
      %dma_wait3A_422 = tpu.memref_slice %arg6[%add3A_417, %dma_wait3A_421] : memref<10000x128xbf16, #tpu.memory_space<hbm>> -> memref<80x128xbf16, #tpu.memory_space<hbm>>
      %dma_wait3A_423 = arith.constant 0 : i32
      %dma_wait3A_424 = tpu.memref_slice %arg6[%add3A_417, %dma_wait3A_423] : memref<10000x128xbf16, #tpu.memory_space<hbm>> -> memref<80x128xbf16, #tpu.memory_space<hbm>>
      %dma_wait3A_425 = arith.constant 0 : i32
      %dma_wait3A_426 = arith.constant 0 : i32
      %dma_wait3A_427 = tpu.memref_slice %arg11[%dma_wait3A_425, %dma_wait3A_426] : memref<80x128xbf16, #tpu.memory_space<vmem>> -> memref<80x128xbf16, #tpu.memory_space<vmem>>
      tpu.wait_dma2 semaphore(%arg31 : memref<!tpu.dma_semaphore, #tpu.memory_space<semaphore_mem>>) src(%dma_wait3A_427 : memref<80x128xbf16, #tpu.memory_space<vmem>>) dst(%dma_wait3A_424 : memref<80x128xbf16, #tpu.memory_space<hbm>>)
      %mul3A_428 = arith.constant 625 : i32
      %mul3A_429 = arith.muli %arg1, %mul3A_428 : i32
      %add3A_430 = arith.constant 320 : i32
      %add3A_431 = arith.addi %mul3A_429, %add3A_430 : i32
      "tpu.region"() ({
        %run_scoped3A = tpu.sem_alloc : memref<!tpu.dma_semaphore, #tpu.memory_space<semaphore_mem>>
        %dma_start3A_570 = arith.constant 0 : i32
        %dma_start3A_571 = arith.constant 0 : i32
        %dma_start3A_572 = tpu.memref_slice %arg11[%dma_start3A_570, %dma_start3A_571] : memref<80x128xbf16, #tpu.memory_space<vmem>> -> memref<80x128xbf16, #tpu.memory_space<vmem>>
        %dma_start3A_573 = arith.constant 0 : i32
        %dma_start3A_574 = tpu.memref_slice %arg18[%add3A_431, %dma_start3A_573] : memref<10000x128xbf16, #tpu.memory_space<vmem_shared>> -> memref<80x128xbf16, #tpu.memory_space<vmem_shared>>
        %dma_start3A_575 = arith.constant 0 : i32
        %dma_start3A_576 = arith.constant 0 : i32
        %dma_start3A_577 = tpu.memref_slice %arg11[%dma_start3A_575, %dma_start3A_576] : memref<80x128xbf16, #tpu.memory_space<vmem>> -> memref<80x128xbf16, #tpu.memory_space<vmem>>
        %dma_start3A_578 = arith.constant 0 : i32
        %dma_start3A_579 = tpu.memref_slice %arg18[%add3A_431, %dma_start3A_578] : memref<10000x128xbf16, #tpu.memory_space<vmem_shared>> -> memref<80x128xbf16, #tpu.memory_space<vmem_shared>>
        tpu.enqueue_dma source(%dma_start3A_579 : memref<80x128xbf16, #tpu.memory_space<vmem_shared>>) target(%dma_start3A_577 : memref<80x128xbf16, #tpu.memory_space<vmem>>) target_semaphore(%run_scoped3A : memref<!tpu.dma_semaphore, #tpu.memory_space<semaphore_mem>>)
        %dma_wait3A_580 = arith.constant 0 : i32
        %dma_wait3A_581 = arith.constant 0 : i32
        %dma_wait3A_582 = tpu.memref_slice %arg11[%dma_wait3A_580, %dma_wait3A_581] : memref<80x128xbf16, #tpu.memory_space<vmem>> -> memref<80x128xbf16, #tpu.memory_space<vmem>>
        %dma_wait3A_583 = arith.constant 0 : i32
        %dma_wait3A_584 = tpu.memref_slice %arg18[%add3A_431, %dma_wait3A_583] : memref<10000x128xbf16, #tpu.memory_space<vmem_shared>> -> memref<80x128xbf16, #tpu.memory_space<vmem_shared>>
        %dma_wait3A_585 = arith.constant 0 : i32
        %dma_wait3A_586 = arith.constant 0 : i32
        %dma_wait3A_587 = tpu.memref_slice %arg11[%dma_wait3A_585, %dma_wait3A_586] : memref<80x128xbf16, #tpu.memory_space<vmem>> -> memref<80x128xbf16, #tpu.memory_space<vmem>>
        %dma_wait3A_588 = arith.constant 0 : i32
        %dma_wait3A_589 = tpu.memref_slice %arg18[%add3A_431, %dma_wait3A_588] : memref<10000x128xbf16, #tpu.memory_space<vmem_shared>> -> memref<80x128xbf16, #tpu.memory_space<vmem_shared>>
        tpu.wait_dma2 semaphore(%run_scoped3A : memref<!tpu.dma_semaphore, #tpu.memory_space<semaphore_mem>>) src(%dma_wait3A_589 : memref<80x128xbf16, #tpu.memory_space<vmem_shared>>) dst(%dma_wait3A_587 : memref<80x128xbf16, #tpu.memory_space<vmem>>)
        tpu.yield
      }) : () -> ()
      %mul3A_432 = arith.constant 625 : i32
      %mul3A_433 = arith.muli %arg1, %mul3A_432 : i32
      %add3A_434 = arith.constant 320 : i32
      %add3A_435 = arith.addi %mul3A_433, %add3A_434 : i32
      %dma_start3A_436 = arith.constant 0 : i32
      %dma_start3A_437 = arith.constant 0 : i32
      %dma_start3A_438 = tpu.memref_slice %arg11[%dma_start3A_436, %dma_start3A_437] : memref<80x128xbf16, #tpu.memory_space<vmem>> -> memref<80x128xbf16, #tpu.memory_space<vmem>>
      %dma_start3A_439 = arith.constant 0 : i32
      %dma_start3A_440 = tpu.memref_slice %arg6[%add3A_435, %dma_start3A_439] : memref<10000x128xbf16, #tpu.memory_space<hbm>> -> memref<80x128xbf16, #tpu.memory_space<hbm>>
      %dma_start3A_441 = arith.constant 0 : i32
      %dma_start3A_442 = tpu.memref_slice %arg6[%add3A_435, %dma_start3A_441] : memref<10000x128xbf16, #tpu.memory_space<hbm>> -> memref<80x128xbf16, #tpu.memory_space<hbm>>
      %dma_start3A_443 = arith.constant 0 : i32
      %dma_start3A_444 = arith.constant 0 : i32
      %dma_start3A_445 = tpu.memref_slice %arg11[%dma_start3A_443, %dma_start3A_444] : memref<80x128xbf16, #tpu.memory_space<vmem>> -> memref<80x128xbf16, #tpu.memory_space<vmem>>
      tpu.enqueue_dma source(%dma_start3A_445 : memref<80x128xbf16, #tpu.memory_space<vmem>>) target(%dma_start3A_442 : memref<80x128xbf16, #tpu.memory_space<hbm>>) target_semaphore(%arg31 : memref<!tpu.dma_semaphore, #tpu.memory_space<semaphore_mem>>)
      %mul3A_446 = arith.constant 625 : i32
      %mul3A_447 = arith.muli %arg1, %mul3A_446 : i32
      %add3A_448 = arith.constant 240 : i32
      %add3A_449 = arith.addi %mul3A_447, %add3A_448 : i32
      %dma_wait3A_450 = arith.constant 0 : i32
      %dma_wait3A_451 = arith.constant 0 : i32
      %dma_wait3A_452 = tpu.memref_slice %arg12[%dma_wait3A_450, %dma_wait3A_451] : memref<80x128xbf16, #tpu.memory_space<vmem>> -> memref<80x128xbf16, #tpu.memory_space<vmem>>
      %dma_wait3A_453 = arith.constant 0 : i32
      %dma_wait3A_454 = tpu.memref_slice %arg6[%add3A_449, %dma_wait3A_453] : memref<10000x128xbf16, #tpu.memory_space<hbm>> -> memref<80x128xbf16, #tpu.memory_space<hbm>>
      %dma_wait3A_455 = arith.constant 0 : i32
      %dma_wait3A_456 = tpu.memref_slice %arg6[%add3A_449, %dma_wait3A_455] : memref<10000x128xbf16, #tpu.memory_space<hbm>> -> memref<80x128xbf16, #tpu.memory_space<hbm>>
      %dma_wait3A_457 = arith.constant 0 : i32
      %dma_wait3A_458 = arith.constant 0 : i32
      %dma_wait3A_459 = tpu.memref_slice %arg12[%dma_wait3A_457, %dma_wait3A_458] : memref<80x128xbf16, #tpu.memory_space<vmem>> -> memref<80x128xbf16, #tpu.memory_space<vmem>>
      tpu.wait_dma2 semaphore(%arg31 : memref<!tpu.dma_semaphore, #tpu.memory_space<semaphore_mem>>) src(%dma_wait3A_459 : memref<80x128xbf16, #tpu.memory_space<vmem>>) dst(%dma_wait3A_456 : memref<80x128xbf16, #tpu.memory_space<hbm>>)
      %mul3A_460 = arith.constant 625 : i32
      %mul3A_461 = arith.muli %arg1, %mul3A_460 : i32
      %add3A_462 = arith.constant 400 : i32
      %add3A_463 = arith.addi %mul3A_461, %add3A_462 : i32
      "tpu.region"() ({
        %run_scoped3A = tpu.sem_alloc : memref<!tpu.dma_semaphore, #tpu.memory_space<semaphore_mem>>
        %dma_start3A_570 = arith.constant 0 : i32
        %dma_start3A_571 = arith.constant 0 : i32
        %dma_start3A_572 = tpu.memref_slice %arg12[%dma_start3A_570, %dma_start3A_571] : memref<80x128xbf16, #tpu.memory_space<vmem>> -> memref<80x128xbf16, #tpu.memory_space<vmem>>
        %dma_start3A_573 = arith.constant 0 : i32
        %dma_start3A_574 = tpu.memref_slice %arg18[%add3A_463, %dma_start3A_573] : memref<10000x128xbf16, #tpu.memory_space<vmem_shared>> -> memref<80x128xbf16, #tpu.memory_space<vmem_shared>>
        %dma_start3A_575 = arith.constant 0 : i32
        %dma_start3A_576 = arith.constant 0 : i32
        %dma_start3A_577 = tpu.memref_slice %arg12[%dma_start3A_575, %dma_start3A_576] : memref<80x128xbf16, #tpu.memory_space<vmem>> -> memref<80x128xbf16, #tpu.memory_space<vmem>>
        %dma_start3A_578 = arith.constant 0 : i32
        %dma_start3A_579 = tpu.memref_slice %arg18[%add3A_463, %dma_start3A_578] : memref<10000x128xbf16, #tpu.memory_space<vmem_shared>> -> memref<80x128xbf16, #tpu.memory_space<vmem_shared>>
        tpu.enqueue_dma source(%dma_start3A_579 : memref<80x128xbf16, #tpu.memory_space<vmem_shared>>) target(%dma_start3A_577 : memref<80x128xbf16, #tpu.memory_space<vmem>>) target_semaphore(%run_scoped3A : memref<!tpu.dma_semaphore, #tpu.memory_space<semaphore_mem>>)
        %dma_wait3A_580 = arith.constant 0 : i32
        %dma_wait3A_581 = arith.constant 0 : i32
        %dma_wait3A_582 = tpu.memref_slice %arg12[%dma_wait3A_580, %dma_wait3A_581] : memref<80x128xbf16, #tpu.memory_space<vmem>> -> memref<80x128xbf16, #tpu.memory_space<vmem>>
        %dma_wait3A_583 = arith.constant 0 : i32
        %dma_wait3A_584 = tpu.memref_slice %arg18[%add3A_463, %dma_wait3A_583] : memref<10000x128xbf16, #tpu.memory_space<vmem_shared>> -> memref<80x128xbf16, #tpu.memory_space<vmem_shared>>
        %dma_wait3A_585 = arith.constant 0 : i32
        %dma_wait3A_586 = arith.constant 0 : i32
        %dma_wait3A_587 = tpu.memref_slice %arg12[%dma_wait3A_585, %dma_wait3A_586] : memref<80x128xbf16, #tpu.memory_space<vmem>> -> memref<80x128xbf16, #tpu.memory_space<vmem>>
        %dma_wait3A_588 = arith.constant 0 : i32
        %dma_wait3A_589 = tpu.memref_slice %arg18[%add3A_463, %dma_wait3A_588] : memref<10000x128xbf16, #tpu.memory_space<vmem_shared>> -> memref<80x128xbf16, #tpu.memory_space<vmem_shared>>
        tpu.wait_dma2 semaphore(%run_scoped3A : memref<!tpu.dma_semaphore, #tpu.memory_space<semaphore_mem>>) src(%dma_wait3A_589 : memref<80x128xbf16, #tpu.memory_space<vmem_shared>>) dst(%dma_wait3A_587 : memref<80x128xbf16, #tpu.memory_space<vmem>>)
        tpu.yield
      }) : () -> ()
      %mul3A_464 = arith.constant 625 : i32
      %mul3A_465 = arith.muli %arg1, %mul3A_464 : i32
      %add3A_466 = arith.constant 400 : i32
      %add3A_467 = arith.addi %mul3A_465, %add3A_466 : i32
      %dma_start3A_468 = arith.constant 0 : i32
      %dma_start3A_469 = arith.constant 0 : i32
      %dma_start3A_470 = tpu.memref_slice %arg12[%dma_start3A_468, %dma_start3A_469] : memref<80x128xbf16, #tpu.memory_space<vmem>> -> memref<80x128xbf16, #tpu.memory_space<vmem>>
      %dma_start3A_471 = arith.constant 0 : i32
      %dma_start3A_472 = tpu.memref_slice %arg6[%add3A_467, %dma_start3A_471] : memref<10000x128xbf16, #tpu.memory_space<hbm>> -> memref<80x128xbf16, #tpu.memory_space<hbm>>
      %dma_start3A_473 = arith.constant 0 : i32
      %dma_start3A_474 = tpu.memref_slice %arg6[%add3A_467, %dma_start3A_473] : memref<10000x128xbf16, #tpu.memory_space<hbm>> -> memref<80x128xbf16, #tpu.memory_space<hbm>>
      %dma_start3A_475 = arith.constant 0 : i32
      %dma_start3A_476 = arith.constant 0 : i32
      %dma_start3A_477 = tpu.memref_slice %arg12[%dma_start3A_475, %dma_start3A_476] : memref<80x128xbf16, #tpu.memory_space<vmem>> -> memref<80x128xbf16, #tpu.memory_space<vmem>>
      tpu.enqueue_dma source(%dma_start3A_477 : memref<80x128xbf16, #tpu.memory_space<vmem>>) target(%dma_start3A_474 : memref<80x128xbf16, #tpu.memory_space<hbm>>) target_semaphore(%arg31 : memref<!tpu.dma_semaphore, #tpu.memory_space<semaphore_mem>>)
      %mul3A_478 = arith.constant 625 : i32
      %mul3A_479 = arith.muli %arg1, %mul3A_478 : i32
      %add3A_480 = arith.constant 320 : i32
      %add3A_481 = arith.addi %mul3A_479, %add3A_480 : i32
      %dma_wait3A_482 = arith.constant 0 : i32
      %dma_wait3A_483 = arith.constant 0 : i32
      %dma_wait3A_484 = tpu.memref_slice %arg11[%dma_wait3A_482, %dma_wait3A_483] : memref<80x128xbf16, #tpu.memory_space<vmem>> -> memref<80x128xbf16, #tpu.memory_space<vmem>>
      %dma_wait3A_485 = arith.constant 0 : i32
      %dma_wait3A_486 = tpu.memref_slice %arg6[%add3A_481, %dma_wait3A_485] : memref<10000x128xbf16, #tpu.memory_space<hbm>> -> memref<80x128xbf16, #tpu.memory_space<hbm>>
      %dma_wait3A_487 = arith.constant 0 : i32
      %dma_wait3A_488 = tpu.memref_slice %arg6[%add3A_481, %dma_wait3A_487] : memref<10000x128xbf16, #tpu.memory_space<hbm>> -> memref<80x128xbf16, #tpu.memory_space<hbm>>
      %dma_wait3A_489 = arith.constant 0 : i32
      %dma_wait3A_490 = arith.constant 0 : i32
      %dma_wait3A_491 = tpu.memref_slice %arg11[%dma_wait3A_489, %dma_wait3A_490] : memref<80x128xbf16, #tpu.memory_space<vmem>> -> memref<80x128xbf16, #tpu.memory_space<vmem>>
      tpu.wait_dma2 semaphore(%arg31 : memref<!tpu.dma_semaphore, #tpu.memory_space<semaphore_mem>>) src(%dma_wait3A_491 : memref<80x128xbf16, #tpu.memory_space<vmem>>) dst(%dma_wait3A_488 : memref<80x128xbf16, #tpu.memory_space<hbm>>)
      %mul3A_492 = arith.constant 625 : i32
      %mul3A_493 = arith.muli %arg1, %mul3A_492 : i32
      %add3A_494 = arith.constant 480 : i32
      %add3A_495 = arith.addi %mul3A_493, %add3A_494 : i32
      "tpu.region"() ({
        %run_scoped3A = tpu.sem_alloc : memref<!tpu.dma_semaphore, #tpu.memory_space<semaphore_mem>>
        %dma_start3A_570 = arith.constant 0 : i32
        %dma_start3A_571 = arith.constant 0 : i32
        %dma_start3A_572 = tpu.memref_slice %arg11[%dma_start3A_570, %dma_start3A_571] : memref<80x128xbf16, #tpu.memory_space<vmem>> -> memref<80x128xbf16, #tpu.memory_space<vmem>>
        %dma_start3A_573 = arith.constant 0 : i32
        %dma_start3A_574 = tpu.memref_slice %arg18[%add3A_495, %dma_start3A_573] : memref<10000x128xbf16, #tpu.memory_space<vmem_shared>> -> memref<80x128xbf16, #tpu.memory_space<vmem_shared>>
        %dma_start3A_575 = arith.constant 0 : i32
        %dma_start3A_576 = arith.constant 0 : i32
        %dma_start3A_577 = tpu.memref_slice %arg11[%dma_start3A_575, %dma_start3A_576] : memref<80x128xbf16, #tpu.memory_space<vmem>> -> memref<80x128xbf16, #tpu.memory_space<vmem>>
        %dma_start3A_578 = arith.constant 0 : i32
        %dma_start3A_579 = tpu.memref_slice %arg18[%add3A_495, %dma_start3A_578] : memref<10000x128xbf16, #tpu.memory_space<vmem_shared>> -> memref<80x128xbf16, #tpu.memory_space<vmem_shared>>
        tpu.enqueue_dma source(%dma_start3A_579 : memref<80x128xbf16, #tpu.memory_space<vmem_shared>>) target(%dma_start3A_577 : memref<80x128xbf16, #tpu.memory_space<vmem>>) target_semaphore(%run_scoped3A : memref<!tpu.dma_semaphore, #tpu.memory_space<semaphore_mem>>)
        %dma_wait3A_580 = arith.constant 0 : i32
        %dma_wait3A_581 = arith.constant 0 : i32
        %dma_wait3A_582 = tpu.memref_slice %arg11[%dma_wait3A_580, %dma_wait3A_581] : memref<80x128xbf16, #tpu.memory_space<vmem>> -> memref<80x128xbf16, #tpu.memory_space<vmem>>
        %dma_wait3A_583 = arith.constant 0 : i32
        %dma_wait3A_584 = tpu.memref_slice %arg18[%add3A_495, %dma_wait3A_583] : memref<10000x128xbf16, #tpu.memory_space<vmem_shared>> -> memref<80x128xbf16, #tpu.memory_space<vmem_shared>>
        %dma_wait3A_585 = arith.constant 0 : i32
        %dma_wait3A_586 = arith.constant 0 : i32
        %dma_wait3A_587 = tpu.memref_slice %arg11[%dma_wait3A_585, %dma_wait3A_586] : memref<80x128xbf16, #tpu.memory_space<vmem>> -> memref<80x128xbf16, #tpu.memory_space<vmem>>
        %dma_wait3A_588 = arith.constant 0 : i32
        %dma_wait3A_589 = tpu.memref_slice %arg18[%add3A_495, %dma_wait3A_588] : memref<10000x128xbf16, #tpu.memory_space<vmem_shared>> -> memref<80x128xbf16, #tpu.memory_space<vmem_shared>>
        tpu.wait_dma2 semaphore(%run_scoped3A : memref<!tpu.dma_semaphore, #tpu.memory_space<semaphore_mem>>) src(%dma_wait3A_589 : memref<80x128xbf16, #tpu.memory_space<vmem_shared>>) dst(%dma_wait3A_587 : memref<80x128xbf16, #tpu.memory_space<vmem>>)
        tpu.yield
      }) : () -> ()
      %mul3A_496 = arith.constant 625 : i32
      %mul3A_497 = arith.muli %arg1, %mul3A_496 : i32
      %add3A_498 = arith.constant 480 : i32
      %add3A_499 = arith.addi %mul3A_497, %add3A_498 : i32
      %dma_start3A_500 = arith.constant 0 : i32
      %dma_start3A_501 = arith.constant 0 : i32
      %dma_start3A_502 = tpu.memref_slice %arg11[%dma_start3A_500, %dma_start3A_501] : memref<80x128xbf16, #tpu.memory_space<vmem>> -> memref<80x128xbf16, #tpu.memory_space<vmem>>
      %dma_start3A_503 = arith.constant 0 : i32
      %dma_start3A_504 = tpu.memref_slice %arg6[%add3A_499, %dma_start3A_503] : memref<10000x128xbf16, #tpu.memory_space<hbm>> -> memref<80x128xbf16, #tpu.memory_space<hbm>>
      %dma_start3A_505 = arith.constant 0 : i32
      %dma_start3A_506 = tpu.memref_slice %arg6[%add3A_499, %dma_start3A_505] : memref<10000x128xbf16, #tpu.memory_space<hbm>> -> memref<80x128xbf16, #tpu.memory_space<hbm>>
      %dma_start3A_507 = arith.constant 0 : i32
      %dma_start3A_508 = arith.constant 0 : i32
      %dma_start3A_509 = tpu.memref_slice %arg11[%dma_start3A_507, %dma_start3A_508] : memref<80x128xbf16, #tpu.memory_space<vmem>> -> memref<80x128xbf16, #tpu.memory_space<vmem>>
      tpu.enqueue_dma source(%dma_start3A_509 : memref<80x128xbf16, #tpu.memory_space<vmem>>) target(%dma_start3A_506 : memref<80x128xbf16, #tpu.memory_space<hbm>>) target_semaphore(%arg31 : memref<!tpu.dma_semaphore, #tpu.memory_space<semaphore_mem>>)
      %mul3A_510 = arith.constant 625 : i32
      %mul3A_511 = arith.muli %arg1, %mul3A_510 : i32
      %add3A_512 = arith.constant 400 : i32
      %add3A_513 = arith.addi %mul3A_511, %add3A_512 : i32
      %dma_wait3A_514 = arith.constant 0 : i32
      %dma_wait3A_515 = arith.constant 0 : i32
      %dma_wait3A_516 = tpu.memref_slice %arg12[%dma_wait3A_514, %dma_wait3A_515] : memref<80x128xbf16, #tpu.memory_space<vmem>> -> memref<80x128xbf16, #tpu.memory_space<vmem>>
      %dma_wait3A_517 = arith.constant 0 : i32
      %dma_wait3A_518 = tpu.memref_slice %arg6[%add3A_513, %dma_wait3A_517] : memref<10000x128xbf16, #tpu.memory_space<hbm>> -> memref<80x128xbf16, #tpu.memory_space<hbm>>
      %dma_wait3A_519 = arith.constant 0 : i32
      %dma_wait3A_520 = tpu.memref_slice %arg6[%add3A_513, %dma_wait3A_519] : memref<10000x128xbf16, #tpu.memory_space<hbm>> -> memref<80x128xbf16, #tpu.memory_space<hbm>>
      %dma_wait3A_521 = arith.constant 0 : i32
      %dma_wait3A_522 = arith.constant 0 : i32
      %dma_wait3A_523 = tpu.memref_slice %arg12[%dma_wait3A_521, %dma_wait3A_522] : memref<80x128xbf16, #tpu.memory_space<vmem>> -> memref<80x128xbf16, #tpu.memory_space<vmem>>
      tpu.wait_dma2 semaphore(%arg31 : memref<!tpu.dma_semaphore, #tpu.memory_space<semaphore_mem>>) src(%dma_wait3A_523 : memref<80x128xbf16, #tpu.memory_space<vmem>>) dst(%dma_wait3A_520 : memref<80x128xbf16, #tpu.memory_space<hbm>>)
      %mul3A_524 = arith.constant 625 : i32
      %mul3A_525 = arith.muli %arg1, %mul3A_524 : i32
      %add3A_526 = arith.constant 560 : i32
      %add3A_527 = arith.addi %mul3A_525, %add3A_526 : i32
      "tpu.region"() ({
        %run_scoped3A = tpu.sem_alloc : memref<!tpu.dma_semaphore, #tpu.memory_space<semaphore_mem>>
        %dma_start3A_570 = arith.constant 0 : i32
        %dma_start3A_571 = arith.constant 0 : i32
        %dma_start3A_572 = tpu.memref_slice %arg12[%dma_start3A_570, %dma_start3A_571] : memref<80x128xbf16, #tpu.memory_space<vmem>> -> memref<65x128xbf16, #tpu.memory_space<vmem>>
        %dma_start3A_573 = arith.constant 0 : i32
        %dma_start3A_574 = tpu.memref_slice %arg18[%add3A_527, %dma_start3A_573] : memref<10000x128xbf16, #tpu.memory_space<vmem_shared>> -> memref<65x128xbf16, #tpu.memory_space<vmem_shared>>
        %dma_start3A_575 = arith.constant 0 : i32
        %dma_start3A_576 = arith.constant 0 : i32
        %dma_start3A_577 = tpu.memref_slice %arg12[%dma_start3A_575, %dma_start3A_576] : memref<80x128xbf16, #tpu.memory_space<vmem>> -> memref<65x128xbf16, #tpu.memory_space<vmem>>
        %dma_start3A_578 = arith.constant 0 : i32
        %dma_start3A_579 = tpu.memref_slice %arg18[%add3A_527, %dma_start3A_578] : memref<10000x128xbf16, #tpu.memory_space<vmem_shared>> -> memref<65x128xbf16, #tpu.memory_space<vmem_shared>>
        tpu.enqueue_dma source(%dma_start3A_579 : memref<65x128xbf16, #tpu.memory_space<vmem_shared>>) target(%dma_start3A_577 : memref<65x128xbf16, #tpu.memory_space<vmem>>) target_semaphore(%run_scoped3A : memref<!tpu.dma_semaphore, #tpu.memory_space<semaphore_mem>>)
        %dma_wait3A_580 = arith.constant 0 : i32
        %dma_wait3A_581 = arith.constant 0 : i32
        %dma_wait3A_582 = tpu.memref_slice %arg12[%dma_wait3A_580, %dma_wait3A_581] : memref<80x128xbf16, #tpu.memory_space<vmem>> -> memref<65x128xbf16, #tpu.memory_space<vmem>>
        %dma_wait3A_583 = arith.constant 0 : i32
        %dma_wait3A_584 = tpu.memref_slice %arg18[%add3A_527, %dma_wait3A_583] : memref<10000x128xbf16, #tpu.memory_space<vmem_shared>> -> memref<65x128xbf16, #tpu.memory_space<vmem_shared>>
        %dma_wait3A_585 = arith.constant 0 : i32
        %dma_wait3A_586 = arith.constant 0 : i32
        %dma_wait3A_587 = tpu.memref_slice %arg12[%dma_wait3A_585, %dma_wait3A_586] : memref<80x128xbf16, #tpu.memory_space<vmem>> -> memref<65x128xbf16, #tpu.memory_space<vmem>>
        %dma_wait3A_588 = arith.constant 0 : i32
        %dma_wait3A_589 = tpu.memref_slice %arg18[%add3A_527, %dma_wait3A_588] : memref<10000x128xbf16, #tpu.memory_space<vmem_shared>> -> memref<65x128xbf16, #tpu.memory_space<vmem_shared>>
        tpu.wait_dma2 semaphore(%run_scoped3A : memref<!tpu.dma_semaphore, #tpu.memory_space<semaphore_mem>>) src(%dma_wait3A_589 : memref<65x128xbf16, #tpu.memory_space<vmem_shared>>) dst(%dma_wait3A_587 : memref<65x128xbf16, #tpu.memory_space<vmem>>)
        tpu.yield
      }) : () -> ()
      %mul3A_528 = arith.constant 625 : i32
      %mul3A_529 = arith.muli %arg1, %mul3A_528 : i32
      %add3A_530 = arith.constant 560 : i32
      %add3A_531 = arith.addi %mul3A_529, %add3A_530 : i32
      %dma_start3A_532 = arith.constant 0 : i32
      %dma_start3A_533 = arith.constant 0 : i32
      %dma_start3A_534 = tpu.memref_slice %arg12[%dma_start3A_532, %dma_start3A_533] : memref<80x128xbf16, #tpu.memory_space<vmem>> -> memref<65x128xbf16, #tpu.memory_space<vmem>>
      %dma_start3A_535 = arith.constant 0 : i32
      %dma_start3A_536 = tpu.memref_slice %arg6[%add3A_531, %dma_start3A_535] : memref<10000x128xbf16, #tpu.memory_space<hbm>> -> memref<65x128xbf16, #tpu.memory_space<hbm>>
      %dma_start3A_537 = arith.constant 0 : i32
      %dma_start3A_538 = tpu.memref_slice %arg6[%add3A_531, %dma_start3A_537] : memref<10000x128xbf16, #tpu.memory_space<hbm>> -> memref<65x128xbf16, #tpu.memory_space<hbm>>
      %dma_start3A_539 = arith.constant 0 : i32
      %dma_start3A_540 = arith.constant 0 : i32
      %dma_start3A_541 = tpu.memref_slice %arg12[%dma_start3A_539, %dma_start3A_540] : memref<80x128xbf16, #tpu.memory_space<vmem>> -> memref<65x128xbf16, #tpu.memory_space<vmem>>
      tpu.enqueue_dma source(%dma_start3A_541 : memref<65x128xbf16, #tpu.memory_space<vmem>>) target(%dma_start3A_538 : memref<65x128xbf16, #tpu.memory_space<hbm>>) target_semaphore(%arg31 : memref<!tpu.dma_semaphore, #tpu.memory_space<semaphore_mem>>)
      %mul3A_542 = arith.constant 625 : i32
      %mul3A_543 = arith.muli %arg1, %mul3A_542 : i32
      %add3A_544 = arith.constant 480 : i32
      %add3A_545 = arith.addi %mul3A_543, %add3A_544 : i32
      %dma_wait3A_546 = arith.constant 0 : i32
      %dma_wait3A_547 = arith.constant 0 : i32
      %dma_wait3A_548 = tpu.memref_slice %arg11[%dma_wait3A_546, %dma_wait3A_547] : memref<80x128xbf16, #tpu.memory_space<vmem>> -> memref<80x128xbf16, #tpu.memory_space<vmem>>
      %dma_wait3A_549 = arith.constant 0 : i32
      %dma_wait3A_550 = tpu.memref_slice %arg6[%add3A_545, %dma_wait3A_549] : memref<10000x128xbf16, #tpu.memory_space<hbm>> -> memref<80x128xbf16, #tpu.memory_space<hbm>>
      %dma_wait3A_551 = arith.constant 0 : i32
      %dma_wait3A_552 = tpu.memref_slice %arg6[%add3A_545, %dma_wait3A_551] : memref<10000x128xbf16, #tpu.memory_space<hbm>> -> memref<80x128xbf16, #tpu.memory_space<hbm>>
      %dma_wait3A_553 = arith.constant 0 : i32
      %dma_wait3A_554 = arith.constant 0 : i32
      %dma_wait3A_555 = tpu.memref_slice %arg11[%dma_wait3A_553, %dma_wait3A_554] : memref<80x128xbf16, #tpu.memory_space<vmem>> -> memref<80x128xbf16, #tpu.memory_space<vmem>>
      tpu.wait_dma2 semaphore(%arg31 : memref<!tpu.dma_semaphore, #tpu.memory_space<semaphore_mem>>) src(%dma_wait3A_555 : memref<80x128xbf16, #tpu.memory_space<vmem>>) dst(%dma_wait3A_552 : memref<80x128xbf16, #tpu.memory_space<hbm>>)
      %mul3A_556 = arith.constant 625 : i32
      %mul3A_557 = arith.muli %arg1, %mul3A_556 : i32
      %add3A_558 = arith.constant 560 : i32
      %add3A_559 = arith.addi %mul3A_557, %add3A_558 : i32
      %dma_wait3A_560 = arith.constant 0 : i32
      %dma_wait3A_561 = arith.constant 0 : i32
      %dma_wait3A_562 = tpu.memref_slice %arg12[%dma_wait3A_560, %dma_wait3A_561] : memref<80x128xbf16, #tpu.memory_space<vmem>> -> memref<65x128xbf16, #tpu.memory_space<vmem>>
      %dma_wait3A_563 = arith.constant 0 : i32
      %dma_wait3A_564 = tpu.memref_slice %arg6[%add3A_559, %dma_wait3A_563] : memref<10000x128xbf16, #tpu.memory_space<hbm>> -> memref<65x128xbf16, #tpu.memory_space<hbm>>
      %dma_wait3A_565 = arith.constant 0 : i32
      %dma_wait3A_566 = tpu.memref_slice %arg6[%add3A_559, %dma_wait3A_565] : memref<10000x128xbf16, #tpu.memory_space<hbm>> -> memref<65x128xbf16, #tpu.memory_space<hbm>>
      %dma_wait3A_567 = arith.constant 0 : i32
      %dma_wait3A_568 = arith.constant 0 : i32
      %dma_wait3A_569 = tpu.memref_slice %arg12[%dma_wait3A_567, %dma_wait3A_568] : memref<80x128xbf16, #tpu.memory_space<vmem>> -> memref<65x128xbf16, #tpu.memory_space<vmem>>
      tpu.wait_dma2 semaphore(%arg31 : memref<!tpu.dma_semaphore, #tpu.memory_space<semaphore_mem>>) src(%dma_wait3A_569 : memref<65x128xbf16, #tpu.memory_space<vmem>>) dst(%dma_wait3A_566 : memref<65x128xbf16, #tpu.memory_space<hbm>>)
    } else {
    }
    %eq3A_304 = arith.constant 1 : i32
    %eq3A_305 = arith.cmpi eq, %arg0, %eq3A_304 : i32
    %convert_element_type3A_306 = arith.extui %eq3A_305 : i1 to i32
    %cond3A_307 = arith.constant 0 : i32
    %cond3A_308 = arith.cmpi ne, %convert_element_type3A_306, %cond3A_307 : i32
    scf.if %cond3A_308 {
      %mul3A_314 = arith.constant 625 : i32
      %mul3A_315 = arith.muli %arg1, %mul3A_314 : i32
      %add3A_316 = arith.constant 0 : i32
      %add3A_317 = arith.addi %mul3A_315, %add3A_316 : i32
      "tpu.region"() ({
        %run_scoped3A = tpu.sem_alloc : memref<!tpu.dma_semaphore, #tpu.memory_space<semaphore_mem>>
        %dma_start3A_570 = arith.constant 0 : i32
        %dma_start3A_571 = arith.constant 0 : i32
        %dma_start3A_572 = tpu.memref_slice %arg11[%dma_start3A_570, %dma_start3A_571] : memref<80x128xbf16, #tpu.memory_space<vmem>> -> memref<80x128xbf16, #tpu.memory_space<vmem>>
        %dma_start3A_573 = arith.constant 0 : i32
        %dma_start3A_574 = tpu.memref_slice %arg18[%add3A_317, %dma_start3A_573] : memref<10000x128xbf16, #tpu.memory_space<vmem_shared>> -> memref<80x128xbf16, #tpu.memory_space<vmem_shared>>
        %dma_start3A_575 = arith.constant 0 : i32
        %dma_start3A_576 = arith.constant 0 : i32
        %dma_start3A_577 = tpu.memref_slice %arg11[%dma_start3A_575, %dma_start3A_576] : memref<80x128xbf16, #tpu.memory_space<vmem>> -> memref<80x128xbf16, #tpu.memory_space<vmem>>
        %dma_start3A_578 = arith.constant 0 : i32
        %dma_start3A_579 = tpu.memref_slice %arg18[%add3A_317, %dma_start3A_578] : memref<10000x128xbf16, #tpu.memory_space<vmem_shared>> -> memref<80x128xbf16, #tpu.memory_space<vmem_shared>>
        tpu.enqueue_dma source(%dma_start3A_579 : memref<80x128xbf16, #tpu.memory_space<vmem_shared>>) target(%dma_start3A_577 : memref<80x128xbf16, #tpu.memory_space<vmem>>) target_semaphore(%run_scoped3A : memref<!tpu.dma_semaphore, #tpu.memory_space<semaphore_mem>>)
        %dma_wait3A_580 = arith.constant 0 : i32
        %dma_wait3A_581 = arith.constant 0 : i32
        %dma_wait3A_582 = tpu.memref_slice %arg11[%dma_wait3A_580, %dma_wait3A_581] : memref<80x128xbf16, #tpu.memory_space<vmem>> -> memref<80x128xbf16, #tpu.memory_space<vmem>>
        %dma_wait3A_583 = arith.constant 0 : i32
        %dma_wait3A_584 = tpu.memref_slice %arg18[%add3A_317, %dma_wait3A_583] : memref<10000x128xbf16, #tpu.memory_space<vmem_shared>> -> memref<80x128xbf16, #tpu.memory_space<vmem_shared>>
        %dma_wait3A_585 = arith.constant 0 : i32
        %dma_wait3A_586 = arith.constant 0 : i32
        %dma_wait3A_587 = tpu.memref_slice %arg11[%dma_wait3A_585, %dma_wait3A_586] : memref<80x128xbf16, #tpu.memory_space<vmem>> -> memref<80x128xbf16, #tpu.memory_space<vmem>>
        %dma_wait3A_588 = arith.constant 0 : i32
        %dma_wait3A_589 = tpu.memref_slice %arg18[%add3A_317, %dma_wait3A_588] : memref<10000x128xbf16, #tpu.memory_space<vmem_shared>> -> memref<80x128xbf16, #tpu.memory_space<vmem_shared>>
        tpu.wait_dma2 semaphore(%run_scoped3A : memref<!tpu.dma_semaphore, #tpu.memory_space<semaphore_mem>>) src(%dma_wait3A_589 : memref<80x128xbf16, #tpu.memory_space<vmem_shared>>) dst(%dma_wait3A_587 : memref<80x128xbf16, #tpu.memory_space<vmem>>)
        tpu.yield
      }) : () -> ()
      %mul3A_318 = arith.constant 625 : i32
      %mul3A_319 = arith.muli %arg1, %mul3A_318 : i32
      %add3A_320 = arith.constant 0 : i32
      %add3A_321 = arith.addi %mul3A_319, %add3A_320 : i32
      %dma_start3A_322 = arith.constant 0 : i32
      %dma_start3A_323 = arith.constant 0 : i32
      %dma_start3A_324 = tpu.memref_slice %arg11[%dma_start3A_322, %dma_start3A_323] : memref<80x128xbf16, #tpu.memory_space<vmem>> -> memref<80x128xbf16, #tpu.memory_space<vmem>>
      %dma_start3A_325 = arith.constant 0 : i32
      %dma_start3A_326 = tpu.memref_slice %arg7[%add3A_321, %dma_start3A_325] : memref<10000x128xbf16, #tpu.memory_space<hbm>> -> memref<80x128xbf16, #tpu.memory_space<hbm>>
      %dma_start3A_327 = arith.constant 0 : i32
      %dma_start3A_328 = tpu.memref_slice %arg7[%add3A_321, %dma_start3A_327] : memref<10000x128xbf16, #tpu.memory_space<hbm>> -> memref<80x128xbf16, #tpu.memory_space<hbm>>
      %dma_start3A_329 = arith.constant 0 : i32
      %dma_start3A_330 = arith.constant 0 : i32
      %dma_start3A_331 = tpu.memref_slice %arg11[%dma_start3A_329, %dma_start3A_330] : memref<80x128xbf16, #tpu.memory_space<vmem>> -> memref<80x128xbf16, #tpu.memory_space<vmem>>
      tpu.enqueue_dma source(%dma_start3A_331 : memref<80x128xbf16, #tpu.memory_space<vmem>>) target(%dma_start3A_328 : memref<80x128xbf16, #tpu.memory_space<hbm>>) target_semaphore(%arg31 : memref<!tpu.dma_semaphore, #tpu.memory_space<semaphore_mem>>)
      %mul3A_332 = arith.constant 625 : i32
      %mul3A_333 = arith.muli %arg1, %mul3A_332 : i32
      %add3A_334 = arith.constant 80 : i32
      %add3A_335 = arith.addi %mul3A_333, %add3A_334 : i32
      "tpu.region"() ({
        %run_scoped3A = tpu.sem_alloc : memref<!tpu.dma_semaphore, #tpu.memory_space<semaphore_mem>>
        %dma_start3A_570 = arith.constant 0 : i32
        %dma_start3A_571 = arith.constant 0 : i32
        %dma_start3A_572 = tpu.memref_slice %arg12[%dma_start3A_570, %dma_start3A_571] : memref<80x128xbf16, #tpu.memory_space<vmem>> -> memref<80x128xbf16, #tpu.memory_space<vmem>>
        %dma_start3A_573 = arith.constant 0 : i32
        %dma_start3A_574 = tpu.memref_slice %arg18[%add3A_335, %dma_start3A_573] : memref<10000x128xbf16, #tpu.memory_space<vmem_shared>> -> memref<80x128xbf16, #tpu.memory_space<vmem_shared>>
        %dma_start3A_575 = arith.constant 0 : i32
        %dma_start3A_576 = arith.constant 0 : i32
        %dma_start3A_577 = tpu.memref_slice %arg12[%dma_start3A_575, %dma_start3A_576] : memref<80x128xbf16, #tpu.memory_space<vmem>> -> memref<80x128xbf16, #tpu.memory_space<vmem>>
        %dma_start3A_578 = arith.constant 0 : i32
        %dma_start3A_579 = tpu.memref_slice %arg18[%add3A_335, %dma_start3A_578] : memref<10000x128xbf16, #tpu.memory_space<vmem_shared>> -> memref<80x128xbf16, #tpu.memory_space<vmem_shared>>
        tpu.enqueue_dma source(%dma_start3A_579 : memref<80x128xbf16, #tpu.memory_space<vmem_shared>>) target(%dma_start3A_577 : memref<80x128xbf16, #tpu.memory_space<vmem>>) target_semaphore(%run_scoped3A : memref<!tpu.dma_semaphore, #tpu.memory_space<semaphore_mem>>)
        %dma_wait3A_580 = arith.constant 0 : i32
        %dma_wait3A_581 = arith.constant 0 : i32
        %dma_wait3A_582 = tpu.memref_slice %arg12[%dma_wait3A_580, %dma_wait3A_581] : memref<80x128xbf16, #tpu.memory_space<vmem>> -> memref<80x128xbf16, #tpu.memory_space<vmem>>
        %dma_wait3A_583 = arith.constant 0 : i32
        %dma_wait3A_584 = tpu.memref_slice %arg18[%add3A_335, %dma_wait3A_583] : memref<10000x128xbf16, #tpu.memory_space<vmem_shared>> -> memref<80x128xbf16, #tpu.memory_space<vmem_shared>>
        %dma_wait3A_585 = arith.constant 0 : i32
        %dma_wait3A_586 = arith.constant 0 : i32
        %dma_wait3A_587 = tpu.memref_slice %arg12[%dma_wait3A_585, %dma_wait3A_586] : memref<80x128xbf16, #tpu.memory_space<vmem>> -> memref<80x128xbf16, #tpu.memory_space<vmem>>
        %dma_wait3A_588 = arith.constant 0 : i32
        %dma_wait3A_589 = tpu.memref_slice %arg18[%add3A_335, %dma_wait3A_588] : memref<10000x128xbf16, #tpu.memory_space<vmem_shared>> -> memref<80x128xbf16, #tpu.memory_space<vmem_shared>>
        tpu.wait_dma2 semaphore(%run_scoped3A : memref<!tpu.dma_semaphore, #tpu.memory_space<semaphore_mem>>) src(%dma_wait3A_589 : memref<80x128xbf16, #tpu.memory_space<vmem_shared>>) dst(%dma_wait3A_587 : memref<80x128xbf16, #tpu.memory_space<vmem>>)
        tpu.yield
      }) : () -> ()
      %mul3A_336 = arith.constant 625 : i32
      %mul3A_337 = arith.muli %arg1, %mul3A_336 : i32
      %add3A_338 = arith.constant 80 : i32
      %add3A_339 = arith.addi %mul3A_337, %add3A_338 : i32
      %dma_start3A_340 = arith.constant 0 : i32
      %dma_start3A_341 = arith.constant 0 : i32
      %dma_start3A_342 = tpu.memref_slice %arg12[%dma_start3A_340, %dma_start3A_341] : memref<80x128xbf16, #tpu.memory_space<vmem>> -> memref<80x128xbf16, #tpu.memory_space<vmem>>
      %dma_start3A_343 = arith.constant 0 : i32
      %dma_start3A_344 = tpu.memref_slice %arg7[%add3A_339, %dma_start3A_343] : memref<10000x128xbf16, #tpu.memory_space<hbm>> -> memref<80x128xbf16, #tpu.memory_space<hbm>>
      %dma_start3A_345 = arith.constant 0 : i32
      %dma_start3A_346 = tpu.memref_slice %arg7[%add3A_339, %dma_start3A_345] : memref<10000x128xbf16, #tpu.memory_space<hbm>> -> memref<80x128xbf16, #tpu.memory_space<hbm>>
      %dma_start3A_347 = arith.constant 0 : i32
      %dma_start3A_348 = arith.constant 0 : i32
      %dma_start3A_349 = tpu.memref_slice %arg12[%dma_start3A_347, %dma_start3A_348] : memref<80x128xbf16, #tpu.memory_space<vmem>> -> memref<80x128xbf16, #tpu.memory_space<vmem>>
      tpu.enqueue_dma source(%dma_start3A_349 : memref<80x128xbf16, #tpu.memory_space<vmem>>) target(%dma_start3A_346 : memref<80x128xbf16, #tpu.memory_space<hbm>>) target_semaphore(%arg31 : memref<!tpu.dma_semaphore, #tpu.memory_space<semaphore_mem>>)
      %mul3A_350 = arith.constant 625 : i32
      %mul3A_351 = arith.muli %arg1, %mul3A_350 : i32
      %add3A_352 = arith.constant 0 : i32
      %add3A_353 = arith.addi %mul3A_351, %add3A_352 : i32
      %dma_wait3A_354 = arith.constant 0 : i32
      %dma_wait3A_355 = arith.constant 0 : i32
      %dma_wait3A_356 = tpu.memref_slice %arg11[%dma_wait3A_354, %dma_wait3A_355] : memref<80x128xbf16, #tpu.memory_space<vmem>> -> memref<80x128xbf16, #tpu.memory_space<vmem>>
      %dma_wait3A_357 = arith.constant 0 : i32
      %dma_wait3A_358 = tpu.memref_slice %arg7[%add3A_353, %dma_wait3A_357] : memref<10000x128xbf16, #tpu.memory_space<hbm>> -> memref<80x128xbf16, #tpu.memory_space<hbm>>
      %dma_wait3A_359 = arith.constant 0 : i32
      %dma_wait3A_360 = tpu.memref_slice %arg7[%add3A_353, %dma_wait3A_359] : memref<10000x128xbf16, #tpu.memory_space<hbm>> -> memref<80x128xbf16, #tpu.memory_space<hbm>>
      %dma_wait3A_361 = arith.constant 0 : i32
      %dma_wait3A_362 = arith.constant 0 : i32
      %dma_wait3A_363 = tpu.memref_slice %arg11[%dma_wait3A_361, %dma_wait3A_362] : memref<80x128xbf16, #tpu.memory_space<vmem>> -> memref<80x128xbf16, #tpu.memory_space<vmem>>
      tpu.wait_dma2 semaphore(%arg31 : memref<!tpu.dma_semaphore, #tpu.memory_space<semaphore_mem>>) src(%dma_wait3A_363 : memref<80x128xbf16, #tpu.memory_space<vmem>>) dst(%dma_wait3A_360 : memref<80x128xbf16, #tpu.memory_space<hbm>>)
      %mul3A_364 = arith.constant 625 : i32
      %mul3A_365 = arith.muli %arg1, %mul3A_364 : i32
      %add3A_366 = arith.constant 160 : i32
      %add3A_367 = arith.addi %mul3A_365, %add3A_366 : i32
      "tpu.region"() ({
        %run_scoped3A = tpu.sem_alloc : memref<!tpu.dma_semaphore, #tpu.memory_space<semaphore_mem>>
        %dma_start3A_570 = arith.constant 0 : i32
        %dma_start3A_571 = arith.constant 0 : i32
        %dma_start3A_572 = tpu.memref_slice %arg11[%dma_start3A_570, %dma_start3A_571] : memref<80x128xbf16, #tpu.memory_space<vmem>> -> memref<80x128xbf16, #tpu.memory_space<vmem>>
        %dma_start3A_573 = arith.constant 0 : i32
        %dma_start3A_574 = tpu.memref_slice %arg18[%add3A_367, %dma_start3A_573] : memref<10000x128xbf16, #tpu.memory_space<vmem_shared>> -> memref<80x128xbf16, #tpu.memory_space<vmem_shared>>
        %dma_start3A_575 = arith.constant 0 : i32
        %dma_start3A_576 = arith.constant 0 : i32
        %dma_start3A_577 = tpu.memref_slice %arg11[%dma_start3A_575, %dma_start3A_576] : memref<80x128xbf16, #tpu.memory_space<vmem>> -> memref<80x128xbf16, #tpu.memory_space<vmem>>
        %dma_start3A_578 = arith.constant 0 : i32
        %dma_start3A_579 = tpu.memref_slice %arg18[%add3A_367, %dma_start3A_578] : memref<10000x128xbf16, #tpu.memory_space<vmem_shared>> -> memref<80x128xbf16, #tpu.memory_space<vmem_shared>>
        tpu.enqueue_dma source(%dma_start3A_579 : memref<80x128xbf16, #tpu.memory_space<vmem_shared>>) target(%dma_start3A_577 : memref<80x128xbf16, #tpu.memory_space<vmem>>) target_semaphore(%run_scoped3A : memref<!tpu.dma_semaphore, #tpu.memory_space<semaphore_mem>>)
        %dma_wait3A_580 = arith.constant 0 : i32
        %dma_wait3A_581 = arith.constant 0 : i32
        %dma_wait3A_582 = tpu.memref_slice %arg11[%dma_wait3A_580, %dma_wait3A_581] : memref<80x128xbf16, #tpu.memory_space<vmem>> -> memref<80x128xbf16, #tpu.memory_space<vmem>>
        %dma_wait3A_583 = arith.constant 0 : i32
        %dma_wait3A_584 = tpu.memref_slice %arg18[%add3A_367, %dma_wait3A_583] : memref<10000x128xbf16, #tpu.memory_space<vmem_shared>> -> memref<80x128xbf16, #tpu.memory_space<vmem_shared>>
        %dma_wait3A_585 = arith.constant 0 : i32
        %dma_wait3A_586 = arith.constant 0 : i32
        %dma_wait3A_587 = tpu.memref_slice %arg11[%dma_wait3A_585, %dma_wait3A_586] : memref<80x128xbf16, #tpu.memory_space<vmem>> -> memref<80x128xbf16, #tpu.memory_space<vmem>>
        %dma_wait3A_588 = arith.constant 0 : i32
        %dma_wait3A_589 = tpu.memref_slice %arg18[%add3A_367, %dma_wait3A_588] : memref<10000x128xbf16, #tpu.memory_space<vmem_shared>> -> memref<80x128xbf16, #tpu.memory_space<vmem_shared>>
        tpu.wait_dma2 semaphore(%run_scoped3A : memref<!tpu.dma_semaphore, #tpu.memory_space<semaphore_mem>>) src(%dma_wait3A_589 : memref<80x128xbf16, #tpu.memory_space<vmem_shared>>) dst(%dma_wait3A_587 : memref<80x128xbf16, #tpu.memory_space<vmem>>)
        tpu.yield
      }) : () -> ()
      %mul3A_368 = arith.constant 625 : i32
      %mul3A_369 = arith.muli %arg1, %mul3A_368 : i32
      %add3A_370 = arith.constant 160 : i32
      %add3A_371 = arith.addi %mul3A_369, %add3A_370 : i32
      %dma_start3A_372 = arith.constant 0 : i32
      %dma_start3A_373 = arith.constant 0 : i32
      %dma_start3A_374 = tpu.memref_slice %arg11[%dma_start3A_372, %dma_start3A_373] : memref<80x128xbf16, #tpu.memory_space<vmem>> -> memref<80x128xbf16, #tpu.memory_space<vmem>>
      %dma_start3A_375 = arith.constant 0 : i32
      %dma_start3A_376 = tpu.memref_slice %arg7[%add3A_371, %dma_start3A_375] : memref<10000x128xbf16, #tpu.memory_space<hbm>> -> memref<80x128xbf16, #tpu.memory_space<hbm>>
      %dma_start3A_377 = arith.constant 0 : i32
      %dma_start3A_378 = tpu.memref_slice %arg7[%add3A_371, %dma_start3A_377] : memref<10000x128xbf16, #tpu.memory_space<hbm>> -> memref<80x128xbf16, #tpu.memory_space<hbm>>
      %dma_start3A_379 = arith.constant 0 : i32
      %dma_start3A_380 = arith.constant 0 : i32
      %dma_start3A_381 = tpu.memref_slice %arg11[%dma_start3A_379, %dma_start3A_380] : memref<80x128xbf16, #tpu.memory_space<vmem>> -> memref<80x128xbf16, #tpu.memory_space<vmem>>
      tpu.enqueue_dma source(%dma_start3A_381 : memref<80x128xbf16, #tpu.memory_space<vmem>>) target(%dma_start3A_378 : memref<80x128xbf16, #tpu.memory_space<hbm>>) target_semaphore(%arg31 : memref<!tpu.dma_semaphore, #tpu.memory_space<semaphore_mem>>)
      %mul3A_382 = arith.constant 625 : i32
      %mul3A_383 = arith.muli %arg1, %mul3A_382 : i32
      %add3A_384 = arith.constant 80 : i32
      %add3A_385 = arith.addi %mul3A_383, %add3A_384 : i32
      %dma_wait3A_386 = arith.constant 0 : i32
      %dma_wait3A_387 = arith.constant 0 : i32
      %dma_wait3A_388 = tpu.memref_slice %arg12[%dma_wait3A_386, %dma_wait3A_387] : memref<80x128xbf16, #tpu.memory_space<vmem>> -> memref<80x128xbf16, #tpu.memory_space<vmem>>
      %dma_wait3A_389 = arith.constant 0 : i32
      %dma_wait3A_390 = tpu.memref_slice %arg7[%add3A_385, %dma_wait3A_389] : memref<10000x128xbf16, #tpu.memory_space<hbm>> -> memref<80x128xbf16, #tpu.memory_space<hbm>>
      %dma_wait3A_391 = arith.constant 0 : i32
      %dma_wait3A_392 = tpu.memref_slice %arg7[%add3A_385, %dma_wait3A_391] : memref<10000x128xbf16, #tpu.memory_space<hbm>> -> memref<80x128xbf16, #tpu.memory_space<hbm>>
      %dma_wait3A_393 = arith.constant 0 : i32
      %dma_wait3A_394 = arith.constant 0 : i32
      %dma_wait3A_395 = tpu.memref_slice %arg12[%dma_wait3A_393, %dma_wait3A_394] : memref<80x128xbf16, #tpu.memory_space<vmem>> -> memref<80x128xbf16, #tpu.memory_space<vmem>>
      tpu.wait_dma2 semaphore(%arg31 : memref<!tpu.dma_semaphore, #tpu.memory_space<semaphore_mem>>) src(%dma_wait3A_395 : memref<80x128xbf16, #tpu.memory_space<vmem>>) dst(%dma_wait3A_392 : memref<80x128xbf16, #tpu.memory_space<hbm>>)
      %mul3A_396 = arith.constant 625 : i32
      %mul3A_397 = arith.muli %arg1, %mul3A_396 : i32
      %add3A_398 = arith.constant 240 : i32
      %add3A_399 = arith.addi %mul3A_397, %add3A_398 : i32
      "tpu.region"() ({
        %run_scoped3A = tpu.sem_alloc : memref<!tpu.dma_semaphore, #tpu.memory_space<semaphore_mem>>
        %dma_start3A_570 = arith.constant 0 : i32
        %dma_start3A_571 = arith.constant 0 : i32
        %dma_start3A_572 = tpu.memref_slice %arg12[%dma_start3A_570, %dma_start3A_571] : memref<80x128xbf16, #tpu.memory_space<vmem>> -> memref<80x128xbf16, #tpu.memory_space<vmem>>
        %dma_start3A_573 = arith.constant 0 : i32
        %dma_start3A_574 = tpu.memref_slice %arg18[%add3A_399, %dma_start3A_573] : memref<10000x128xbf16, #tpu.memory_space<vmem_shared>> -> memref<80x128xbf16, #tpu.memory_space<vmem_shared>>
        %dma_start3A_575 = arith.constant 0 : i32
        %dma_start3A_576 = arith.constant 0 : i32
        %dma_start3A_577 = tpu.memref_slice %arg12[%dma_start3A_575, %dma_start3A_576] : memref<80x128xbf16, #tpu.memory_space<vmem>> -> memref<80x128xbf16, #tpu.memory_space<vmem>>
        %dma_start3A_578 = arith.constant 0 : i32
        %dma_start3A_579 = tpu.memref_slice %arg18[%add3A_399, %dma_start3A_578] : memref<10000x128xbf16, #tpu.memory_space<vmem_shared>> -> memref<80x128xbf16, #tpu.memory_space<vmem_shared>>
        tpu.enqueue_dma source(%dma_start3A_579 : memref<80x128xbf16, #tpu.memory_space<vmem_shared>>) target(%dma_start3A_577 : memref<80x128xbf16, #tpu.memory_space<vmem>>) target_semaphore(%run_scoped3A : memref<!tpu.dma_semaphore, #tpu.memory_space<semaphore_mem>>)
        %dma_wait3A_580 = arith.constant 0 : i32
        %dma_wait3A_581 = arith.constant 0 : i32
        %dma_wait3A_582 = tpu.memref_slice %arg12[%dma_wait3A_580, %dma_wait3A_581] : memref<80x128xbf16, #tpu.memory_space<vmem>> -> memref<80x128xbf16, #tpu.memory_space<vmem>>
        %dma_wait3A_583 = arith.constant 0 : i32
        %dma_wait3A_584 = tpu.memref_slice %arg18[%add3A_399, %dma_wait3A_583] : memref<10000x128xbf16, #tpu.memory_space<vmem_shared>> -> memref<80x128xbf16, #tpu.memory_space<vmem_shared>>
        %dma_wait3A_585 = arith.constant 0 : i32
        %dma_wait3A_586 = arith.constant 0 : i32
        %dma_wait3A_587 = tpu.memref_slice %arg12[%dma_wait3A_585, %dma_wait3A_586] : memref<80x128xbf16, #tpu.memory_space<vmem>> -> memref<80x128xbf16, #tpu.memory_space<vmem>>
        %dma_wait3A_588 = arith.constant 0 : i32
        %dma_wait3A_589 = tpu.memref_slice %arg18[%add3A_399, %dma_wait3A_588] : memref<10000x128xbf16, #tpu.memory_space<vmem_shared>> -> memref<80x128xbf16, #tpu.memory_space<vmem_shared>>
        tpu.wait_dma2 semaphore(%run_scoped3A : memref<!tpu.dma_semaphore, #tpu.memory_space<semaphore_mem>>) src(%dma_wait3A_589 : memref<80x128xbf16, #tpu.memory_space<vmem_shared>>) dst(%dma_wait3A_587 : memref<80x128xbf16, #tpu.memory_space<vmem>>)
        tpu.yield
      }) : () -> ()
      %mul3A_400 = arith.constant 625 : i32
      %mul3A_401 = arith.muli %arg1, %mul3A_400 : i32
      %add3A_402 = arith.constant 240 : i32
      %add3A_403 = arith.addi %mul3A_401, %add3A_402 : i32
      %dma_start3A_404 = arith.constant 0 : i32
      %dma_start3A_405 = arith.constant 0 : i32
      %dma_start3A_406 = tpu.memref_slice %arg12[%dma_start3A_404, %dma_start3A_405] : memref<80x128xbf16, #tpu.memory_space<vmem>> -> memref<80x128xbf16, #tpu.memory_space<vmem>>
      %dma_start3A_407 = arith.constant 0 : i32
      %dma_start3A_408 = tpu.memref_slice %arg7[%add3A_403, %dma_start3A_407] : memref<10000x128xbf16, #tpu.memory_space<hbm>> -> memref<80x128xbf16, #tpu.memory_space<hbm>>
      %dma_start3A_409 = arith.constant 0 : i32
      %dma_start3A_410 = tpu.memref_slice %arg7[%add3A_403, %dma_start3A_409] : memref<10000x128xbf16, #tpu.memory_space<hbm>> -> memref<80x128xbf16, #tpu.memory_space<hbm>>
      %dma_start3A_411 = arith.constant 0 : i32
      %dma_start3A_412 = arith.constant 0 : i32
      %dma_start3A_413 = tpu.memref_slice %arg12[%dma_start3A_411, %dma_start3A_412] : memref<80x128xbf16, #tpu.memory_space<vmem>> -> memref<80x128xbf16, #tpu.memory_space<vmem>>
      tpu.enqueue_dma source(%dma_start3A_413 : memref<80x128xbf16, #tpu.memory_space<vmem>>) target(%dma_start3A_410 : memref<80x128xbf16, #tpu.memory_space<hbm>>) target_semaphore(%arg31 : memref<!tpu.dma_semaphore, #tpu.memory_space<semaphore_mem>>)
      %mul3A_414 = arith.constant 625 : i32
      %mul3A_415 = arith.muli %arg1, %mul3A_414 : i32
      %add3A_416 = arith.constant 160 : i32
      %add3A_417 = arith.addi %mul3A_415, %add3A_416 : i32
      %dma_wait3A_418 = arith.constant 0 : i32
      %dma_wait3A_419 = arith.constant 0 : i32
      %dma_wait3A_420 = tpu.memref_slice %arg11[%dma_wait3A_418, %dma_wait3A_419] : memref<80x128xbf16, #tpu.memory_space<vmem>> -> memref<80x128xbf16, #tpu.memory_space<vmem>>
      %dma_wait3A_421 = arith.constant 0 : i32
      %dma_wait3A_422 = tpu.memref_slice %arg7[%add3A_417, %dma_wait3A_421] : memref<10000x128xbf16, #tpu.memory_space<hbm>> -> memref<80x128xbf16, #tpu.memory_space<hbm>>
      %dma_wait3A_423 = arith.constant 0 : i32
      %dma_wait3A_424 = tpu.memref_slice %arg7[%add3A_417, %dma_wait3A_423] : memref<10000x128xbf16, #tpu.memory_space<hbm>> -> memref<80x128xbf16, #tpu.memory_space<hbm>>
      %dma_wait3A_425 = arith.constant 0 : i32
      %dma_wait3A_426 = arith.constant 0 : i32
      %dma_wait3A_427 = tpu.memref_slice %arg11[%dma_wait3A_425, %dma_wait3A_426] : memref<80x128xbf16, #tpu.memory_space<vmem>> -> memref<80x128xbf16, #tpu.memory_space<vmem>>
      tpu.wait_dma2 semaphore(%arg31 : memref<!tpu.dma_semaphore, #tpu.memory_space<semaphore_mem>>) src(%dma_wait3A_427 : memref<80x128xbf16, #tpu.memory_space<vmem>>) dst(%dma_wait3A_424 : memref<80x128xbf16, #tpu.memory_space<hbm>>)
      %mul3A_428 = arith.constant 625 : i32
      %mul3A_429 = arith.muli %arg1, %mul3A_428 : i32
      %add3A_430 = arith.constant 320 : i32
      %add3A_431 = arith.addi %mul3A_429, %add3A_430 : i32
      "tpu.region"() ({
        %run_scoped3A = tpu.sem_alloc : memref<!tpu.dma_semaphore, #tpu.memory_space<semaphore_mem>>
        %dma_start3A_570 = arith.constant 0 : i32
        %dma_start3A_571 = arith.constant 0 : i32
        %dma_start3A_572 = tpu.memref_slice %arg11[%dma_start3A_570, %dma_start3A_571] : memref<80x128xbf16, #tpu.memory_space<vmem>> -> memref<80x128xbf16, #tpu.memory_space<vmem>>
        %dma_start3A_573 = arith.constant 0 : i32
        %dma_start3A_574 = tpu.memref_slice %arg18[%add3A_431, %dma_start3A_573] : memref<10000x128xbf16, #tpu.memory_space<vmem_shared>> -> memref<80x128xbf16, #tpu.memory_space<vmem_shared>>
        %dma_start3A_575 = arith.constant 0 : i32
        %dma_start3A_576 = arith.constant 0 : i32
        %dma_start3A_577 = tpu.memref_slice %arg11[%dma_start3A_575, %dma_start3A_576] : memref<80x128xbf16, #tpu.memory_space<vmem>> -> memref<80x128xbf16, #tpu.memory_space<vmem>>
        %dma_start3A_578 = arith.constant 0 : i32
        %dma_start3A_579 = tpu.memref_slice %arg18[%add3A_431, %dma_start3A_578] : memref<10000x128xbf16, #tpu.memory_space<vmem_shared>> -> memref<80x128xbf16, #tpu.memory_space<vmem_shared>>
        tpu.enqueue_dma source(%dma_start3A_579 : memref<80x128xbf16, #tpu.memory_space<vmem_shared>>) target(%dma_start3A_577 : memref<80x128xbf16, #tpu.memory_space<vmem>>) target_semaphore(%run_scoped3A : memref<!tpu.dma_semaphore, #tpu.memory_space<semaphore_mem>>)
        %dma_wait3A_580 = arith.constant 0 : i32
        %dma_wait3A_581 = arith.constant 0 : i32
        %dma_wait3A_582 = tpu.memref_slice %arg11[%dma_wait3A_580, %dma_wait3A_581] : memref<80x128xbf16, #tpu.memory_space<vmem>> -> memref<80x128xbf16, #tpu.memory_space<vmem>>
        %dma_wait3A_583 = arith.constant 0 : i32
        %dma_wait3A_584 = tpu.memref_slice %arg18[%add3A_431, %dma_wait3A_583] : memref<10000x128xbf16, #tpu.memory_space<vmem_shared>> -> memref<80x128xbf16, #tpu.memory_space<vmem_shared>>
        %dma_wait3A_585 = arith.constant 0 : i32
        %dma_wait3A_586 = arith.constant 0 : i32
        %dma_wait3A_587 = tpu.memref_slice %arg11[%dma_wait3A_585, %dma_wait3A_586] : memref<80x128xbf16, #tpu.memory_space<vmem>> -> memref<80x128xbf16, #tpu.memory_space<vmem>>
        %dma_wait3A_588 = arith.constant 0 : i32
        %dma_wait3A_589 = tpu.memref_slice %arg18[%add3A_431, %dma_wait3A_588] : memref<10000x128xbf16, #tpu.memory_space<vmem_shared>> -> memref<80x128xbf16, #tpu.memory_space<vmem_shared>>
        tpu.wait_dma2 semaphore(%run_scoped3A : memref<!tpu.dma_semaphore, #tpu.memory_space<semaphore_mem>>) src(%dma_wait3A_589 : memref<80x128xbf16, #tpu.memory_space<vmem_shared>>) dst(%dma_wait3A_587 : memref<80x128xbf16, #tpu.memory_space<vmem>>)
        tpu.yield
      }) : () -> ()
      %mul3A_432 = arith.constant 625 : i32
      %mul3A_433 = arith.muli %arg1, %mul3A_432 : i32
      %add3A_434 = arith.constant 320 : i32
      %add3A_435 = arith.addi %mul3A_433, %add3A_434 : i32
      %dma_start3A_436 = arith.constant 0 : i32
      %dma_start3A_437 = arith.constant 0 : i32
      %dma_start3A_438 = tpu.memref_slice %arg11[%dma_start3A_436, %dma_start3A_437] : memref<80x128xbf16, #tpu.memory_space<vmem>> -> memref<80x128xbf16, #tpu.memory_space<vmem>>
      %dma_start3A_439 = arith.constant 0 : i32
      %dma_start3A_440 = tpu.memref_slice %arg7[%add3A_435, %dma_start3A_439] : memref<10000x128xbf16, #tpu.memory_space<hbm>> -> memref<80x128xbf16, #tpu.memory_space<hbm>>
      %dma_start3A_441 = arith.constant 0 : i32
      %dma_start3A_442 = tpu.memref_slice %arg7[%add3A_435, %dma_start3A_441] : memref<10000x128xbf16, #tpu.memory_space<hbm>> -> memref<80x128xbf16, #tpu.memory_space<hbm>>
      %dma_start3A_443 = arith.constant 0 : i32
      %dma_start3A_444 = arith.constant 0 : i32
      %dma_start3A_445 = tpu.memref_slice %arg11[%dma_start3A_443, %dma_start3A_444] : memref<80x128xbf16, #tpu.memory_space<vmem>> -> memref<80x128xbf16, #tpu.memory_space<vmem>>
      tpu.enqueue_dma source(%dma_start3A_445 : memref<80x128xbf16, #tpu.memory_space<vmem>>) target(%dma_start3A_442 : memref<80x128xbf16, #tpu.memory_space<hbm>>) target_semaphore(%arg31 : memref<!tpu.dma_semaphore, #tpu.memory_space<semaphore_mem>>)
      %mul3A_446 = arith.constant 625 : i32
      %mul3A_447 = arith.muli %arg1, %mul3A_446 : i32
      %add3A_448 = arith.constant 240 : i32
      %add3A_449 = arith.addi %mul3A_447, %add3A_448 : i32
      %dma_wait3A_450 = arith.constant 0 : i32
      %dma_wait3A_451 = arith.constant 0 : i32
      %dma_wait3A_452 = tpu.memref_slice %arg12[%dma_wait3A_450, %dma_wait3A_451] : memref<80x128xbf16, #tpu.memory_space<vmem>> -> memref<80x128xbf16, #tpu.memory_space<vmem>>
      %dma_wait3A_453 = arith.constant 0 : i32
      %dma_wait3A_454 = tpu.memref_slice %arg7[%add3A_449, %dma_wait3A_453] : memref<10000x128xbf16, #tpu.memory_space<hbm>> -> memref<80x128xbf16, #tpu.memory_space<hbm>>
      %dma_wait3A_455 = arith.constant 0 : i32
      %dma_wait3A_456 = tpu.memref_slice %arg7[%add3A_449, %dma_wait3A_455] : memref<10000x128xbf16, #tpu.memory_space<hbm>> -> memref<80x128xbf16, #tpu.memory_space<hbm>>
      %dma_wait3A_457 = arith.constant 0 : i32
      %dma_wait3A_458 = arith.constant 0 : i32
      %dma_wait3A_459 = tpu.memref_slice %arg12[%dma_wait3A_457, %dma_wait3A_458] : memref<80x128xbf16, #tpu.memory_space<vmem>> -> memref<80x128xbf16, #tpu.memory_space<vmem>>
      tpu.wait_dma2 semaphore(%arg31 : memref<!tpu.dma_semaphore, #tpu.memory_space<semaphore_mem>>) src(%dma_wait3A_459 : memref<80x128xbf16, #tpu.memory_space<vmem>>) dst(%dma_wait3A_456 : memref<80x128xbf16, #tpu.memory_space<hbm>>)
      %mul3A_460 = arith.constant 625 : i32
      %mul3A_461 = arith.muli %arg1, %mul3A_460 : i32
      %add3A_462 = arith.constant 400 : i32
      %add3A_463 = arith.addi %mul3A_461, %add3A_462 : i32
      "tpu.region"() ({
        %run_scoped3A = tpu.sem_alloc : memref<!tpu.dma_semaphore, #tpu.memory_space<semaphore_mem>>
        %dma_start3A_570 = arith.constant 0 : i32
        %dma_start3A_571 = arith.constant 0 : i32
        %dma_start3A_572 = tpu.memref_slice %arg12[%dma_start3A_570, %dma_start3A_571] : memref<80x128xbf16, #tpu.memory_space<vmem>> -> memref<80x128xbf16, #tpu.memory_space<vmem>>
        %dma_start3A_573 = arith.constant 0 : i32
        %dma_start3A_574 = tpu.memref_slice %arg18[%add3A_463, %dma_start3A_573] : memref<10000x128xbf16, #tpu.memory_space<vmem_shared>> -> memref<80x128xbf16, #tpu.memory_space<vmem_shared>>
        %dma_start3A_575 = arith.constant 0 : i32
        %dma_start3A_576 = arith.constant 0 : i32
        %dma_start3A_577 = tpu.memref_slice %arg12[%dma_start3A_575, %dma_start3A_576] : memref<80x128xbf16, #tpu.memory_space<vmem>> -> memref<80x128xbf16, #tpu.memory_space<vmem>>
        %dma_start3A_578 = arith.constant 0 : i32
        %dma_start3A_579 = tpu.memref_slice %arg18[%add3A_463, %dma_start3A_578] : memref<10000x128xbf16, #tpu.memory_space<vmem_shared>> -> memref<80x128xbf16, #tpu.memory_space<vmem_shared>>
        tpu.enqueue_dma source(%dma_start3A_579 : memref<80x128xbf16, #tpu.memory_space<vmem_shared>>) target(%dma_start3A_577 : memref<80x128xbf16, #tpu.memory_space<vmem>>) target_semaphore(%run_scoped3A : memref<!tpu.dma_semaphore, #tpu.memory_space<semaphore_mem>>)
        %dma_wait3A_580 = arith.constant 0 : i32
        %dma_wait3A_581 = arith.constant 0 : i32
        %dma_wait3A_582 = tpu.memref_slice %arg12[%dma_wait3A_580, %dma_wait3A_581] : memref<80x128xbf16, #tpu.memory_space<vmem>> -> memref<80x128xbf16, #tpu.memory_space<vmem>>
        %dma_wait3A_583 = arith.constant 0 : i32
        %dma_wait3A_584 = tpu.memref_slice %arg18[%add3A_463, %dma_wait3A_583] : memref<10000x128xbf16, #tpu.memory_space<vmem_shared>> -> memref<80x128xbf16, #tpu.memory_space<vmem_shared>>
        %dma_wait3A_585 = arith.constant 0 : i32
        %dma_wait3A_586 = arith.constant 0 : i32
        %dma_wait3A_587 = tpu.memref_slice %arg12[%dma_wait3A_585, %dma_wait3A_586] : memref<80x128xbf16, #tpu.memory_space<vmem>> -> memref<80x128xbf16, #tpu.memory_space<vmem>>
        %dma_wait3A_588 = arith.constant 0 : i32
        %dma_wait3A_589 = tpu.memref_slice %arg18[%add3A_463, %dma_wait3A_588] : memref<10000x128xbf16, #tpu.memory_space<vmem_shared>> -> memref<80x128xbf16, #tpu.memory_space<vmem_shared>>
        tpu.wait_dma2 semaphore(%run_scoped3A : memref<!tpu.dma_semaphore, #tpu.memory_space<semaphore_mem>>) src(%dma_wait3A_589 : memref<80x128xbf16, #tpu.memory_space<vmem_shared>>) dst(%dma_wait3A_587 : memref<80x128xbf16, #tpu.memory_space<vmem>>)
        tpu.yield
      }) : () -> ()
      %mul3A_464 = arith.constant 625 : i32
      %mul3A_465 = arith.muli %arg1, %mul3A_464 : i32
      %add3A_466 = arith.constant 400 : i32
      %add3A_467 = arith.addi %mul3A_465, %add3A_466 : i32
      %dma_start3A_468 = arith.constant 0 : i32
      %dma_start3A_469 = arith.constant 0 : i32
      %dma_start3A_470 = tpu.memref_slice %arg12[%dma_start3A_468, %dma_start3A_469] : memref<80x128xbf16, #tpu.memory_space<vmem>> -> memref<80x128xbf16, #tpu.memory_space<vmem>>
      %dma_start3A_471 = arith.constant 0 : i32
      %dma_start3A_472 = tpu.memref_slice %arg7[%add3A_467, %dma_start3A_471] : memref<10000x128xbf16, #tpu.memory_space<hbm>> -> memref<80x128xbf16, #tpu.memory_space<hbm>>
      %dma_start3A_473 = arith.constant 0 : i32
      %dma_start3A_474 = tpu.memref_slice %arg7[%add3A_467, %dma_start3A_473] : memref<10000x128xbf16, #tpu.memory_space<hbm>> -> memref<80x128xbf16, #tpu.memory_space<hbm>>
      %dma_start3A_475 = arith.constant 0 : i32
      %dma_start3A_476 = arith.constant 0 : i32
      %dma_start3A_477 = tpu.memref_slice %arg12[%dma_start3A_475, %dma_start3A_476] : memref<80x128xbf16, #tpu.memory_space<vmem>> -> memref<80x128xbf16, #tpu.memory_space<vmem>>
      tpu.enqueue_dma source(%dma_start3A_477 : memref<80x128xbf16, #tpu.memory_space<vmem>>) target(%dma_start3A_474 : memref<80x128xbf16, #tpu.memory_space<hbm>>) target_semaphore(%arg31 : memref<!tpu.dma_semaphore, #tpu.memory_space<semaphore_mem>>)
      %mul3A_478 = arith.constant 625 : i32
      %mul3A_479 = arith.muli %arg1, %mul3A_478 : i32
      %add3A_480 = arith.constant 320 : i32
      %add3A_481 = arith.addi %mul3A_479, %add3A_480 : i32
      %dma_wait3A_482 = arith.constant 0 : i32
      %dma_wait3A_483 = arith.constant 0 : i32
      %dma_wait3A_484 = tpu.memref_slice %arg11[%dma_wait3A_482, %dma_wait3A_483] : memref<80x128xbf16, #tpu.memory_space<vmem>> -> memref<80x128xbf16, #tpu.memory_space<vmem>>
      %dma_wait3A_485 = arith.constant 0 : i32
      %dma_wait3A_486 = tpu.memref_slice %arg7[%add3A_481, %dma_wait3A_485] : memref<10000x128xbf16, #tpu.memory_space<hbm>> -> memref<80x128xbf16, #tpu.memory_space<hbm>>
      %dma_wait3A_487 = arith.constant 0 : i32
      %dma_wait3A_488 = tpu.memref_slice %arg7[%add3A_481, %dma_wait3A_487] : memref<10000x128xbf16, #tpu.memory_space<hbm>> -> memref<80x128xbf16, #tpu.memory_space<hbm>>
      %dma_wait3A_489 = arith.constant 0 : i32
      %dma_wait3A_490 = arith.constant 0 : i32
      %dma_wait3A_491 = tpu.memref_slice %arg11[%dma_wait3A_489, %dma_wait3A_490] : memref<80x128xbf16, #tpu.memory_space<vmem>> -> memref<80x128xbf16, #tpu.memory_space<vmem>>
      tpu.wait_dma2 semaphore(%arg31 : memref<!tpu.dma_semaphore, #tpu.memory_space<semaphore_mem>>) src(%dma_wait3A_491 : memref<80x128xbf16, #tpu.memory_space<vmem>>) dst(%dma_wait3A_488 : memref<80x128xbf16, #tpu.memory_space<hbm>>)
      %mul3A_492 = arith.constant 625 : i32
      %mul3A_493 = arith.muli %arg1, %mul3A_492 : i32
      %add3A_494 = arith.constant 480 : i32
      %add3A_495 = arith.addi %mul3A_493, %add3A_494 : i32
      "tpu.region"() ({
        %run_scoped3A = tpu.sem_alloc : memref<!tpu.dma_semaphore, #tpu.memory_space<semaphore_mem>>
        %dma_start3A_570 = arith.constant 0 : i32
        %dma_start3A_571 = arith.constant 0 : i32
        %dma_start3A_572 = tpu.memref_slice %arg11[%dma_start3A_570, %dma_start3A_571] : memref<80x128xbf16, #tpu.memory_space<vmem>> -> memref<80x128xbf16, #tpu.memory_space<vmem>>
        %dma_start3A_573 = arith.constant 0 : i32
        %dma_start3A_574 = tpu.memref_slice %arg18[%add3A_495, %dma_start3A_573] : memref<10000x128xbf16, #tpu.memory_space<vmem_shared>> -> memref<80x128xbf16, #tpu.memory_space<vmem_shared>>
        %dma_start3A_575 = arith.constant 0 : i32
        %dma_start3A_576 = arith.constant 0 : i32
        %dma_start3A_577 = tpu.memref_slice %arg11[%dma_start3A_575, %dma_start3A_576] : memref<80x128xbf16, #tpu.memory_space<vmem>> -> memref<80x128xbf16, #tpu.memory_space<vmem>>
        %dma_start3A_578 = arith.constant 0 : i32
        %dma_start3A_579 = tpu.memref_slice %arg18[%add3A_495, %dma_start3A_578] : memref<10000x128xbf16, #tpu.memory_space<vmem_shared>> -> memref<80x128xbf16, #tpu.memory_space<vmem_shared>>
        tpu.enqueue_dma source(%dma_start3A_579 : memref<80x128xbf16, #tpu.memory_space<vmem_shared>>) target(%dma_start3A_577 : memref<80x128xbf16, #tpu.memory_space<vmem>>) target_semaphore(%run_scoped3A : memref<!tpu.dma_semaphore, #tpu.memory_space<semaphore_mem>>)
        %dma_wait3A_580 = arith.constant 0 : i32
        %dma_wait3A_581 = arith.constant 0 : i32
        %dma_wait3A_582 = tpu.memref_slice %arg11[%dma_wait3A_580, %dma_wait3A_581] : memref<80x128xbf16, #tpu.memory_space<vmem>> -> memref<80x128xbf16, #tpu.memory_space<vmem>>
        %dma_wait3A_583 = arith.constant 0 : i32
        %dma_wait3A_584 = tpu.memref_slice %arg18[%add3A_495, %dma_wait3A_583] : memref<10000x128xbf16, #tpu.memory_space<vmem_shared>> -> memref<80x128xbf16, #tpu.memory_space<vmem_shared>>
        %dma_wait3A_585 = arith.constant 0 : i32
        %dma_wait3A_586 = arith.constant 0 : i32
        %dma_wait3A_587 = tpu.memref_slice %arg11[%dma_wait3A_585, %dma_wait3A_586] : memref<80x128xbf16, #tpu.memory_space<vmem>> -> memref<80x128xbf16, #tpu.memory_space<vmem>>
        %dma_wait3A_588 = arith.constant 0 : i32
        %dma_wait3A_589 = tpu.memref_slice %arg18[%add3A_495, %dma_wait3A_588] : memref<10000x128xbf16, #tpu.memory_space<vmem_shared>> -> memref<80x128xbf16, #tpu.memory_space<vmem_shared>>
        tpu.wait_dma2 semaphore(%run_scoped3A : memref<!tpu.dma_semaphore, #tpu.memory_space<semaphore_mem>>) src(%dma_wait3A_589 : memref<80x128xbf16, #tpu.memory_space<vmem_shared>>) dst(%dma_wait3A_587 : memref<80x128xbf16, #tpu.memory_space<vmem>>)
        tpu.yield
      }) : () -> ()
      %mul3A_496 = arith.constant 625 : i32
      %mul3A_497 = arith.muli %arg1, %mul3A_496 : i32
      %add3A_498 = arith.constant 480 : i32
      %add3A_499 = arith.addi %mul3A_497, %add3A_498 : i32
      %dma_start3A_500 = arith.constant 0 : i32
      %dma_start3A_501 = arith.constant 0 : i32
      %dma_start3A_502 = tpu.memref_slice %arg11[%dma_start3A_500, %dma_start3A_501] : memref<80x128xbf16, #tpu.memory_space<vmem>> -> memref<80x128xbf16, #tpu.memory_space<vmem>>
      %dma_start3A_503 = arith.constant 0 : i32
      %dma_start3A_504 = tpu.memref_slice %arg7[%add3A_499, %dma_start3A_503] : memref<10000x128xbf16, #tpu.memory_space<hbm>> -> memref<80x128xbf16, #tpu.memory_space<hbm>>
      %dma_start3A_505 = arith.constant 0 : i32
      %dma_start3A_506 = tpu.memref_slice %arg7[%add3A_499, %dma_start3A_505] : memref<10000x128xbf16, #tpu.memory_space<hbm>> -> memref<80x128xbf16, #tpu.memory_space<hbm>>
      %dma_start3A_507 = arith.constant 0 : i32
      %dma_start3A_508 = arith.constant 0 : i32
      %dma_start3A_509 = tpu.memref_slice %arg11[%dma_start3A_507, %dma_start3A_508] : memref<80x128xbf16, #tpu.memory_space<vmem>> -> memref<80x128xbf16, #tpu.memory_space<vmem>>
      tpu.enqueue_dma source(%dma_start3A_509 : memref<80x128xbf16, #tpu.memory_space<vmem>>) target(%dma_start3A_506 : memref<80x128xbf16, #tpu.memory_space<hbm>>) target_semaphore(%arg31 : memref<!tpu.dma_semaphore, #tpu.memory_space<semaphore_mem>>)
      %mul3A_510 = arith.constant 625 : i32
      %mul3A_511 = arith.muli %arg1, %mul3A_510 : i32
      %add3A_512 = arith.constant 400 : i32
      %add3A_513 = arith.addi %mul3A_511, %add3A_512 : i32
      %dma_wait3A_514 = arith.constant 0 : i32
      %dma_wait3A_515 = arith.constant 0 : i32
      %dma_wait3A_516 = tpu.memref_slice %arg12[%dma_wait3A_514, %dma_wait3A_515] : memref<80x128xbf16, #tpu.memory_space<vmem>> -> memref<80x128xbf16, #tpu.memory_space<vmem>>
      %dma_wait3A_517 = arith.constant 0 : i32
      %dma_wait3A_518 = tpu.memref_slice %arg7[%add3A_513, %dma_wait3A_517] : memref<10000x128xbf16, #tpu.memory_space<hbm>> -> memref<80x128xbf16, #tpu.memory_space<hbm>>
      %dma_wait3A_519 = arith.constant 0 : i32
      %dma_wait3A_520 = tpu.memref_slice %arg7[%add3A_513, %dma_wait3A_519] : memref<10000x128xbf16, #tpu.memory_space<hbm>> -> memref<80x128xbf16, #tpu.memory_space<hbm>>
      %dma_wait3A_521 = arith.constant 0 : i32
      %dma_wait3A_522 = arith.constant 0 : i32
      %dma_wait3A_523 = tpu.memref_slice %arg12[%dma_wait3A_521, %dma_wait3A_522] : memref<80x128xbf16, #tpu.memory_space<vmem>> -> memref<80x128xbf16, #tpu.memory_space<vmem>>
      tpu.wait_dma2 semaphore(%arg31 : memref<!tpu.dma_semaphore, #tpu.memory_space<semaphore_mem>>) src(%dma_wait3A_523 : memref<80x128xbf16, #tpu.memory_space<vmem>>) dst(%dma_wait3A_520 : memref<80x128xbf16, #tpu.memory_space<hbm>>)
      %mul3A_524 = arith.constant 625 : i32
      %mul3A_525 = arith.muli %arg1, %mul3A_524 : i32
      %add3A_526 = arith.constant 560 : i32
      %add3A_527 = arith.addi %mul3A_525, %add3A_526 : i32
      "tpu.region"() ({
        %run_scoped3A = tpu.sem_alloc : memref<!tpu.dma_semaphore, #tpu.memory_space<semaphore_mem>>
        %dma_start3A_570 = arith.constant 0 : i32
        %dma_start3A_571 = arith.constant 0 : i32
        %dma_start3A_572 = tpu.memref_slice %arg12[%dma_start3A_570, %dma_start3A_571] : memref<80x128xbf16, #tpu.memory_space<vmem>> -> memref<65x128xbf16, #tpu.memory_space<vmem>>
        %dma_start3A_573 = arith.constant 0 : i32
        %dma_start3A_574 = tpu.memref_slice %arg18[%add3A_527, %dma_start3A_573] : memref<10000x128xbf16, #tpu.memory_space<vmem_shared>> -> memref<65x128xbf16, #tpu.memory_space<vmem_shared>>
        %dma_start3A_575 = arith.constant 0 : i32
        %dma_start3A_576 = arith.constant 0 : i32
        %dma_start3A_577 = tpu.memref_slice %arg12[%dma_start3A_575, %dma_start3A_576] : memref<80x128xbf16, #tpu.memory_space<vmem>> -> memref<65x128xbf16, #tpu.memory_space<vmem>>
        %dma_start3A_578 = arith.constant 0 : i32
        %dma_start3A_579 = tpu.memref_slice %arg18[%add3A_527, %dma_start3A_578] : memref<10000x128xbf16, #tpu.memory_space<vmem_shared>> -> memref<65x128xbf16, #tpu.memory_space<vmem_shared>>
        tpu.enqueue_dma source(%dma_start3A_579 : memref<65x128xbf16, #tpu.memory_space<vmem_shared>>) target(%dma_start3A_577 : memref<65x128xbf16, #tpu.memory_space<vmem>>) target_semaphore(%run_scoped3A : memref<!tpu.dma_semaphore, #tpu.memory_space<semaphore_mem>>)
        %dma_wait3A_580 = arith.constant 0 : i32
        %dma_wait3A_581 = arith.constant 0 : i32
        %dma_wait3A_582 = tpu.memref_slice %arg12[%dma_wait3A_580, %dma_wait3A_581] : memref<80x128xbf16, #tpu.memory_space<vmem>> -> memref<65x128xbf16, #tpu.memory_space<vmem>>
        %dma_wait3A_583 = arith.constant 0 : i32
        %dma_wait3A_584 = tpu.memref_slice %arg18[%add3A_527, %dma_wait3A_583] : memref<10000x128xbf16, #tpu.memory_space<vmem_shared>> -> memref<65x128xbf16, #tpu.memory_space<vmem_shared>>
        %dma_wait3A_585 = arith.constant 0 : i32
        %dma_wait3A_586 = arith.constant 0 : i32
        %dma_wait3A_587 = tpu.memref_slice %arg12[%dma_wait3A_585, %dma_wait3A_586] : memref<80x128xbf16, #tpu.memory_space<vmem>> -> memref<65x128xbf16, #tpu.memory_space<vmem>>
        %dma_wait3A_588 = arith.constant 0 : i32
        %dma_wait3A_589 = tpu.memref_slice %arg18[%add3A_527, %dma_wait3A_588] : memref<10000x128xbf16, #tpu.memory_space<vmem_shared>> -> memref<65x128xbf16, #tpu.memory_space<vmem_shared>>
        tpu.wait_dma2 semaphore(%run_scoped3A : memref<!tpu.dma_semaphore, #tpu.memory_space<semaphore_mem>>) src(%dma_wait3A_589 : memref<65x128xbf16, #tpu.memory_space<vmem_shared>>) dst(%dma_wait3A_587 : memref<65x128xbf16, #tpu.memory_space<vmem>>)
        tpu.yield
      }) : () -> ()
      %mul3A_528 = arith.constant 625 : i32
      %mul3A_529 = arith.muli %arg1, %mul3A_528 : i32
      %add3A_530 = arith.constant 560 : i32
      %add3A_531 = arith.addi %mul3A_529, %add3A_530 : i32
      %dma_start3A_532 = arith.constant 0 : i32
      %dma_start3A_533 = arith.constant 0 : i32
      %dma_start3A_534 = tpu.memref_slice %arg12[%dma_start3A_532, %dma_start3A_533] : memref<80x128xbf16, #tpu.memory_space<vmem>> -> memref<65x128xbf16, #tpu.memory_space<vmem>>
      %dma_start3A_535 = arith.constant 0 : i32
      %dma_start3A_536 = tpu.memref_slice %arg7[%add3A_531, %dma_start3A_535] : memref<10000x128xbf16, #tpu.memory_space<hbm>> -> memref<65x128xbf16, #tpu.memory_space<hbm>>
      %dma_start3A_537 = arith.constant 0 : i32
      %dma_start3A_538 = tpu.memref_slice %arg7[%add3A_531, %dma_start3A_537] : memref<10000x128xbf16, #tpu.memory_space<hbm>> -> memref<65x128xbf16, #tpu.memory_space<hbm>>
      %dma_start3A_539 = arith.constant 0 : i32
      %dma_start3A_540 = arith.constant 0 : i32
      %dma_start3A_541 = tpu.memref_slice %arg12[%dma_start3A_539, %dma_start3A_540] : memref<80x128xbf16, #tpu.memory_space<vmem>> -> memref<65x128xbf16, #tpu.memory_space<vmem>>
      tpu.enqueue_dma source(%dma_start3A_541 : memref<65x128xbf16, #tpu.memory_space<vmem>>) target(%dma_start3A_538 : memref<65x128xbf16, #tpu.memory_space<hbm>>) target_semaphore(%arg31 : memref<!tpu.dma_semaphore, #tpu.memory_space<semaphore_mem>>)
      %mul3A_542 = arith.constant 625 : i32
      %mul3A_543 = arith.muli %arg1, %mul3A_542 : i32
      %add3A_544 = arith.constant 480 : i32
      %add3A_545 = arith.addi %mul3A_543, %add3A_544 : i32
      %dma_wait3A_546 = arith.constant 0 : i32
      %dma_wait3A_547 = arith.constant 0 : i32
      %dma_wait3A_548 = tpu.memref_slice %arg11[%dma_wait3A_546, %dma_wait3A_547] : memref<80x128xbf16, #tpu.memory_space<vmem>> -> memref<80x128xbf16, #tpu.memory_space<vmem>>
      %dma_wait3A_549 = arith.constant 0 : i32
      %dma_wait3A_550 = tpu.memref_slice %arg7[%add3A_545, %dma_wait3A_549] : memref<10000x128xbf16, #tpu.memory_space<hbm>> -> memref<80x128xbf16, #tpu.memory_space<hbm>>
      %dma_wait3A_551 = arith.constant 0 : i32
      %dma_wait3A_552 = tpu.memref_slice %arg7[%add3A_545, %dma_wait3A_551] : memref<10000x128xbf16, #tpu.memory_space<hbm>> -> memref<80x128xbf16, #tpu.memory_space<hbm>>
      %dma_wait3A_553 = arith.constant 0 : i32
      %dma_wait3A_554 = arith.constant 0 : i32
      %dma_wait3A_555 = tpu.memref_slice %arg11[%dma_wait3A_553, %dma_wait3A_554] : memref<80x128xbf16, #tpu.memory_space<vmem>> -> memref<80x128xbf16, #tpu.memory_space<vmem>>
      tpu.wait_dma2 semaphore(%arg31 : memref<!tpu.dma_semaphore, #tpu.memory_space<semaphore_mem>>) src(%dma_wait3A_555 : memref<80x128xbf16, #tpu.memory_space<vmem>>) dst(%dma_wait3A_552 : memref<80x128xbf16, #tpu.memory_space<hbm>>)
      %mul3A_556 = arith.constant 625 : i32
      %mul3A_557 = arith.muli %arg1, %mul3A_556 : i32
      %add3A_558 = arith.constant 560 : i32
      %add3A_559 = arith.addi %mul3A_557, %add3A_558 : i32
      %dma_wait3A_560 = arith.constant 0 : i32
      %dma_wait3A_561 = arith.constant 0 : i32
      %dma_wait3A_562 = tpu.memref_slice %arg12[%dma_wait3A_560, %dma_wait3A_561] : memref<80x128xbf16, #tpu.memory_space<vmem>> -> memref<65x128xbf16, #tpu.memory_space<vmem>>
      %dma_wait3A_563 = arith.constant 0 : i32
      %dma_wait3A_564 = tpu.memref_slice %arg7[%add3A_559, %dma_wait3A_563] : memref<10000x128xbf16, #tpu.memory_space<hbm>> -> memref<65x128xbf16, #tpu.memory_space<hbm>>
      %dma_wait3A_565 = arith.constant 0 : i32
      %dma_wait3A_566 = tpu.memref_slice %arg7[%add3A_559, %dma_wait3A_565] : memref<10000x128xbf16, #tpu.memory_space<hbm>> -> memref<65x128xbf16, #tpu.memory_space<hbm>>
      %dma_wait3A_567 = arith.constant 0 : i32
      %dma_wait3A_568 = arith.constant 0 : i32
      %dma_wait3A_569 = tpu.memref_slice %arg12[%dma_wait3A_567, %dma_wait3A_568] : memref<80x128xbf16, #tpu.memory_space<vmem>> -> memref<65x128xbf16, #tpu.memory_space<vmem>>
      tpu.wait_dma2 semaphore(%arg31 : memref<!tpu.dma_semaphore, #tpu.memory_space<semaphore_mem>>) src(%dma_wait3A_569 : memref<65x128xbf16, #tpu.memory_space<vmem>>) dst(%dma_wait3A_566 : memref<65x128xbf16, #tpu.memory_space<hbm>>)
    } else {
    }
    %eq3A_309 = arith.constant 0 : i32
    %eq3A_310 = arith.cmpi eq, %arg0, %eq3A_309 : i32
    %convert_element_type3A_311 = arith.extui %eq3A_310 : i1 to i32
    %cond3A_312 = arith.constant 0 : i32
    %cond3A_313 = arith.cmpi ne, %convert_element_type3A_311, %cond3A_312 : i32
    scf.if %cond3A_313 {
      %mul3A_314 = arith.constant 5 : i32
      %mul3A_315 = arith.muli %mul3A_314, %arg1 : i32
      "tpu.region"() ({
        %run_scoped3A = tpu.sem_alloc : memref<!tpu.dma_semaphore, #tpu.memory_space<semaphore_mem>>
        %dma_start3A_466 = arith.constant 0 : i32
        %dma_start3A_467 = arith.constant 0 : i32
        %dma_start3A_468 = tpu.memref_slice %arg16[%dma_start3A_466, %dma_start3A_467] : memref<80x128xf32, #tpu.memory_space<vmem>> -> memref<5x128xf32, #tpu.memory_space<vmem>>
        %dma_start3A_469 = arith.constant 0 : i32
        %dma_start3A_470 = tpu.memref_slice %arg19[%mul3A_315, %dma_start3A_469] : memref<80x128xf32, #tpu.memory_space<vmem_shared>> -> memref<5x128xf32, #tpu.memory_space<vmem_shared>>
        %dma_start3A_471 = arith.constant 0 : i32
        %dma_start3A_472 = arith.constant 0 : i32
        %dma_start3A_473 = tpu.memref_slice %arg16[%dma_start3A_471, %dma_start3A_472] : memref<80x128xf32, #tpu.memory_space<vmem>> -> memref<5x128xf32, #tpu.memory_space<vmem>>
        %dma_start3A_474 = arith.constant 0 : i32
        %dma_start3A_475 = tpu.memref_slice %arg19[%mul3A_315, %dma_start3A_474] : memref<80x128xf32, #tpu.memory_space<vmem_shared>> -> memref<5x128xf32, #tpu.memory_space<vmem_shared>>
        tpu.enqueue_dma source(%dma_start3A_475 : memref<5x128xf32, #tpu.memory_space<vmem_shared>>) target(%dma_start3A_473 : memref<5x128xf32, #tpu.memory_space<vmem>>) target_semaphore(%run_scoped3A : memref<!tpu.dma_semaphore, #tpu.memory_space<semaphore_mem>>)
        %dma_wait3A_476 = arith.constant 0 : i32
        %dma_wait3A_477 = arith.constant 0 : i32
        %dma_wait3A_478 = tpu.memref_slice %arg16[%dma_wait3A_476, %dma_wait3A_477] : memref<80x128xf32, #tpu.memory_space<vmem>> -> memref<5x128xf32, #tpu.memory_space<vmem>>
        %dma_wait3A_479 = arith.constant 0 : i32
        %dma_wait3A_480 = tpu.memref_slice %arg19[%mul3A_315, %dma_wait3A_479] : memref<80x128xf32, #tpu.memory_space<vmem_shared>> -> memref<5x128xf32, #tpu.memory_space<vmem_shared>>
        %dma_wait3A_481 = arith.constant 0 : i32
        %dma_wait3A_482 = arith.constant 0 : i32
        %dma_wait3A_483 = tpu.memref_slice %arg16[%dma_wait3A_481, %dma_wait3A_482] : memref<80x128xf32, #tpu.memory_space<vmem>> -> memref<5x128xf32, #tpu.memory_space<vmem>>
        %dma_wait3A_484 = arith.constant 0 : i32
        %dma_wait3A_485 = tpu.memref_slice %arg19[%mul3A_315, %dma_wait3A_484] : memref<80x128xf32, #tpu.memory_space<vmem_shared>> -> memref<5x128xf32, #tpu.memory_space<vmem_shared>>
        tpu.wait_dma2 semaphore(%run_scoped3A : memref<!tpu.dma_semaphore, #tpu.memory_space<semaphore_mem>>) src(%dma_wait3A_485 : memref<5x128xf32, #tpu.memory_space<vmem_shared>>) dst(%dma_wait3A_483 : memref<5x128xf32, #tpu.memory_space<vmem>>)
        tpu.yield
      }) : () -> ()
      %mul3A_316 = arith.constant 5 : i32
      %mul3A_317 = arith.muli %mul3A_316, %arg1 : i32
      %add3A_318 = arith.constant 0 : i32
      %add3A_319 = arith.addi %mul3A_317, %add3A_318 : i32
      %mul3A_320 = arith.constant 128 : i32
      %mul3A_321 = arith.muli %add3A_319, %mul3A_320 : i32
      %dma_start3A_322 = arith.constant 0 : i32
      %dma_start3A_323 = arith.constant 0 : i32
      %dma_start3A_324 = tpu.memref_slice %arg16[%dma_start3A_322, %dma_start3A_323] : memref<80x128xf32, #tpu.memory_space<vmem>> -> memref<1x128xf32, #tpu.memory_space<vmem>>
      %dma_start3A_325 = tpu.memref_squeeze %dma_start3A_324 : memref<1x128xf32, #tpu.memory_space<vmem>> -> memref<128xf32, #tpu.memory_space<vmem>>
      %dma_start3A_326 = tpu.memref_slice %arg8[%mul3A_321] : memref<10240xf32, #tpu.memory_space<hbm>> -> memref<128xf32, #tpu.memory_space<hbm>>
      %dma_start3A_327 = tpu.memref_slice %arg8[%mul3A_321] : memref<10240xf32, #tpu.memory_space<hbm>> -> memref<128xf32, #tpu.memory_space<hbm>>
      %dma_start3A_328 = arith.constant 0 : i32
      %dma_start3A_329 = tpu.memref_slice %arg16[%dma_start3A_322, %dma_start3A_328] : memref<80x128xf32, #tpu.memory_space<vmem>> -> memref<1x128xf32, #tpu.memory_space<vmem>>
      %dma_start3A_330 = tpu.memref_squeeze %dma_start3A_329 : memref<1x128xf32, #tpu.memory_space<vmem>> -> memref<128xf32, #tpu.memory_space<vmem>>
      tpu.enqueue_dma source(%dma_start3A_330 : memref<128xf32, #tpu.memory_space<vmem>>) target(%dma_start3A_327 : memref<128xf32, #tpu.memory_space<hbm>>) target_semaphore(%arg31 : memref<!tpu.dma_semaphore, #tpu.memory_space<semaphore_mem>>)
      %mul3A_331 = arith.constant 5 : i32
      %mul3A_332 = arith.muli %mul3A_331, %arg1 : i32
      %add3A_333 = arith.constant 1 : i32
      %add3A_334 = arith.addi %mul3A_332, %add3A_333 : i32
      %mul3A_335 = arith.constant 128 : i32
      %mul3A_336 = arith.muli %add3A_334, %mul3A_335 : i32
      %dma_start3A_337 = arith.constant 1 : i32
      %dma_start3A_338 = arith.constant 0 : i32
      %dma_start3A_339 = tpu.memref_slice %arg16[%dma_start3A_337, %dma_start3A_338] : memref<80x128xf32, #tpu.memory_space<vmem>> -> memref<1x128xf32, #tpu.memory_space<vmem>>
      %dma_start3A_340 = tpu.memref_squeeze %dma_start3A_339 : memref<1x128xf32, #tpu.memory_space<vmem>> -> memref<128xf32, #tpu.memory_space<vmem>>
      %dma_start3A_341 = tpu.memref_slice %arg8[%mul3A_336] : memref<10240xf32, #tpu.memory_space<hbm>> -> memref<128xf32, #tpu.memory_space<hbm>>
      %dma_start3A_342 = tpu.memref_slice %arg8[%mul3A_336] : memref<10240xf32, #tpu.memory_space<hbm>> -> memref<128xf32, #tpu.memory_space<hbm>>
      %dma_start3A_343 = arith.constant 0 : i32
      %dma_start3A_344 = tpu.memref_slice %arg16[%dma_start3A_337, %dma_start3A_343] : memref<80x128xf32, #tpu.memory_space<vmem>> -> memref<1x128xf32, #tpu.memory_space<vmem>>
      %dma_start3A_345 = tpu.memref_squeeze %dma_start3A_344 : memref<1x128xf32, #tpu.memory_space<vmem>> -> memref<128xf32, #tpu.memory_space<vmem>>
      tpu.enqueue_dma source(%dma_start3A_345 : memref<128xf32, #tpu.memory_space<vmem>>) target(%dma_start3A_342 : memref<128xf32, #tpu.memory_space<hbm>>) target_semaphore(%arg31 : memref<!tpu.dma_semaphore, #tpu.memory_space<semaphore_mem>>)
      %mul3A_346 = arith.constant 5 : i32
      %mul3A_347 = arith.muli %mul3A_346, %arg1 : i32
      %add3A_348 = arith.constant 2 : i32
      %add3A_349 = arith.addi %mul3A_347, %add3A_348 : i32
      %mul3A_350 = arith.constant 128 : i32
      %mul3A_351 = arith.muli %add3A_349, %mul3A_350 : i32
      %dma_start3A_352 = arith.constant 2 : i32
      %dma_start3A_353 = arith.constant 0 : i32
      %dma_start3A_354 = tpu.memref_slice %arg16[%dma_start3A_352, %dma_start3A_353] : memref<80x128xf32, #tpu.memory_space<vmem>> -> memref<1x128xf32, #tpu.memory_space<vmem>>
      %dma_start3A_355 = tpu.memref_squeeze %dma_start3A_354 : memref<1x128xf32, #tpu.memory_space<vmem>> -> memref<128xf32, #tpu.memory_space<vmem>>
      %dma_start3A_356 = tpu.memref_slice %arg8[%mul3A_351] : memref<10240xf32, #tpu.memory_space<hbm>> -> memref<128xf32, #tpu.memory_space<hbm>>
      %dma_start3A_357 = tpu.memref_slice %arg8[%mul3A_351] : memref<10240xf32, #tpu.memory_space<hbm>> -> memref<128xf32, #tpu.memory_space<hbm>>
      %dma_start3A_358 = arith.constant 0 : i32
      %dma_start3A_359 = tpu.memref_slice %arg16[%dma_start3A_352, %dma_start3A_358] : memref<80x128xf32, #tpu.memory_space<vmem>> -> memref<1x128xf32, #tpu.memory_space<vmem>>
      %dma_start3A_360 = tpu.memref_squeeze %dma_start3A_359 : memref<1x128xf32, #tpu.memory_space<vmem>> -> memref<128xf32, #tpu.memory_space<vmem>>
      tpu.enqueue_dma source(%dma_start3A_360 : memref<128xf32, #tpu.memory_space<vmem>>) target(%dma_start3A_357 : memref<128xf32, #tpu.memory_space<hbm>>) target_semaphore(%arg31 : memref<!tpu.dma_semaphore, #tpu.memory_space<semaphore_mem>>)
      %mul3A_361 = arith.constant 5 : i32
      %mul3A_362 = arith.muli %mul3A_361, %arg1 : i32
      %add3A_363 = arith.constant 3 : i32
      %add3A_364 = arith.addi %mul3A_362, %add3A_363 : i32
      %mul3A_365 = arith.constant 128 : i32
      %mul3A_366 = arith.muli %add3A_364, %mul3A_365 : i32
      %dma_start3A_367 = arith.constant 3 : i32
      %dma_start3A_368 = arith.constant 0 : i32
      %dma_start3A_369 = tpu.memref_slice %arg16[%dma_start3A_367, %dma_start3A_368] : memref<80x128xf32, #tpu.memory_space<vmem>> -> memref<1x128xf32, #tpu.memory_space<vmem>>
      %dma_start3A_370 = tpu.memref_squeeze %dma_start3A_369 : memref<1x128xf32, #tpu.memory_space<vmem>> -> memref<128xf32, #tpu.memory_space<vmem>>
      %dma_start3A_371 = tpu.memref_slice %arg8[%mul3A_366] : memref<10240xf32, #tpu.memory_space<hbm>> -> memref<128xf32, #tpu.memory_space<hbm>>
      %dma_start3A_372 = tpu.memref_slice %arg8[%mul3A_366] : memref<10240xf32, #tpu.memory_space<hbm>> -> memref<128xf32, #tpu.memory_space<hbm>>
      %dma_start3A_373 = arith.constant 0 : i32
      %dma_start3A_374 = tpu.memref_slice %arg16[%dma_start3A_367, %dma_start3A_373] : memref<80x128xf32, #tpu.memory_space<vmem>> -> memref<1x128xf32, #tpu.memory_space<vmem>>
      %dma_start3A_375 = tpu.memref_squeeze %dma_start3A_374 : memref<1x128xf32, #tpu.memory_space<vmem>> -> memref<128xf32, #tpu.memory_space<vmem>>
      tpu.enqueue_dma source(%dma_start3A_375 : memref<128xf32, #tpu.memory_space<vmem>>) target(%dma_start3A_372 : memref<128xf32, #tpu.memory_space<hbm>>) target_semaphore(%arg31 : memref<!tpu.dma_semaphore, #tpu.memory_space<semaphore_mem>>)
      %mul3A_376 = arith.constant 5 : i32
      %mul3A_377 = arith.muli %mul3A_376, %arg1 : i32
      %add3A_378 = arith.constant 4 : i32
      %add3A_379 = arith.addi %mul3A_377, %add3A_378 : i32
      %mul3A_380 = arith.constant 128 : i32
      %mul3A_381 = arith.muli %add3A_379, %mul3A_380 : i32
      %dma_start3A_382 = arith.constant 4 : i32
      %dma_start3A_383 = arith.constant 0 : i32
      %dma_start3A_384 = tpu.memref_slice %arg16[%dma_start3A_382, %dma_start3A_383] : memref<80x128xf32, #tpu.memory_space<vmem>> -> memref<1x128xf32, #tpu.memory_space<vmem>>
      %dma_start3A_385 = tpu.memref_squeeze %dma_start3A_384 : memref<1x128xf32, #tpu.memory_space<vmem>> -> memref<128xf32, #tpu.memory_space<vmem>>
      %dma_start3A_386 = tpu.memref_slice %arg8[%mul3A_381] : memref<10240xf32, #tpu.memory_space<hbm>> -> memref<128xf32, #tpu.memory_space<hbm>>
      %dma_start3A_387 = tpu.memref_slice %arg8[%mul3A_381] : memref<10240xf32, #tpu.memory_space<hbm>> -> memref<128xf32, #tpu.memory_space<hbm>>
      %dma_start3A_388 = arith.constant 0 : i32
      %dma_start3A_389 = tpu.memref_slice %arg16[%dma_start3A_382, %dma_start3A_388] : memref<80x128xf32, #tpu.memory_space<vmem>> -> memref<1x128xf32, #tpu.memory_space<vmem>>
      %dma_start3A_390 = tpu.memref_squeeze %dma_start3A_389 : memref<1x128xf32, #tpu.memory_space<vmem>> -> memref<128xf32, #tpu.memory_space<vmem>>
      tpu.enqueue_dma source(%dma_start3A_390 : memref<128xf32, #tpu.memory_space<vmem>>) target(%dma_start3A_387 : memref<128xf32, #tpu.memory_space<hbm>>) target_semaphore(%arg31 : memref<!tpu.dma_semaphore, #tpu.memory_space<semaphore_mem>>)
      %mul3A_391 = arith.constant 5 : i32
      %mul3A_392 = arith.muli %mul3A_391, %arg1 : i32
      %add3A_393 = arith.constant 0 : i32
      %add3A_394 = arith.addi %mul3A_392, %add3A_393 : i32
      %mul3A_395 = arith.constant 128 : i32
      %mul3A_396 = arith.muli %add3A_394, %mul3A_395 : i32
      %dma_wait3A_397 = arith.constant 0 : i32
      %dma_wait3A_398 = arith.constant 0 : i32
      %dma_wait3A_399 = tpu.memref_slice %arg16[%dma_wait3A_397, %dma_wait3A_398] : memref<80x128xf32, #tpu.memory_space<vmem>> -> memref<1x128xf32, #tpu.memory_space<vmem>>
      %dma_wait3A_400 = tpu.memref_squeeze %dma_wait3A_399 : memref<1x128xf32, #tpu.memory_space<vmem>> -> memref<128xf32, #tpu.memory_space<vmem>>
      %dma_wait3A_401 = tpu.memref_slice %arg8[%mul3A_396] : memref<10240xf32, #tpu.memory_space<hbm>> -> memref<128xf32, #tpu.memory_space<hbm>>
      %dma_wait3A_402 = tpu.memref_slice %arg8[%mul3A_396] : memref<10240xf32, #tpu.memory_space<hbm>> -> memref<128xf32, #tpu.memory_space<hbm>>
      %dma_wait3A_403 = arith.constant 0 : i32
      %dma_wait3A_404 = tpu.memref_slice %arg16[%dma_wait3A_397, %dma_wait3A_403] : memref<80x128xf32, #tpu.memory_space<vmem>> -> memref<1x128xf32, #tpu.memory_space<vmem>>
      %dma_wait3A_405 = tpu.memref_squeeze %dma_wait3A_404 : memref<1x128xf32, #tpu.memory_space<vmem>> -> memref<128xf32, #tpu.memory_space<vmem>>
      tpu.wait_dma2 semaphore(%arg31 : memref<!tpu.dma_semaphore, #tpu.memory_space<semaphore_mem>>) src(%dma_wait3A_405 : memref<128xf32, #tpu.memory_space<vmem>>) dst(%dma_wait3A_402 : memref<128xf32, #tpu.memory_space<hbm>>)
      %mul3A_406 = arith.constant 5 : i32
      %mul3A_407 = arith.muli %mul3A_406, %arg1 : i32
      %add3A_408 = arith.constant 1 : i32
      %add3A_409 = arith.addi %mul3A_407, %add3A_408 : i32
      %mul3A_410 = arith.constant 128 : i32
      %mul3A_411 = arith.muli %add3A_409, %mul3A_410 : i32
      %dma_wait3A_412 = arith.constant 1 : i32
      %dma_wait3A_413 = arith.constant 0 : i32
      %dma_wait3A_414 = tpu.memref_slice %arg16[%dma_wait3A_412, %dma_wait3A_413] : memref<80x128xf32, #tpu.memory_space<vmem>> -> memref<1x128xf32, #tpu.memory_space<vmem>>
      %dma_wait3A_415 = tpu.memref_squeeze %dma_wait3A_414 : memref<1x128xf32, #tpu.memory_space<vmem>> -> memref<128xf32, #tpu.memory_space<vmem>>
      %dma_wait3A_416 = tpu.memref_slice %arg8[%mul3A_411] : memref<10240xf32, #tpu.memory_space<hbm>> -> memref<128xf32, #tpu.memory_space<hbm>>
      %dma_wait3A_417 = tpu.memref_slice %arg8[%mul3A_411] : memref<10240xf32, #tpu.memory_space<hbm>> -> memref<128xf32, #tpu.memory_space<hbm>>
      %dma_wait3A_418 = arith.constant 0 : i32
      %dma_wait3A_419 = tpu.memref_slice %arg16[%dma_wait3A_412, %dma_wait3A_418] : memref<80x128xf32, #tpu.memory_space<vmem>> -> memref<1x128xf32, #tpu.memory_space<vmem>>
      %dma_wait3A_420 = tpu.memref_squeeze %dma_wait3A_419 : memref<1x128xf32, #tpu.memory_space<vmem>> -> memref<128xf32, #tpu.memory_space<vmem>>
      tpu.wait_dma2 semaphore(%arg31 : memref<!tpu.dma_semaphore, #tpu.memory_space<semaphore_mem>>) src(%dma_wait3A_420 : memref<128xf32, #tpu.memory_space<vmem>>) dst(%dma_wait3A_417 : memref<128xf32, #tpu.memory_space<hbm>>)
      %mul3A_421 = arith.constant 5 : i32
      %mul3A_422 = arith.muli %mul3A_421, %arg1 : i32
      %add3A_423 = arith.constant 2 : i32
      %add3A_424 = arith.addi %mul3A_422, %add3A_423 : i32
      %mul3A_425 = arith.constant 128 : i32
      %mul3A_426 = arith.muli %add3A_424, %mul3A_425 : i32
      %dma_wait3A_427 = arith.constant 2 : i32
      %dma_wait3A_428 = arith.constant 0 : i32
      %dma_wait3A_429 = tpu.memref_slice %arg16[%dma_wait3A_427, %dma_wait3A_428] : memref<80x128xf32, #tpu.memory_space<vmem>> -> memref<1x128xf32, #tpu.memory_space<vmem>>
      %dma_wait3A_430 = tpu.memref_squeeze %dma_wait3A_429 : memref<1x128xf32, #tpu.memory_space<vmem>> -> memref<128xf32, #tpu.memory_space<vmem>>
      %dma_wait3A_431 = tpu.memref_slice %arg8[%mul3A_426] : memref<10240xf32, #tpu.memory_space<hbm>> -> memref<128xf32, #tpu.memory_space<hbm>>
      %dma_wait3A_432 = tpu.memref_slice %arg8[%mul3A_426] : memref<10240xf32, #tpu.memory_space<hbm>> -> memref<128xf32, #tpu.memory_space<hbm>>
      %dma_wait3A_433 = arith.constant 0 : i32
      %dma_wait3A_434 = tpu.memref_slice %arg16[%dma_wait3A_427, %dma_wait3A_433] : memref<80x128xf32, #tpu.memory_space<vmem>> -> memref<1x128xf32, #tpu.memory_space<vmem>>
      %dma_wait3A_435 = tpu.memref_squeeze %dma_wait3A_434 : memref<1x128xf32, #tpu.memory_space<vmem>> -> memref<128xf32, #tpu.memory_space<vmem>>
      tpu.wait_dma2 semaphore(%arg31 : memref<!tpu.dma_semaphore, #tpu.memory_space<semaphore_mem>>) src(%dma_wait3A_435 : memref<128xf32, #tpu.memory_space<vmem>>) dst(%dma_wait3A_432 : memref<128xf32, #tpu.memory_space<hbm>>)
      %mul3A_436 = arith.constant 5 : i32
      %mul3A_437 = arith.muli %mul3A_436, %arg1 : i32
      %add3A_438 = arith.constant 3 : i32
      %add3A_439 = arith.addi %mul3A_437, %add3A_438 : i32
      %mul3A_440 = arith.constant 128 : i32
      %mul3A_441 = arith.muli %add3A_439, %mul3A_440 : i32
      %dma_wait3A_442 = arith.constant 3 : i32
      %dma_wait3A_443 = arith.constant 0 : i32
      %dma_wait3A_444 = tpu.memref_slice %arg16[%dma_wait3A_442, %dma_wait3A_443] : memref<80x128xf32, #tpu.memory_space<vmem>> -> memref<1x128xf32, #tpu.memory_space<vmem>>
      %dma_wait3A_445 = tpu.memref_squeeze %dma_wait3A_444 : memref<1x128xf32, #tpu.memory_space<vmem>> -> memref<128xf32, #tpu.memory_space<vmem>>
      %dma_wait3A_446 = tpu.memref_slice %arg8[%mul3A_441] : memref<10240xf32, #tpu.memory_space<hbm>> -> memref<128xf32, #tpu.memory_space<hbm>>
      %dma_wait3A_447 = tpu.memref_slice %arg8[%mul3A_441] : memref<10240xf32, #tpu.memory_space<hbm>> -> memref<128xf32, #tpu.memory_space<hbm>>
      %dma_wait3A_448 = arith.constant 0 : i32
      %dma_wait3A_449 = tpu.memref_slice %arg16[%dma_wait3A_442, %dma_wait3A_448] : memref<80x128xf32, #tpu.memory_space<vmem>> -> memref<1x128xf32, #tpu.memory_space<vmem>>
      %dma_wait3A_450 = tpu.memref_squeeze %dma_wait3A_449 : memref<1x128xf32, #tpu.memory_space<vmem>> -> memref<128xf32, #tpu.memory_space<vmem>>
      tpu.wait_dma2 semaphore(%arg31 : memref<!tpu.dma_semaphore, #tpu.memory_space<semaphore_mem>>) src(%dma_wait3A_450 : memref<128xf32, #tpu.memory_space<vmem>>) dst(%dma_wait3A_447 : memref<128xf32, #tpu.memory_space<hbm>>)
      %mul3A_451 = arith.constant 5 : i32
      %mul3A_452 = arith.muli %mul3A_451, %arg1 : i32
      %add3A_453 = arith.constant 4 : i32
      %add3A_454 = arith.addi %mul3A_452, %add3A_453 : i32
      %mul3A_455 = arith.constant 128 : i32
      %mul3A_456 = arith.muli %add3A_454, %mul3A_455 : i32
      %dma_wait3A_457 = arith.constant 4 : i32
      %dma_wait3A_458 = arith.constant 0 : i32
      %dma_wait3A_459 = tpu.memref_slice %arg16[%dma_wait3A_457, %dma_wait3A_458] : memref<80x128xf32, #tpu.memory_space<vmem>> -> memref<1x128xf32, #tpu.memory_space<vmem>>
      %dma_wait3A_460 = tpu.memref_squeeze %dma_wait3A_459 : memref<1x128xf32, #tpu.memory_space<vmem>> -> memref<128xf32, #tpu.memory_space<vmem>>
      %dma_wait3A_461 = tpu.memref_slice %arg8[%mul3A_456] : memref<10240xf32, #tpu.memory_space<hbm>> -> memref<128xf32, #tpu.memory_space<hbm>>
      %dma_wait3A_462 = tpu.memref_slice %arg8[%mul3A_456] : memref<10240xf32, #tpu.memory_space<hbm>> -> memref<128xf32, #tpu.memory_space<hbm>>
      %dma_wait3A_463 = arith.constant 0 : i32
      %dma_wait3A_464 = tpu.memref_slice %arg16[%dma_wait3A_457, %dma_wait3A_463] : memref<80x128xf32, #tpu.memory_space<vmem>> -> memref<1x128xf32, #tpu.memory_space<vmem>>
      %dma_wait3A_465 = tpu.memref_squeeze %dma_wait3A_464 : memref<1x128xf32, #tpu.memory_space<vmem>> -> memref<128xf32, #tpu.memory_space<vmem>>
      tpu.wait_dma2 semaphore(%arg31 : memref<!tpu.dma_semaphore, #tpu.memory_space<semaphore_mem>>) src(%dma_wait3A_465 : memref<128xf32, #tpu.memory_space<vmem>>) dst(%dma_wait3A_462 : memref<128xf32, #tpu.memory_space<hbm>>)
    } else {
    }
    return
  }
}

module attributes {stable_mosaic.version = 14 : i64} {
  func.func @_tc_body(%arg0: i32, %arg1: memref<2000x256xf32, #tpu.memory_space<vmem>>, %arg2: memref<2000x128xbf16, #tpu.memory_space<vmem>>, %arg3: memref<2000x128xbf16, #tpu.memory_space<vmem>>, %arg4: memref<2000x1xf32, #tpu.memory_space<vmem>>, %arg5: memref<256x256xf32, #tpu.memory_space<vmem>>, %arg6: memref<128x256xf32, #tpu.memory_space<vmem>>, %arg7: memref<128x256xf32, #tpu.memory_space<vmem>>, %arg8: memref<1x256xf32, #tpu.memory_space<vmem>>, %arg9: memref<1x256xf32, #tpu.memory_space<vmem>>, %arg10: memref<1x256xf32, #tpu.memory_space<vmem>>, %arg11: memref<2000x256xf32, #tpu.memory_space<vmem>>) attributes {dimension_semantics = [#tpu.dimension_semantics<arbitrary>], iteration_bounds = array<i64: 5>, scalar_prefetch = 0 : i64, scratch_operands = 0 : i64, tpu.core_type = #tpu.core_type<tc>, window_params = [{transform_indices = @transform_0, window_bounds = array<i64: 2000, 256>}, {transform_indices = @transform_1, window_bounds = array<i64: 2000, 128>}, {transform_indices = @transform_2, window_bounds = array<i64: 2000, 128>}, {transform_indices = @transform_3, window_bounds = array<i64: 2000, 1>}, {pipeline_mode = #tpu.pipeline_mode<synchronous>, transform_indices = @transform_4, window_bounds = array<i64: 256, 256>}, {pipeline_mode = #tpu.pipeline_mode<synchronous>, transform_indices = @transform_5, window_bounds = array<i64: 128, 256>}, {pipeline_mode = #tpu.pipeline_mode<synchronous>, transform_indices = @transform_6, window_bounds = array<i64: 128, 256>}, {pipeline_mode = #tpu.pipeline_mode<synchronous>, transform_indices = @transform_7, window_bounds = array<i64: 1, 256>}, {pipeline_mode = #tpu.pipeline_mode<synchronous>, transform_indices = @transform_8, window_bounds = array<i64: 1, 256>}, {pipeline_mode = #tpu.pipeline_mode<synchronous>, transform_indices = @transform_9, window_bounds = array<i64: 1, 256>}, {transform_indices = @transform_10, window_bounds = array<i64: 2000, 256>}]} {
    %get3A = arith.constant 0 : index
    %get3A_0 = arith.constant 0 : index
    %get3A_1 = vector.load %arg1[%get3A, %get3A_0] : memref<2000x256xf32, #tpu.memory_space<vmem>>, vector<2000x256xf32>
    %get3A_2 = arith.constant 0 : index
    %get3A_3 = arith.constant 0 : index
    %get3A_4 = vector.load %arg5[%get3A_2, %get3A_3] : memref<256x256xf32, #tpu.memory_space<vmem>>, vector<256x256xf32>
    %dot_general3A = arith.constant dense<0.000000e+00> : vector<2000x256xf32>
    %dot_general3A_5 = tpu.matmul %get3A_1, %get3A_4, %dot_general3A {dimension_numbers = #tpu.dot_dimension_numbers<[1], [0], [0], [1], [0, 0, 1, 1], [], []>, transpose_lhs_hint = false} : vector<2000x256xf32>, vector<256x256xf32>, vector<2000x256xf32> -> vector<2000x256xf32>
    %get3A_6 = arith.constant 0 : index
    %get3A_7 = arith.constant 0 : index
    %get3A_8 = vector.load %arg2[%get3A_6, %get3A_7] : memref<2000x128xbf16, #tpu.memory_space<vmem>>, vector<2000x128xbf16>
    %convert_element_type3A = arith.extf %get3A_8 : vector<2000x128xbf16> to vector<2000x128xf32>
    %get3A_9 = arith.constant 0 : index
    %get3A_10 = arith.constant 0 : index
    %get3A_11 = vector.load %arg6[%get3A_9, %get3A_10] : memref<128x256xf32, #tpu.memory_space<vmem>>, vector<128x256xf32>
    %dot_general3A_12 = arith.constant dense<0.000000e+00> : vector<2000x256xf32>
    %dot_general3A_13 = tpu.matmul %convert_element_type3A, %get3A_11, %dot_general3A_12 {dimension_numbers = #tpu.dot_dimension_numbers<[1], [0], [0], [1], [0, 0, 1, 1], [], []>, transpose_lhs_hint = false} : vector<2000x128xf32>, vector<128x256xf32>, vector<2000x256xf32> -> vector<2000x256xf32>
    %get3A_14 = arith.constant 0 : index
    %get3A_15 = arith.constant 0 : index
    %get3A_16 = vector.load %arg3[%get3A_14, %get3A_15] : memref<2000x128xbf16, #tpu.memory_space<vmem>>, vector<2000x128xbf16>
    %convert_element_type3A_17 = arith.extf %get3A_16 : vector<2000x128xbf16> to vector<2000x128xf32>
    %get3A_18 = arith.constant 0 : index
    %get3A_19 = arith.constant 0 : index
    %get3A_20 = vector.load %arg7[%get3A_18, %get3A_19] : memref<128x256xf32, #tpu.memory_space<vmem>>, vector<128x256xf32>
    %dot_general3A_21 = arith.constant dense<0.000000e+00> : vector<2000x256xf32>
    %dot_general3A_22 = tpu.matmul %convert_element_type3A_17, %get3A_20, %dot_general3A_21 {dimension_numbers = #tpu.dot_dimension_numbers<[1], [0], [0], [1], [0, 0, 1, 1], [], []>, transpose_lhs_hint = false} : vector<2000x128xf32>, vector<128x256xf32>, vector<2000x256xf32> -> vector<2000x256xf32>
    %add3A = arith.addf %dot_general3A_13, %dot_general3A_22 : vector<2000x256xf32>
    %get3A_23 = arith.constant 0 : index
    %get3A_24 = arith.constant 0 : index
    %get3A_25 = vector.load %arg4[%get3A_23, %get3A_24] : memref<2000x1xf32, #tpu.memory_space<vmem>>, vector<2000x1xf32>
    %max3A = arith.constant 1.000000e+00 : f32
    %max3A_26 = vector.broadcast %max3A : f32 to vector<2000x1xf32>
    %max3A_27 = arith.maximumf %get3A_25, %max3A_26 : vector<2000x1xf32>
    %div3A = arith.constant 1.000000e+00 : f32
    %div3A_28 = vector.broadcast %div3A : f32 to vector<2000x1xf32>
    %div3A_29 = arith.divf %div3A_28, %max3A_27 : vector<2000x1xf32>
    %mul3A = vector.broadcast %div3A_29 : vector<2000x1xf32> to vector<2000x256xf32>
    %mul3A_30 = arith.mulf %add3A, %mul3A : vector<2000x256xf32>
    %add3A_31 = arith.addf %dot_general3A_5, %mul3A_30 : vector<2000x256xf32>
    %get3A_32 = arith.constant 0 : index
    %get3A_33 = arith.constant 0 : index
    %get3A_34 = vector.load %arg8[%get3A_32, %get3A_33] : memref<1x256xf32, #tpu.memory_space<vmem>>, vector<1x256xf32>
    %add3A_35 = vector.broadcast %get3A_34 : vector<1x256xf32> to vector<2000x256xf32>
    %add3A_36 = arith.addf %add3A_31, %add3A_35 : vector<2000x256xf32>
    %reduce_sum3A = arith.constant dense<0.000000e+00> : vector<2000xf32>
    %reduce_sum3A_37 = vector.multi_reduction <add>, %add3A_36, %reduce_sum3A [1] : vector<2000x256xf32> to vector<2000xf32>
    %broadcast_in_dim3A = vector.shape_cast %reduce_sum3A_37 : vector<2000xf32> to vector<2000x1xf32>
    %div3A_38 = arith.constant 2.560000e+02 : f32
    %div3A_39 = vector.broadcast %div3A_38 : f32 to vector<2000x1xf32>
    %div3A_40 = arith.divf %broadcast_in_dim3A, %div3A_39 : vector<2000x1xf32>
    %sub3A = vector.broadcast %div3A_40 : vector<2000x1xf32> to vector<2000x256xf32>
    %sub3A_41 = arith.subf %add3A_36, %sub3A : vector<2000x256xf32>
    %mul3A_42 = arith.mulf %sub3A_41, %sub3A_41 : vector<2000x256xf32>
    %reduce_sum3A_43 = arith.constant dense<0.000000e+00> : vector<2000xf32>
    %reduce_sum3A_44 = vector.multi_reduction <add>, %mul3A_42, %reduce_sum3A_43 [1] : vector<2000x256xf32> to vector<2000xf32>
    %broadcast_in_dim3A_45 = vector.shape_cast %reduce_sum3A_44 : vector<2000xf32> to vector<2000x1xf32>
    %div3A_46 = arith.constant 2.560000e+02 : f32
    %div3A_47 = vector.broadcast %div3A_46 : f32 to vector<2000x1xf32>
    %div3A_48 = arith.divf %broadcast_in_dim3A_45, %div3A_47 : vector<2000x1xf32>
    %add3A_49 = arith.constant 9.99999974E-6 : f32
    %add3A_50 = vector.broadcast %add3A_49 : f32 to vector<2000x1xf32>
    %add3A_51 = arith.addf %div3A_48, %add3A_50 : vector<2000x1xf32>
    %rsqrt3A = math.rsqrt %add3A_51 : vector<2000x1xf32>
    %mul3A_52 = vector.broadcast %rsqrt3A : vector<2000x1xf32> to vector<2000x256xf32>
    %mul3A_53 = arith.mulf %sub3A_41, %mul3A_52 : vector<2000x256xf32>
    %get3A_54 = arith.constant 0 : index
    %get3A_55 = arith.constant 0 : index
    %get3A_56 = vector.load %arg9[%get3A_54, %get3A_55] : memref<1x256xf32, #tpu.memory_space<vmem>>, vector<1x256xf32>
    %mul3A_57 = vector.broadcast %get3A_56 : vector<1x256xf32> to vector<2000x256xf32>
    %mul3A_58 = arith.mulf %mul3A_53, %mul3A_57 : vector<2000x256xf32>
    %get3A_59 = arith.constant 0 : index
    %get3A_60 = arith.constant 0 : index
    %get3A_61 = vector.load %arg10[%get3A_59, %get3A_60] : memref<1x256xf32, #tpu.memory_space<vmem>>, vector<1x256xf32>
    %add3A_62 = vector.broadcast %get3A_61 : vector<1x256xf32> to vector<2000x256xf32>
    %add3A_63 = arith.addf %mul3A_58, %add3A_62 : vector<2000x256xf32>
    %swap3A = arith.constant 0 : index
    %swap3A_64 = arith.constant 0 : index
    %swap3A_65 = vector.load %arg11[%swap3A, %swap3A_64] : memref<2000x256xf32, #tpu.memory_space<vmem>>, vector<2000x256xf32>
    tpu.vector_store %arg11[%swap3A, %swap3A_64], %add3A_63 {strides = array<i32>} : memref<2000x256xf32, #tpu.memory_space<vmem>>, vector<2000x256xf32>,
    return
  }
  func.func @transform_0(%arg0: i32) -> (i32, i32) {
    %c0_i32 = arith.constant 0 : i32
    %c0_i32_0 = arith.constant 0 : i32
    return %arg0, %c0_i32 : i32, i32
  }
  func.func @transform_1(%arg0: i32) -> (i32, i32) {
    %c0_i32 = arith.constant 0 : i32
    %c0_i32_0 = arith.constant 0 : i32
    return %arg0, %c0_i32 : i32, i32
  }
  func.func @transform_2(%arg0: i32) -> (i32, i32) {
    %c0_i32 = arith.constant 0 : i32
    %c0_i32_0 = arith.constant 0 : i32
    return %arg0, %c0_i32 : i32, i32
  }
  func.func @transform_3(%arg0: i32) -> (i32, i32) {
    %c0_i32 = arith.constant 0 : i32
    %c0_i32_0 = arith.constant 0 : i32
    return %arg0, %c0_i32 : i32, i32
  }
  func.func @transform_4(%arg0: i32) -> (i32, i32) {
    %c0_i32 = arith.constant 0 : i32
    %c0_i32_0 = arith.constant 0 : i32
    %c0_i32_1 = arith.constant 0 : i32
    return %c0_i32, %c0_i32_0 : i32, i32
  }
  func.func @transform_5(%arg0: i32) -> (i32, i32) {
    %c0_i32 = arith.constant 0 : i32
    %c0_i32_0 = arith.constant 0 : i32
    %c0_i32_1 = arith.constant 0 : i32
    return %c0_i32, %c0_i32_0 : i32, i32
  }
  func.func @transform_6(%arg0: i32) -> (i32, i32) {
    %c0_i32 = arith.constant 0 : i32
    %c0_i32_0 = arith.constant 0 : i32
    %c0_i32_1 = arith.constant 0 : i32
    return %c0_i32, %c0_i32_0 : i32, i32
  }
  func.func @transform_7(%arg0: i32) -> (i32, i32) {
    %c0_i32 = arith.constant 0 : i32
    %c0_i32_0 = arith.constant 0 : i32
    %c0_i32_1 = arith.constant 0 : i32
    return %c0_i32, %c0_i32_0 : i32, i32
  }
  func.func @transform_8(%arg0: i32) -> (i32, i32) {
    %c0_i32 = arith.constant 0 : i32
    %c0_i32_0 = arith.constant 0 : i32
    %c0_i32_1 = arith.constant 0 : i32
    return %c0_i32, %c0_i32_0 : i32, i32
  }
  func.func @transform_9(%arg0: i32) -> (i32, i32) {
    %c0_i32 = arith.constant 0 : i32
    %c0_i32_0 = arith.constant 0 : i32
    %c0_i32_1 = arith.constant 0 : i32
    return %c0_i32, %c0_i32_0 : i32, i32
  }
  func.func @transform_10(%arg0: i32) -> (i32, i32) {
    %c0_i32 = arith.constant 0 : i32
    %c0_i32_0 = arith.constant 0 : i32
    return %arg0, %c0_i32 : i32, i32
  }
}

</mosaic_0001>

<sc_bundles>
// kernel: kernel.4.cloned.1.call-start
scs
__scs_entry_jumppad:
0x0: {  	(pc) =	sbr.rel $0x88, $3  }
0x1: {  	(tag) =	ssettag $0x0;
	lr =	simm.s32 $0x1  }
0x2: {  	[smem:$0x3F9A] =	sst lr;
	_ =	strace $0xD0000000  }
0x3: {  	_ = 	snop  }
0x4: {  	_ = 	snop  }
0x5: {  	_ = 	snop  }
0x6: {  	_ = 	snop  }
0x7: {  	_ = 	snop  }
__scs_overlays_trampoline_lowered:
0x8: {  	[smem:$0x3FA9] =	sst s0  }
0x9: {  	[smem:$0x3FAA] =	sst s1  }
0xa: {  	[smem:$0x3FAB] =	sst s2  }
0xb: {  	[smem:$0x3FAC] =	sst s3  }
0xc: {  	[smem:$0x3FAD] =	sst s4  }
0xd: {  	[smem:$0x3FAE] =	sst s5  }
0xe: {  	[smem:$0x3FAF] =	sst s6  }
0xf: {  	[smem:$0x3FB0] =	sst s7  }
0x10: {  	[smem:$0x3FB1] =	sst s8  }
0x11: {  	[smem:$0x3FB2] =	sst s9;
	s0 =	simm.s32 @!p0 $0x0  }
0x12: {  	s1 =	sld [smem:$0x3F98];
	s0 =	simm.s32 @p0 $0x1  }
0x13: {  	[smem:$0x3FB3] =	sst s0;
	s0 =	simm.s32 @!p1 $0x0  }
0x14: {  	s2 =	sld [smem:$0x3F97];
	s0 =	simm.s32 @p1 $0x1  }
0x15: {  	[smem:$0x3FB4] =	sst s0;
	s0 =	simm.s32 @!p2 $0x0  }
0x16: {  	s3 =	sld [smem:$0x3FDB];
	s0 =	simm.s32 @p2 $0x1  }
0x17: {  	s4 =	simm.s32 $0x1BF5;
	[smem:$0x3FB6] =	sst s0  }
0x18: {  	s0 =	sld [smem:$0x3F99];
	_ =	swait.ge [sflag:s4], $0x0  }
0x19: {  	s7 =	sld [smem:$0x3F9A]  }
0x1a: {  	s8 =	sadd.s32 $0xFFFFE003, lr  }
0x1b: {  	s9 =	sadd.s32 $0xFFFFFEF7, lr;
	s5 =	simm.s32 $0xFFFFFFFF;
	p2 =	slt.u32 s8, $0xFFFFF086  }
0x1c: {  	p1 =	slt.u32 s9, $0xF7A;
	s5 =	simm.s32 @!p2 $0x0  }
0x1d: {  	s5 =	simm.s32 @p1 $0x1;
	p0 =	seq.s32 s7, s2  }
0x1e: {  	s7 =	smul.u32 @!p0 $0xF7A, s2;
	p2 =	seq.s32 @!p0 s5, $0x0  }
0x1f: {  	s9 =	smul.u32 $0xF7A, s1;
	s8 =	simm.s32 @!p0 $0x1BF5;
	p2 =	por !p2, p0  }
0x20: {  	[sflag:s8] =	ssyncset.s32 @!p0 $0xFFFFF086;
	s6 =	sadd.s32 @!p0 s3, s7;
	s7 =	simm.s32 @!p0 $0x108  }
0x21: {  	s3 =	sadd.s32 s3, s9;
	s6 =	sadd.s32 @!p0 $0x88, s6;
	s7 =	simm.s32 @p2 $0x1082  }
0x22: {  	[simem:s7], [sflag:s8] =	dma.local @!p0 [hbm:s6], $0xF7A  }
0x23: {  	s9 =	sor.u32 $0xD0000000, s2;
	s6 =	simm.s32 $0x108;
	_ =	swait.ge @!p0 [sflag:s8], $0x0  }
0x24: {  	s3 =	sadd.s32 $0x88, s3;
	s6 =	simm.s32 @!p1 $0x1082;
	[sflag:s4] =	ssyncset.s32 $0xFFFFF086  }
0x25: {  	[simem:s6], [sflag:s4] =	dma.local [hbm:s3], $0xF7A  }
0x26: {  	[smem:$0x3F9A] =	sst s1;
	(tag) =	ssettag s2;
	_ =	strace s9  }
0x27: {  	s1 =	sld [smem:$0x3FAA]  }
0x28: {  	s2 =	sld [smem:$0x3FAB]  }
0x29: {  	s4 =	sld [smem:$0x3FAD]  }
0x2a: {  	p0 =	seq.s32 s5, $0x0;
	s5 =	sld [smem:$0x3FAE]  }
0x2b: {  	s6 =	sld [smem:$0x3FAF]  }
0x2c: {  	s7 =	sld [smem:$0x3FB0]  }
0x2d: {  	s3 =	simm.s32 $0x108;
	s8 =	sld [smem:$0x3FB1]  }
0x2e: {  	s3 =	simm.s32 @!p0 $0x1082;
	s9 =	sld [smem:$0x3FB2]  }
0x2f: {  	lr =	sadd.s32 s0, s3;
	s0 =	sld [smem:$0x3FA9]  }
0x30: {  	s3 =	sld [smem:$0x3FAC]  }
0x31: {  	[smem:$0x3FB5] =	sst s10  }
0x32: {  	s10 =	sld [smem:$0x3FB3];
	_ =	sdelay $0x3  }
0x33: {  	p0 =	seq.s32 s10, $0x1;
	s10 =	sld [smem:$0x3FB5];
	_ =	sdelay $0x3  }
0x34: {  	[smem:$0x3FB5] =	sst s10  }
0x35: {  	s10 =	sld [smem:$0x3FB4];
	_ =	sdelay $0x3  }
0x36: {  	p1 =	seq.s32 s10, $0x1;
	s10 =	sld [smem:$0x3FB5];
	_ =	sdelay $0x3  }
0x37: {  	[smem:$0x3FB5] =	sst s10  }
0x38: {  	s10 =	sld [smem:$0x3FB6]  }
0x39: {  	_ = 	snop;
	(pc) =	sbr.ind lr, $3  }
0x3a: {  	_ = 	snop  }
0x3b: {  	_ = 	snop  }
0x3c: {  	p2 =	seq.s32 s10, $0x1;
	s10 =	sld [smem:$0x3FB5]  }
0x3d: {  	_ =	shalt  }
0x3e: {  	_ =	shalt  }
0x3f: {  	_ =	shalt  }
0x40: {  	_ =	shalt  }
0x41: {  	_ =	shalt  }
0x42: {  	_ =	shalt  }
0x43: {  	_ =	shalt  }
0x44: {  	_ =	shalt  }
0x45: {  	_ =	shalt  }
0x46: {  	_ =	shalt  }
0x47: {  	_ =	shalt  }
0x48: {  	_ =	shalt  }
0x49: {  	_ =	shalt  }
0x4a: {  	_ =	shalt  }
0x4b: {  	_ =	shalt  }
0x4c: {  	_ =	shalt  }
0x4d: {  	_ =	shalt  }
0x4e: {  	_ =	shalt  }
0x4f: {  	_ =	shalt  }
0x50: {  	_ =	shalt  }
0x51: {  	_ =	shalt  }
0x52: {  	_ =	shalt  }
0x53: {  	_ =	shalt  }
0x54: {  	_ =	shalt  }
0x55: {  	_ =	shalt  }
0x56: {  	_ =	shalt  }
0x57: {  	_ =	shalt  }
0x58: {  	_ =	shalt  }
0x59: {  	_ =	shalt  }
0x5a: {  	_ =	shalt  }
0x5b: {  	_ =	shalt  }
0x5c: {  	_ =	shalt  }
0x5d: {  	_ =	shalt  }
0x5e: {  	_ =	shalt  }
0x5f: {  	_ =	shalt  }
0x60: {  	_ =	shalt  }
0x61: {  	_ =	shalt  }
0x62: {  	_ =	shalt  }
0x63: {  	_ =	shalt  }
0x64: {  	_ =	shalt  }
0x65: {  	_ =	shalt  }
0x66: {  	_ =	shalt  }
0x67: {  	_ =	shalt  }
0x68: {  	_ =	shalt  }
0x69: {  	_ =	shalt  }
0x6a: {  	_ =	shalt  }
0x6b: {  	_ =	shalt  }
0x6c: {  	_ =	shalt  }
0x6d: {  	_ =	shalt  }
0x6e: {  	_ =	shalt  }
0x6f: {  	_ =	shalt  }
0x70: {  	_ =	shalt  }
0x71: {  	_ =	shalt  }
0x72: {  	_ =	shalt  }
0x73: {  	_ =	shalt  }
0x74: {  	_ =	shalt  }
0x75: {  	_ =	shalt  }
0x76: {  	_ =	shalt  }
0x77: {  	_ =	shalt  }
0x78: {  	_ =	shalt  }
0x79: {  	_ =	shalt  }
0x7a: {  	_ =	shalt  }
0x7b: {  	_ =	shalt  }
0x7c: {  	_ =	shalt  }
0x7d: {  	_ =	shalt  }
0x7e: {  	_ =	shalt  }
0x7f: {  	_ =	shalt  }
0x80: {  	_ =	shalt  }
0x81: {  	_ =	shalt  }
0x82: {  	_ =	shalt  }
0x83: {  	_ =	shalt  }
0x84: {  	_ =	shalt  }
0x85: {  	_ =	shalt  }
0x86: {  	_ =	shalt  }
0x87: {  	_ =	shalt  }
.Lfunc_end0:
.L_simem_size_0:
called_computation_lowered:
.L_overlay_start_0:
0x88: {  	s2 =	sld [smem:$0x3FD9]  }
0x89: {  	s3 =	sld [smem:$0x3FFE];
	_ =	sdelay $0x1  }
0x8a: {  	s1 =	srdreg.scid  }
0x8b: {  	s0 =	sand.u32 $0x1, s1  }
0x8c: {  	s17 =	sshll.u32 s0, $0xA;
	s2 =	sadd.s32 s3, s2  }
0x8d: {  	s2 =	sadd.s32 s2, s17  }
0x8e: {  	[smem:$0x3FC1] =	sst s2  }
0x8f: {  	_ = 	snop  }
0x90: {  	s2 =	sld [smem:$0x3FD0];
	(tm) =	ssettm $0x1  }
0x91: {  	s18 =	sld [smem:$0x3FFB];
	_ =	sdelay $0x3  }
0x92: {  	_ =	strace s18  }
0x93: {  	s3 =	sld [smem:$0x3FFC];
	_ =	sdelay $0x3  }
0x94: {  	_ =	strace s3  }
0x95: {  	s3 =	sld [smem:$0x3FFD];
	_ =	sdelay $0x3  }
0x96: {  	_ =	strace s3  }
0x97: {  	_ =	strace $0x8FFFFFFF  }
0x98: {  	s19 =	sld [smem:$0x3FDB];
	_ =	sdelay $0x1  }
0x99: {  	s4 =	simm.s32 $_scs_section_size  }
0x9a: {  	s5 =	simm.s32 $_size__tile_overlayer_lowered;
	s6 =	simm.s32 $_tile_overlayer_lowered  }
0x9b: {  	s22 =	simm.s32 $0x1BFF;
	s21 =	sshll.u32 s6, $0x1;
	s3 =	sadd.s32 s4, s19  }
0x9c: {  	s7 =	simm.s32 $0x0;
	s20 =	sshll.u32 s5, $0x1;
	s5 =	sadd.s32 s21, s3  }
0x9d: {  	[timem:s7], [sflag:s22] =	dma.local [hbm:s5], s20  }
0x9e: {  	_ =	swait.ge [sflag:s22], s20  }
0x9f: {  	s4 =	ssub.s32 $0x0, s20;
	[sflag:s22] =	ssyncset.done $0x0  }
0xa0: {  	[sflag:s22] =	ssyncadd.s32 s4;
	_ =	sdelay $0x1  }
0xa1: {  	s23 =	simm.s32 $0x1B8B  }
0xa2: {  	_ =	swait.ge [sflag:s23], $0x1  }
0xa3: {  	[sflag:s23] =	ssyncset.done $0x0  }
0xa4: {  	s25 =	simm.s32 $0x1B8E;
	s24 =	sld [smem:$0x3FFE];
	[sflag:s23] =	ssyncadd.s32 $0xFFFFFFFF  }
0xa5: {  	s26 =	simm.s32 $execute0_lowered;
	[smem:$0x3FD2] =	sst s25  }
0xa6: {  	s5 =	sshll.u32 s26, $0x1;
	_ =	strace $0x80000046;
	[dreg:$0x1] =	wrdreg $0xFFFFFFFF  }
0xa7: {  	s28 =	simm.s32 $_size_execute0_lowered;
	s3 =	sadd.s32 s3, s5;
	[dreg:$0x0] =	wrdreg $0x0  }
0xa8: {  	s5 =	sshll.u32 s28, $0x1;
	[dreg:$0x2] =	wrdreg s3  }
0xa9: {  	[dreg:$0x3] =	wrdreg s5  }
0xaa: {  	[dreg:$0x4] =	wrdreg $0xC0  }
0xab: {  	_ =	task [dreg:s7], $0x5FFFF  }
0xac: {  	[dreg:$0x1] =	wrdreg $0xFFFFFFFF  }
0xad: {  	[dreg:$0x0] =	wrdreg $0x60  }
0xae: {  	[dreg:$0x2] =	wrdreg s2  }
0xaf: {  	[dreg:$0x3] =	wrdreg s24  }
0xb0: {  	[dreg:$0x4] =	wrdreg $0xDA700  }
0xb1: {  	[dreg:$0x5] =	wrdreg $0x176B00  }
0xb2: {  	[dreg:$0x6] =	wrdreg $0x9  }
0xb3: {  	_ =	task.clear_ibuf [dreg:s7], $0x7FFFF;
	_ =	strace $0x90000046  }
0xb4: {  	s29 =	simm.s32 $0x9;
	_ =	strace $0x80000048  }
0xb5: {  	_ =	swait.ge [sflag:s29], $0x1  }
0xb6: {  	[sflag:s29] =	ssyncadd.s32 $0xFFFFFFFF  }
0xb7: {  	_ =	strace $0x90000048  }
0xb8: {  	_ =	sfence  }
0xb9: {  	s30 =	sld [smem:$0x0];
	_ =	sdelay $0x2  }
0xba: {  	s31 =	sshll.u32 s1, $0xD;
	s1 =	sshrl.u32 s1, $0x2  }
0xbb: {  	s3 =	sand.u32 $0x4000, s31;
	s1 =	sadd.s32 s1, s30  }
0xbc: {  	s0 =	sor.u32 s3, s0;
	s1 =	sshll.u32 s1, $0x11  }
0xbd: {  	s0 =	sor.u32 s1, s0  }
0xbe: {  	s0 =	sadd.s32 $0x8F2B, s0  }
0xbf: {  	[sflag:s0] =	ssyncadd.remote.s32 $0x1  }
0xc0: {  	_ =	sfence.sel $0xFFFF  }
0xc1: {  	[dreg:$0x0] =	wrdreg $0xFFFFFFFF;
	(pc) =	sbr.abs _section_cstart, $3  }
0xc2: {  	[dreg:$0x1] =	wrdreg $0xFFFFFFFF  }
0xc3: {  	_ =	task.clear_ibuf [dreg:s7], $0x2FFFF;
	_ =	strace $0x9FFFFFFF  }
0xc4: {  	(tm) =	ssettm $0x7FFFFFFF  }
0xc5: {  	_ =	shalt  }
tec
execute0_lowered:
.L_overlay_start_1:
0x0: {  	(tag) =	ssettag $0x1  }
0x1: {  	s0 =	srdreg.scid;
	s3 =	rddreg [dreg:$0x1]  }
0x2: {  	s1 =	stileid.u32;
	s28 =	rddreg [dreg:$0x3]  }
0x3: {  	s4 =	sand.u32 $0x1, s0;
	s0 =	simm.s32 $0x0;
	s5 =	smul.u32 $0x13880, s1  }
0x4: {  	s6 =	sadd.s32 $0x1F800, s3;
	s8 =	sadd.s32 $0x33200, s3;
	p2 =	sne.s32 s1, $0x0  }
0x5: {  	s2 =	ssub.s32 $0x2, s4;
	[smem:$0x7FF] =	sst s0;
	p0 =	sne.s32 s4, $0x0  }
0x6: {  	p1 =	seq.s32 s4, $0x0;
	s7 =	sshrl.u32 s2, $0x1;
	s9 =	sadd.s32 $0x5000, s5  }
0x7: {  	s10 =	sadd.s32 $0x7800, s5;
	s11 =	sadd.s32 $0xA000, s5;
	s14 =	sshrl.u32 s5, $0x4  }
0x8: {  	s12 =	sadd.s32 $0xC800, s5;
	s13 =	sadd.s32 $0xF000, s5;
	s16 =	sadd.s32 s8, s14  }
0x9: {  	s24 =	sshrl.u32 s9, $0x4;
	s14 =	sadd.s32 s6, s14;
	[dreg:$0x5] =	wrdreg s16  }
0xa: {  	s18 =	sshrl.u32 s10, $0x4;
	s19 =	sadd.s32 s8, s24;
	[dreg:$0xd] =	wrdreg s14  }
0xb: {  	s21 =	sshrl.u32 s13, $0x4;
	s25 =	sadd.s32 s8, s18;
	[dreg:$0x7] =	wrdreg s19  }
0xc: {  	s15 =	sadd.s32 $0x11800, s5;
	s26 =	sadd.s32 s8, s21;
	[dreg:$0x8] =	wrdreg s25  }
0xd: {  	s2 =	ssub.s32 s2, s7;
	s24 =	sadd.s32 s6, s24;
	[dreg:$0xb] =	wrdreg s26  }
0xe: {  	s7 =	sadd.s32 $0x2800, s5;
	s16 =	sadd.s32 s6, s21;
	[dreg:$0xf] =	wrdreg s24  }
0xf: {  	s23 =	sshrl.u32 s7, $0x4;
	s2 =	smax.u32 s2, $0x1;
	[dreg:$0x13] =	wrdreg s16  }
0x10: {  	s17 =	sadd.s32 s8, s23;
	s19 =	sshrl.u32 s11, $0x4;
	s16 =	rddreg [dreg:$0x0]  }
0x11: {  	s23 =	sadd.s32 s6, s23;
	s25 =	sadd.s32 s6, s18;
	[dreg:$0x6] =	wrdreg s17  }
0x12: {  	s18 =	sadd.s32 $0x46C00, s3;
	s20 =	sadd.s32 s8, s19;
	[dreg:$0xe] =	wrdreg s23  }
0x13: {  	[dreg:$0x10] =	wrdreg s25;
	s26 =	sadd.s32 s6, s19;
	s17 =	smul.u32 $0x50, s1  }
0x14: {  	s19 =	rddreg [dreg:$0x2];
	s23 =	smul.u32 $0x4E2, s1;
	s25 =	sshrl.u32 s5, $0x1  }
0x15: {  	s5 =	sshrl.u32 s7, $0x1;
	s7 =	sshrl.u32 s9, $0x1;
	[dreg:$0x9] =	wrdreg s20  }
0x16: {  	s20 =	sshrl.u32 s12, $0x4;
	[dreg:$0x11] =	wrdreg s26;
	s29 =	sadd.s32 s25, s19  }
0x17: {  	s30 =	sadd.s32 s5, s19;
	s31 =	sadd.s32 s7, s19;
	s7 =	simm.s32 $0xA  }
0x18: {  	s5 =	simm.s32 $0x0;
	s22 =	sadd.s32 s8, s20;
	s14 =	sadd.s32 s6, s20  }
0x19: {  	s20 =	smul.u32 $0x280, s1;
	s21 =	sadd.s32 s18, s17;
	[dreg:$0xa] =	wrdreg s22  }
0x1a: {  	s24 =	sadd.s32 s23, s3;
	s1 =	smul.u32 $0xA00, s1;
	[dreg:$0x12] =	wrdreg s14  }
0x1b: {  	s17 =	sshrl.u32 s15, $0x1;
	s22 =	sshrl.u32 s15, $0x4;
	[dreg:$0x15] =	wrdreg s21  }
0x1c: {  	s26 =	sadd.s32 $0x6E00, s24;
	s4 =	sadd.s32 $0x1E00, s24;
	s8 =	sadd.s32 s8, s22  }
0x1d: {  	s14 =	sshrl.u32 s13, $0x1;
	s6 =	sadd.s32 s6, s22;
	[dreg:$0xc] =	wrdreg s8  }
0x1e: {  	s13 =	simm.s32 $0x6220;
	s15 =	simm.s32 $0x7620;
	[dreg:$0x14] =	wrdreg s6  }
0x1f: {  	s22 =	sshrl.u32 s20, $0x3;
	_ =	strace $0x80000047;
	[dreg:$0x16] =	wrdreg s26  }
0x20: {  	s20 =	sadd.s32 s14, s19;
	s14 =	simm.s32 $0xB220;
	[dreg:$0x17] =	wrdreg s4  }
0x21: {  	s6 =	sadd.s32 s18, s22;
	s22 =	sadd.s32 $0xBE00, s3;
	[smem:$0x7FD] =	sst s2  }
0x22: {  	s8 =	sshrl.u32 s10, $0x1;
	s10 =	sshrl.u32 s11, $0x1;
	[dreg:$0x18] =	wrdreg s29  }
0x23: {  	s11 =	sshrl.u32 s12, $0x1;
	s18 =	sshrl.u32 s1, $0x2;
	[dreg:$0x19] =	wrdreg s30  }
0x24: {  	s1 =	sadd.s32 s17, s19;
	s9 =	sadd.s32 s8, s19;
	[dreg:$0x1a] =	wrdreg s31  }
0x25: {  	s17 =	simm.s32 $0x9E20;
	s3 =	sadd.s32 s10, s19;
	[dreg:$0x1b] =	wrdreg s9  }
0x26: {  	s12 =	sadd.s32 s11, s19;
	s21 =	sadd.s32 s18, s28;
	[dreg:$0x1c] =	wrdreg s3  }
0x27: {  	s23 =	sadd.s32 $0x10, s6;
	s24 =	sadd.s32 $0x20, s6;
	[dreg:$0x1d] =	wrdreg s12  }
0x28: {  	s25 =	sadd.s32 $0x30, s6;
	s26 =	sadd.s32 $0x40, s6;
	[dreg:$0x1e] =	wrdreg s21  }
0x29: {  	s10 =	simm.s32 $0xC;
	s11 =	simm.s32 $0xB;
	[dreg:$0x1f] =	wrdreg s23  }
.Ltmp0:
0x2a: {  	s18 =	simm.s32 $0x8A20;
	[smem:$0x7FA] =	sst s24;
	(pc) =	sbr.rel .LBB2_1-.Ltmp0, $4  }
0x2b: {  	s2 =	simm.s32 $0x1;
	s4 =	simm.s32 $0x6;
	[smem:$0x7FB] =	sst s25  }
0x2c: {  	v0 =	vimm.bf16 $0.0e+00;
	v1 =	vlaneseq.u32;
	s8 =	simm.s32 $0x9;
	s6 =	simm.s32 $0xD;
	[smem:$0x7FC] =	sst s26  }
0x2d: {  	v2 =	vimm.f32 $0.0e+00;
	v7 =	vimm.f32 $1.000000000e+00;
	v3 =	vor.u32 $0x10, v1;
	s9 =	simm.s32 $0x4E20;
	s12 =	simm.s32 $0x50;
	s3 =	simm.s32 $0x2  }
0x2e: {  	v4 =	vor.u32 $0x20, v1;
	v5 =	vor.u32 $0x30, v1;
	v6 =	vor.u32 $0x40, v1;
	s21 =	simm.s32 $0x4;
	s23 =	simm.s32 $0x8;
	s24 =	simm.s32 $0x5  }
.LBB2_20:
0x2f: {  	s25 =	rddreg [dreg:$0xd]  }
0x30: {  	[hbm4b:s25+s0] =	stream.linear.scatter [tilespmem:s9], [sflag:$0xC], $0x1400, $0x38;
	[tilespmem:$0x17930] =	vst v63  }
0x31: {  	_ = 	snop  }
0x32: {  	[tilespmem:s13], [sflag:$0xD] =	stream.linear.gather [spmem:s30], $0x1400, $0x38;
	[tilespmem:$0x17930] =	vst v63  }
0x33: {  	_ =	swait.ge [sflag:s6], $0x1400  }
0x34: {  	[sflag:s6] =	ssyncset.done $0x0  }
0x35: {  	s26 =	rddreg [dreg:$0xe];
	[sflag:s6] =	ssyncadd.s32 $0xFFFFEC00  }
0x36: {  	[hbm4b:s26+s0] =	stream.linear.scatter [tilespmem:s13], [sflag:$0xC], $0x1400, $0x38;
	[tilespmem:$0x17930] =	vst v63  }
0x37: {  	_ =	swait.ge [sflag:s10], $0x1400  }
0x38: {  	[sflag:s10] =	ssyncset.done $0x0  }
0x39: {  	[sflag:s10] =	ssyncadd.s32 $0xFFFFEC00  }
0x3a: {  	[tilespmem:s9], [sflag:$0xD] =	stream.linear.gather [spmem:s31], $0x1400, $0x38;
	[tilespmem:$0x17930] =	vst v63  }
0x3b: {  	_ =	swait.ge [sflag:s6], $0x1400  }
0x3c: {  	[sflag:s6] =	ssyncset.done $0x0  }
0x3d: {  	s26 =	rddreg [dreg:$0xf];
	[sflag:s6] =	ssyncadd.s32 $0xFFFFEC00  }
0x3e: {  	[hbm4b:s26+s0] =	stream.linear.scatter [tilespmem:s9], [sflag:$0xC], $0x1400, $0x38;
	[tilespmem:$0x17930] =	vst v63  }
0x3f: {  	_ =	swait.ge [sflag:s10], $0x1400  }
0x40: {  	[sflag:s10] =	ssyncset.done $0x0  }
0x41: {  	s26 =	rddreg [dreg:$0x1b];
	[sflag:s10] =	ssyncadd.s32 $0xFFFFEC00  }
0x42: {  	[tilespmem:s13], [sflag:$0xD] =	stream.linear.gather [spmem:s26], $0x1400, $0x38;
	[tilespmem:$0x17930] =	vst v63  }
0x43: {  	_ =	swait.ge [sflag:s6], $0x1400  }
0x44: {  	[sflag:s6] =	ssyncset.done $0x0  }
0x45: {  	s26 =	rddreg [dreg:$0x10];
	[sflag:s6] =	ssyncadd.s32 $0xFFFFEC00  }
0x46: {  	[hbm4b:s26+s0] =	stream.linear.scatter [tilespmem:s13], [sflag:$0xC], $0x1400, $0x38;
	[tilespmem:$0x17930] =	vst v63  }
0x47: {  	_ =	swait.ge [sflag:s10], $0x1400  }
0x48: {  	[sflag:s10] =	ssyncset.done $0x0  }
0x49: {  	s26 =	rddreg [dreg:$0x1c];
	[sflag:s10] =	ssyncadd.s32 $0xFFFFEC00  }
0x4a: {  	[tilespmem:s9], [sflag:$0xD] =	stream.linear.gather [spmem:s26], $0x1400, $0x38;
	[tilespmem:$0x17930] =	vst v63  }
0x4b: {  	_ =	swait.ge [sflag:s6], $0x1400  }
0x4c: {  	[sflag:s6] =	ssyncset.done $0x0  }
0x4d: {  	s26 =	rddreg [dreg:$0x11];
	[sflag:s6] =	ssyncadd.s32 $0xFFFFEC00  }
0x4e: {  	[hbm4b:s26+s0] =	stream.linear.scatter [tilespmem:s9], [sflag:$0xC], $0x1400, $0x38;
	[tilespmem:$0x17930] =	vst v63  }
0x4f: {  	_ =	swait.ge [sflag:s10], $0x1400  }
0x50: {  	[sflag:s10] =	ssyncset.done $0x0  }
0x51: {  	s26 =	rddreg [dreg:$0x1d];
	[sflag:s10] =	ssyncadd.s32 $0xFFFFEC00  }
0x52: {  	[tilespmem:s13], [sflag:$0xD] =	stream.linear.gather [spmem:s26], $0x1400, $0x38;
	[tilespmem:$0x17930] =	vst v63  }
0x53: {  	_ =	swait.ge [sflag:s6], $0x1400  }
0x54: {  	[sflag:s6] =	ssyncset.done $0x0  }
0x55: {  	s26 =	rddreg [dreg:$0x12];
	[sflag:s6] =	ssyncadd.s32 $0xFFFFEC00  }
0x56: {  	[hbm4b:s26+s0] =	stream.linear.scatter [tilespmem:s13], [sflag:$0xC], $0x1400, $0x38;
	[tilespmem:$0x17930] =	vst v63  }
0x57: {  	_ =	swait.ge [sflag:s10], $0x1400  }
0x58: {  	[sflag:s10] =	ssyncset.done $0x0  }
0x59: {  	[sflag:s10] =	ssyncadd.s32 $0xFFFFEC00  }
0x5a: {  	[tilespmem:s9], [sflag:$0xD] =	stream.linear.gather [spmem:s20], $0x1400, $0x38;
	[tilespmem:$0x17930] =	vst v63  }
0x5b: {  	_ =	swait.ge [sflag:s6], $0x1400  }
0x5c: {  	[sflag:s6] =	ssyncset.done $0x0  }
0x5d: {  	s26 =	rddreg [dreg:$0x13];
	[sflag:s6] =	ssyncadd.s32 $0xFFFFEC00  }
0x5e: {  	[hbm4b:s26+s0] =	stream.linear.scatter [tilespmem:s9], [sflag:$0xC], $0x1400, $0x38;
	[tilespmem:$0x17930] =	vst v63  }
0x5f: {  	_ =	swait.ge [sflag:s10], $0x1400  }
0x60: {  	[sflag:s10] =	ssyncset.done $0x0  }
0x61: {  	[sflag:s10] =	ssyncadd.s32 $0xFFFFEC00  }
0x62: {  	[tilespmem:s13], [sflag:$0xD] =	stream.linear.gather [spmem:s1], $0x1040, $0x38;
	[tilespmem:$0x17930] =	vst v63  }
0x63: {  	_ =	swait.ge [sflag:s6], $0x1040  }
0x64: {  	[sflag:s6] =	ssyncset.done $0x0  }
0x65: {  	s26 =	rddreg [dreg:$0x14];
	[sflag:s6] =	ssyncadd.s32 $0xFFFFEFC0  }
0x66: {  	[hbm4b:s26+s0] =	stream.linear.scatter [tilespmem:s13], [sflag:$0xC], $0x1040, $0x38;
	[tilespmem:$0x17930] =	vst v63  }
0x67: {  	_ =	swait.ge [sflag:s10], $0x1400  }
0x68: {  	[sflag:s10] =	ssyncset.done $0x0  }
0x69: {  	[sflag:s10] =	ssyncadd.s32 $0xFFFFEC00  }
0x6a: {  	_ =	swait.ge [sflag:s10], $0x1040  }
0x6b: {  	[sflag:s10] =	ssyncset.done $0x0  }
0x6c: {  	s26 =	rddreg [dreg:$0x1e];
	[sflag:s10] =	ssyncadd.s32 $0xFFFFEFC0  }
0x6d: {  	[tilespmem:s14], [sflag:$0xD] =	stream.linear.gather [spmem:s26], $0x280, $0x38;
	[tilespmem:$0x17930] =	vst v63  }
0x6e: {  	_ =	swait.ge [sflag:s6], $0x280  }
0x6f: {  	[sflag:s6] =	ssyncset.done $0x0  }
0x70: {  	s26 =	rddreg [dreg:$0x15];
	[sflag:s6] =	ssyncadd.s32 $0xFFFFFD80  }
0x71: {  	[hbm4b:s26+s0] =	stream.linear.scatter [tilespmem:s14], [sflag:$0xC], $0x80, $0x38;
	[tilespmem:$0x17930] =	vst v63  }
0x72: {  	s25 =	rddreg [dreg:$0x1f];
	s26 =	simm.s32 $0xB2A0  }
0x73: {  	[hbm4b:s25+s0] =	stream.linear.scatter [tilespmem:s26], [sflag:$0xC], $0x80, $0x38;
	[tilespmem:$0x17930] =	vst v63  }
0x74: {  	s25 =	sld [smem:$0x7FA];
	_ =	sdelay $0x1  }
0x75: {  	s26 =	simm.s32 $0xB320  }
0x76: {  	[hbm4b:s25+s0] =	stream.linear.scatter [tilespmem:s26], [sflag:$0xC], $0x80, $0x38;
	[tilespmem:$0x17930] =	vst v63  }
0x77: {  	s25 =	sld [smem:$0x7FB];
	_ =	sdelay $0x1  }
0x78: {  	s26 =	simm.s32 $0xB3A0  }
0x79: {  	[hbm4b:s25+s0] =	stream.linear.scatter [tilespmem:s26], [sflag:$0xC], $0x80, $0x38;
	[tilespmem:$0x17930] =	vst v63  }
0x7a: {  	s25 =	sld [smem:$0x7FC];
	_ =	sdelay $0x1  }
0x7b: {  	s26 =	simm.s32 $0xB420  }
0x7c: {  	[hbm4b:s25+s0] =	stream.linear.scatter [tilespmem:s26], [sflag:$0xC], $0x80, $0x38;
	[tilespmem:$0x17930] =	vst v63  }
0x7d: {  	_ =	swait.ge [sflag:s10], $0x80  }
0x7e: {  	[sflag:s10] =	ssyncset.done $0x0  }
0x7f: {  	[sflag:s10] =	ssyncadd.s32 $0xFFFFFF80  }
0x80: {  	_ =	swait.ge [sflag:s10], $0x80  }
0x81: {  	[sflag:s10] =	ssyncset.done $0x0  }
0x82: {  	[sflag:s10] =	ssyncadd.s32 $0xFFFFFF80  }
0x83: {  	_ =	swait.ge [sflag:s10], $0x80  }
0x84: {  	[sflag:s10] =	ssyncset.done $0x0  }
0x85: {  	[sflag:s10] =	ssyncadd.s32 $0xFFFFFF80  }
0x86: {  	_ =	swait.ge [sflag:s10], $0x80  }
0x87: {  	[sflag:s10] =	ssyncset.done $0x0  }
0x88: {  	[sflag:s10] =	ssyncadd.s32 $0xFFFFFF80  }
0x89: {  	_ =	swait.ge [sflag:s10], $0x80  }
0x8a: {  	[sflag:s10] =	ssyncset.done $0x0  }
0x8b: {  	[sflag:s10] =	ssyncadd.s32 $0xFFFFFF80  }
.LBB2_21:
0x8c: {  	s25 =	sld [smem:$0x7FD];
	_ =	sdelay $0x1  }
0x8d: {  	s5 =	sadd.s32 $0x1, s5  }
0x8e: {  	p3 =	sne.s32 s5, s25  }
.Ltmp1:
0x8f: {  	_ = 	snop;
	(pc) =	sbr.rel @!p3 .LBB2_22-.Ltmp1, $1  }
0x90: {  	_ =	sdelay $0x3  }
.LBB2_1:
0x91: {  	s25 =	rddreg [dreg:$0x16]  }
0x92: {  	[tilespmem:s0], [sflag:$0xB] =	stream.linear.gather [hbm4b:s25+s0], $0x2710, $0x38;
	[tilespmem:$0x17930] =	vst v63  }
0x93: {  	s26 =	simm.s32 $0x2710;
	s25 =	rddreg [dreg:$0x17]  }
0x94: {  	[tilespmem:s26], [sflag:$0xB] =	stream.linear.gather [hbm4b:s25+s0], $0x2710, $0x38;
	[tilespmem:$0x17930] =	vst v63  }
0x95: {  	s25 =	simm.s32 $0x0  }
.LBB2_2:
0x96: {  	p3 =	sne.s32 s25, $0x4F00  }
.Ltmp2:
0x97: {  	s26 =	sshra.s32 s25, $0x2;
	(pc) =	sbr.rel @p3 .LBB2_2-.Ltmp2, $4  }
0x98: {  	[tilespmem:s26+$0x4E20] =	vst v0  }
0x99: {  	[tilespmem:s26+$0x4E30] =	vst v0  }
0x9a: {  	[tilespmem:s26+$0x4E40] =	vst v0  }
0x9b: {  	s25 =	sadd.s32 $0x100, s25;
	[tilespmem:s26+$0x4E50] =	vst v0  }
0x9c: {  	s25 =	simm.s32 $0x0;
	s26 =	simm.s32 $0x200  }
.LBB2_4:
0x9d: {  	p3 =	sne.s32 s26, $0x9E00;
	[tilespmem:s25+$0xB290] =	vst v2  }
0x9e: {  	[tilespmem:s25+$0xB220] =	vst v2  }
0x9f: {  	[tilespmem:s25+$0xB230] =	vst v2  }
.Ltmp3:
0xa0: {  	[tilespmem:s25+$0xB240] =	vst v2;
	(pc) =	sbr.rel @p3 .LBB2_4-.Ltmp3, $4  }
0xa1: {  	[tilespmem:s25+$0xB250] =	vst v2  }
0xa2: {  	[tilespmem:s25+$0xB260] =	vst v2  }
0xa3: {  	[tilespmem:s25+$0xB270] =	vst v2  }
0xa4: {  	[tilespmem:s25+$0xB280] =	vst v2;
	s25 =	sshra.s32 s26, $0x2;
	s26 =	sadd.s32 $0x200, s26  }
0xa5: {  	[tilespmem:s25+$0xB290] =	vst v2  }
0xa6: {  	[tilespmem:s25+$0xB220] =	vst v2  }
0xa7: {  	[tilespmem:s25+$0xB230] =	vst v2  }
0xa8: {  	[tilespmem:s25+$0xB240] =	vst v2  }
0xa9: {  	[tilespmem:s25+$0xB250] =	vst v2  }
0xaa: {  	[tilespmem:s25+$0xB260] =	vst v2  }
0xab: {  	[tilespmem:s25+$0xB270] =	vst v2  }
0xac: {  	[tilespmem:s25+$0xB280] =	vst v2  }
0xad: {  	[tilespmem:$0xDA20] =	vst v1  }
0xae: {  	[tilespmem:$0xDA30] =	vst v3  }
0xaf: {  	[tilespmem:$0xDA40] =	vst v4  }
0xb0: {  	[tilespmem:$0xDA50] =	vst v5  }
0xb1: {  	[tilespmem:$0xDA60] =	vst v6  }
0xb2: {  	[spmem:s29] =	stream.linear.scatter [tilespmem:s9], [sflag:$0xC], $0x1400, $0x38;
	[tilespmem:$0x17930] =	vst v63  }
0xb3: {  	_ = 	snop  }
0xb4: {  	[spmem:s30] =	stream.linear.scatter [tilespmem:s9], [sflag:$0xC], $0x1400, $0x38;
	[tilespmem:$0x17930] =	vst v63  }
0xb5: {  	_ = 	snop  }
0xb6: {  	[spmem:s31] =	stream.linear.scatter [tilespmem:s9], [sflag:$0xC], $0x1400, $0x38;
	[tilespmem:$0x17930] =	vst v63  }
0xb7: {  	s29 =	rddreg [dreg:$0x1b]  }
0xb8: {  	[spmem:s29] =	stream.linear.scatter [tilespmem:s9], [sflag:$0xC], $0x1400, $0x38;
	[tilespmem:$0x17930] =	vst v63  }
0xb9: {  	s30 =	rddreg [dreg:$0x1c]  }
0xba: {  	[spmem:s30] =	stream.linear.scatter [tilespmem:s9], [sflag:$0xC], $0x1400, $0x38;
	[tilespmem:$0x17930] =	vst v63  }
0xbb: {  	s31 =	rddreg [dreg:$0x1d]  }
0xbc: {  	[spmem:s31] =	stream.linear.scatter [tilespmem:s9], [sflag:$0xC], $0x1400, $0x38;
	[tilespmem:$0x17930] =	vst v63  }
0xbd: {  	_ = 	snop  }
0xbe: {  	[spmem:s20] =	stream.linear.scatter [tilespmem:s9], [sflag:$0xC], $0x1400, $0x38;
	[tilespmem:$0x17930] =	vst v63  }
0xbf: {  	_ = 	snop  }
0xc0: {  	[spmem:s1] =	stream.linear.scatter [tilespmem:s9], [sflag:$0xC], $0x1040, $0x38;
	[tilespmem:$0x17930] =	vst v63  }
0xc1: {  	s25 =	simm.s32 @!p2 $0xB220  }
0xc2: {  	[spmem:s28] =	stream.linear.scatter @!p2 [tilespmem:s25], [sflag:$0xC], $0x2800, $0x38;
	[tilespmem:$0x17930] =	vst v63  }
0xc3: {  	_ =	swait.ge [sflag:s10], $0x1400  }
0xc4: {  	[sflag:s10] =	ssyncset.done $0x0  }
0xc5: {  	[sflag:s10] =	ssyncadd.s32 $0xFFFFEC00  }
0xc6: {  	_ =	swait.ge [sflag:s10], $0x1400  }
0xc7: {  	[sflag:s10] =	ssyncset.done $0x0  }
0xc8: {  	[sflag:s10] =	ssyncadd.s32 $0xFFFFEC00  }
0xc9: {  	_ =	swait.ge [sflag:s10], $0x1400  }
0xca: {  	[sflag:s10] =	ssyncset.done $0x0  }
0xcb: {  	[sflag:s10] =	ssyncadd.s32 $0xFFFFEC00  }
0xcc: {  	_ =	swait.ge [sflag:s10], $0x1400  }
0xcd: {  	[sflag:s10] =	ssyncset.done $0x0  }
0xce: {  	[sflag:s10] =	ssyncadd.s32 $0xFFFFEC00  }
0xcf: {  	_ =	swait.ge [sflag:s10], $0x1400  }
0xd0: {  	[sflag:s10] =	ssyncset.done $0x0  }
0xd1: {  	[sflag:s10] =	ssyncadd.s32 $0xFFFFEC00  }
0xd2: {  	_ =	swait.ge [sflag:s10], $0x1400  }
0xd3: {  	[sflag:s10] =	ssyncset.done $0x0  }
0xd4: {  	[sflag:s10] =	ssyncadd.s32 $0xFFFFEC00  }
0xd5: {  	_ =	swait.ge [sflag:s10], $0x1400  }
0xd6: {  	[sflag:s10] =	ssyncset.done $0x0  }
0xd7: {  	[sflag:s10] =	ssyncadd.s32 $0xFFFFEC00  }
0xd8: {  	_ =	swait.ge [sflag:s10], $0x1040  }
0xd9: {  	[sflag:s10] =	ssyncset.done $0x0  }
0xda: {  	s25 =	simm.s32 @!p2 $0xC;
	[sflag:s10] =	ssyncadd.s32 $0xFFFFEFC0  }
0xdb: {  	_ =	swait.ge @!p2 [sflag:s25], $0x2800  }
0xdc: {  	[sflag:s25] =	ssyncset.done @!p2 $0x0  }
0xdd: {  	[sflag:s25] =	ssyncadd.s32 @!p2 $0xFFFFD800  }
0xde: {  	_ =	swait.ge [sflag:s11], $0x2710  }
0xdf: {  	[sflag:s11] =	ssyncset.done $0x0  }
0xe0: {  	[sflag:s11] =	ssyncadd.s32 $0xFFFFD8F0  }
.Ltmp4:
0xe1: {  	_ =	swait.ge [sflag:s11], $0x2710;
	(pc) =	sbr.rel @p0 .LBB2_11-.Ltmp4, $4  }
0xe2: {  	[sflag:s11] =	ssyncset.done $0x0  }
0xe3: {  	[sflag:s11] =	ssyncadd.s32 $0xFFFFD8F0  }
0xe4: {  	[bflag:$0x0] =	sbarrier.arrive $0xFFFF  }
0xe5: {  	s25 =	simm.s32 $0x0  }
0xe6: {  	[tilespmem:s9], [sflag:$0x1] =	stream.indirect.gather [hbm4b:s16+s12], $0x40, s25, s12, $0xb8;
	[tilespmem:$0x17930] =	vst v63  }
0xe7: {  	_ = 	snop  }
0xe8: {  	[tilespmem:s13], [sflag:$0x2] =	stream.indirect.gather [hbm4b:s16+s12], $0x40, s12, s12, $0xb8;
	[tilespmem:$0x17930] =	vst v63  }
0xe9: {  	s29 =	simm.s32 $0xA0  }
0xea: {  	[tilespmem:s15], [sflag:$0x3] =	stream.indirect.gather [hbm4b:s16+s12], $0x40, s29, s12, $0xb8;
	[tilespmem:$0x17930] =	vst v63  }
0xeb: {  	s30 =	simm.s32 $0xF0  }
0xec: {  	[tilespmem:s18], [sflag:$0x4] =	stream.indirect.gather [hbm4b:s16+s12], $0x40, s30, s12, $0xb8;
	[tilespmem:$0x17930] =	vst v63  }
0xed: {  	s31 =	simm.s32 $0x140;
	s26 =	simm.s32 $0x0;
	s25 =	simm.s32 $0x40  }
0xee: {  	[tilespmem:s17], [sflag:$0x5] =	stream.indirect.gather [hbm4b:s16+s12], $0x40, s31, s12, $0xb8;
	[tilespmem:$0x17930] =	vst v63  }
.LBB2_7:
0xef: {  	p3 =	sne.s32 s25, $0x9C00;
	v8 =	vld [tilespmem:s26+$0x2710];
	_ =	sdelay $0x3  }
.Ltmp5:
0xf0: {  	(pc) =	sbr.rel @p3 .LBB2_7-.Ltmp5, $2  }
0xf1: {  	_ =	sdelay $0x2  }
0xf2: {  	s26 =	sshra.s32 s25, $0x2;
	s25 =	sadd.s32 $0x40, s25;
	[tilespmem:v8+s14+$0x0] =	vst.idx.add.f32.msk $0xffff, v7  }
0xf3: {  	v8 =	vld [tilespmem:s26+$0x2710];
	_ =	sdelay $0x7  }
0xf4: {  	[tilespmem:v8+s14+$0x0] =	vst.idx.add.f32.msk $0xffff, v7  }
0xf5: {  	_ =	swait.ge [sflag:s2], $0x1400  }
0xf6: {  	[sflag:s2] =	ssyncset.done $0x0  }
0xf7: {  	s25 =	simm.s32 $0x2710;
	[sflag:s2] =	ssyncadd.s32 $0xFFFFEC00  }
0xf8: {  	[spmem:s19] =	stream.indirect.scatter.add.bf16 [tilespmem:s9], [sflag:$0x6], $0x40, s25, s12, $0xb8;
	[tilespmem:$0x17930] =	vst v63  }
0xf9: {  	_ =	swait.ge [sflag:s3], $0x1400  }
0xfa: {  	[sflag:s3] =	ssyncset.done $0x0  }
0xfb: {  	[sflag:s3] =	ssyncadd.s32 $0xFFFFEC00  }
0xfc: {  	_ =	swait.ge [sflag:s4], $0x1400  }
0xfd: {  	[sflag:s4] =	ssyncset.done $0x0  }
0xfe: {  	s26 =	simm.s32 $0x2760;
	[sflag:s4] =	ssyncadd.s32 $0xFFFFEC00  }
0xff: {  	[spmem:s19] =	stream.indirect.scatter.add.bf16 [tilespmem:s13], [sflag:$0x7], $0x40, s26, s12, $0xb8;
	[tilespmem:$0x17930] =	vst v63  }
0x100: {  	s28 =	simm.s32 $0x190;
	s29 =	simm.s32 $0x3  }
0x101: {  	[tilespmem:s9], [sflag:$0x1] =	stream.indirect.gather [hbm4b:s16+s12], $0x40, s28, s12, $0xb8;
	[tilespmem:$0x17930] =	vst v63  }
0x102: {  	_ =	swait.ge [sflag:s29], $0x1400  }
0x103: {  	[sflag:s29] =	ssyncset.done $0x0  }
0x104: {  	s30 =	simm.s32 $0x7;
	[sflag:s29] =	ssyncadd.s32 $0xFFFFEC00  }
0x105: {  	_ =	swait.ge [sflag:s30], $0x1400  }
0x106: {  	[sflag:s30] =	ssyncset.done $0x0  }
0x107: {  	s31 =	simm.s32 $0x27B0;
	[sflag:s30] =	ssyncadd.s32 $0xFFFFEC00  }
0x108: {  	[spmem:s19] =	stream.indirect.scatter.add.bf16 [tilespmem:s15], [sflag:$0x8], $0x40, s31, s12, $0xb8;
	[tilespmem:$0x17930] =	vst v63  }
0x109: {  	s26 =	simm.s32 $0x1E0  }
0x10a: {  	[tilespmem:s13], [sflag:$0x2] =	stream.indirect.gather [hbm4b:s16+s12], $0x40, s26, s12, $0xb8;
	[tilespmem:$0x17930] =	vst v63  }
0x10b: {  	_ =	swait.ge [sflag:s21], $0x1400  }
0x10c: {  	[sflag:s21] =	ssyncset.done $0x0  }
0x10d: {  	[sflag:s21] =	ssyncadd.s32 $0xFFFFEC00  }
0x10e: {  	_ =	swait.ge [sflag:s23], $0x1400  }
0x10f: {  	[sflag:s23] =	ssyncset.done $0x0  }
0x110: {  	s28 =	simm.s32 $0x2800;
	[sflag:s23] =	ssyncadd.s32 $0xFFFFEC00  }
0x111: {  	[spmem:s19] =	stream.indirect.scatter.add.bf16 [tilespmem:s18], [sflag:$0x9], $0x40, s28, s12, $0xb8;
	[tilespmem:$0x17930] =	vst v63  }
0x112: {  	s29 =	simm.s32 $0x230  }
0x113: {  	[tilespmem:s15], [sflag:$0x3] =	stream.indirect.gather [hbm4b:s16+s12], $0x40, s29, s12, $0xb8;
	[tilespmem:$0x17930] =	vst v63  }
0x114: {  	_ =	swait.ge [sflag:s24], $0x1400  }
0x115: {  	[sflag:s24] =	ssyncset.done $0x0  }
0x116: {  	[sflag:s24] =	ssyncadd.s32 $0xFFFFEC00  }
0x117: {  	_ =	swait.ge [sflag:s8], $0x1400  }
0x118: {  	[sflag:s8] =	ssyncset.done $0x0  }
0x119: {  	s30 =	simm.s32 $0x2850;
	[sflag:s8] =	ssyncadd.s32 $0xFFFFEC00  }
0x11a: {  	[spmem:s19] =	stream.indirect.scatter.add.bf16 [tilespmem:s17], [sflag:$0xA], $0x40, s30, s12, $0xb8;
	[tilespmem:$0x17930] =	vst v63  }
0x11b: {  	s25 =	simm.s32 $0x0;
	s31 =	simm.s32 $0x280  }
0x11c: {  	[tilespmem:s18], [sflag:$0x4] =	stream.indirect.gather [hbm4b:s16+s12], $0x40, s31, s12, $0xb8;
	[tilespmem:$0x17930] =	vst v63  }
.LBB2_9:
0x11d: {  	_ =	swait.ge [sflag:s2], $0x1400  }
0x11e: {  	[sflag:s2] =	ssyncset.done $0x0  }
0x11f: {  	[sflag:s2] =	ssyncadd.s32 $0xFFFFEC00  }
0x120: {  	_ =	swait.ge [sflag:s7], $0x1400  }
0x121: {  	s26 =	sshra.s32 s25, $0x2;
	[sflag:s7] =	ssyncset.done $0x0  }
0x122: {  	s28 =	sadd.s32 $0x28A0, s26;
	[sflag:s7] =	ssyncadd.s32 $0xFFFFEC00  }
0x123: {  	[spmem:s19] =	stream.indirect.scatter.add.bf16 [tilespmem:s9], [sflag:$0x6], $0x40, s28, s12, $0xb8;
	[tilespmem:$0x17930] =	vst v63  }
0x124: {  	s29 =	sadd.s32 $0x2D0, s26  }
0x125: {  	[tilespmem:s17], [sflag:$0x5] =	stream.indirect.gather [hbm4b:s16+s12], $0x40, s29, s12, $0xb8;
	[tilespmem:$0x17930] =	vst v63  }
0x126: {  	_ =	swait.ge [sflag:s3], $0x1400  }
0x127: {  	[sflag:s3] =	ssyncset.done $0x0  }
0x128: {  	[sflag:s3] =	ssyncadd.s32 $0xFFFFEC00  }
0x129: {  	_ =	swait.ge [sflag:s4], $0x1400  }
0x12a: {  	p3 =	seq.s32 s25, $0x8FC0;
	[sflag:s4] =	ssyncset.done $0x0  }
0x12b: {  	s30 =	sadd.s32 $0x28F0, s26;
	s28 =	simm.s32 @p3 $0x3;
	[sflag:s4] =	ssyncadd.s32 $0xFFFFEC00  }
0x12c: {  	[spmem:s19] =	stream.indirect.scatter.add.bf16 [tilespmem:s13], [sflag:$0x7], $0x40, s30, s12, $0xb8;
	[tilespmem:$0x17930] =	vst v63  }
0x12d: {  	_ =	swait.ge @p3 [sflag:s28], $0x1400  }
0x12e: {  	[sflag:s28] =	ssyncset.done @p3 $0x0  }
0x12f: {  	[sflag:s28] =	ssyncadd.s32 @p3 $0xFFFFEC00;
	s28 =	simm.s32 @p3 $0x7  }
0x130: {  	_ =	swait.ge @p3 [sflag:s28], $0x1400  }
0x131: {  	[sflag:s28] =	ssyncset.done @p3 $0x0  }
0x132: {  	[sflag:s28] =	ssyncadd.s32 @p3 $0xFFFFEC00;
	s28 =	sshra.s32 @p3 s25, $0x2  }
0x133: {  	s29 =	simm.s32 @p3 $0x50;
	s30 =	simm.s32 @p3 $0x7620;
	s28 =	sadd.s32 @p3 $0x2940, s28  }
0x134: {  	[spmem:s19] =	stream.indirect.scatter.add.bf16 @p3 [tilespmem:s30], [sflag:$0x8], $0x40, s28, s29, $0xb8;
	[tilespmem:$0x17930] =	vst v63  }
0x135: {  	s28 =	sshra.s32 @!p3 s25, $0x2  }
0x136: {  	s31 =	simm.s32 @!p3 $0x4E20;
	s30 =	simm.s32 @!p3 $0x50;
	s29 =	sadd.s32 @!p3 $0x320, s28  }
0x137: {  	[tilespmem:s31], [sflag:$0x1] =	stream.indirect.gather @!p3 [hbm4b:s16+s30], $0x40, s29, s30, $0xb8;
	[tilespmem:$0x17930] =	vst v63  }
0x138: {  	s29 =	simm.s32 @!p3 $0x3  }
0x139: {  	_ =	swait.ge @!p3 [sflag:s29], $0x1400  }
0x13a: {  	[sflag:s29] =	ssyncset.done @!p3 $0x0  }
0x13b: {  	[sflag:s29] =	ssyncadd.s32 @!p3 $0xFFFFEC00;
	s29 =	simm.s32 @!p3 $0x7  }
0x13c: {  	_ =	swait.ge @!p3 [sflag:s29], $0x1400  }
0x13d: {  	[sflag:s29] =	ssyncset.done @!p3 $0x0  }
0x13e: {  	s31 =	simm.s32 @!p3 $0x7620;
	[sflag:s29] =	ssyncadd.s32 @!p3 $0xFFFFEC00;
	s29 =	sadd.s32 @!p3 $0x2940, s28  }
0x13f: {  	[spmem:s19] =	stream.indirect.scatter.add.bf16 @!p3 [tilespmem:s31], [sflag:$0x8], $0x40, s29, s30, $0xb8;
	[tilespmem:$0x17930] =	vst v63  }
0x140: {  	s28 =	sadd.s32 @!p3 $0x370, s28;
	s29 =	simm.s32 @!p3 $0x6220  }
0x141: {  	[tilespmem:s29], [sflag:$0x2] =	stream.indirect.gather @!p3 [hbm4b:s16+s30], $0x40, s28, s30, $0xb8;
	[tilespmem:$0x17930] =	vst v63  }
0x142: {  	_ =	swait.ge [sflag:s21], $0x1400  }
0x143: {  	[sflag:s21] =	ssyncset.done $0x0  }
.Ltmp6:
0x144: {  	[sflag:s21] =	ssyncadd.s32 $0xFFFFEC00;
	(pc) =	sbr.rel @p3 .LBB2_16-.Ltmp6, $4  }
0x145: {  	_ =	swait.ge [sflag:s23], $0x1400  }
0x146: {  	[sflag:s23] =	ssyncset.done $0x0  }
0x147: {  	s31 =	sadd.s32 $0x2990, s26;
	[sflag:s23] =	ssyncadd.s32 $0xFFFFEC00  }
0x148: {  	[spmem:s19] =	stream.indirect.scatter.add.bf16 [tilespmem:s18], [sflag:$0x9], $0x40, s31, s12, $0xb8;
	[tilespmem:$0x17930] =	vst v63  }
0x149: {  	s28 =	sadd.s32 $0x3C0, s26  }
0x14a: {  	[tilespmem:s15], [sflag:$0x3] =	stream.indirect.gather [hbm4b:s16+s12], $0x40, s28, s12, $0xb8;
	[tilespmem:$0x17930] =	vst v63  }
0x14b: {  	_ =	swait.ge [sflag:s24], $0x1400  }
0x14c: {  	[sflag:s24] =	ssyncset.done $0x0  }
0x14d: {  	[sflag:s24] =	ssyncadd.s32 $0xFFFFEC00  }
0x14e: {  	_ =	swait.ge [sflag:s8], $0x1400  }
.Ltmp7:
0x14f: {  	[sflag:s8] =	ssyncset.done $0x0;
	(pc) =	sbr.rel .LBB2_9-.Ltmp7, $4  }
0x150: {  	s30 =	sadd.s32 $0x29E0, s26;
	[sflag:s8] =	ssyncadd.s32 $0xFFFFEC00  }
0x151: {  	[spmem:s19] =	stream.indirect.scatter.add.bf16 [tilespmem:s17], [sflag:$0xA], $0x40, s30, s12, $0xb8;
	[tilespmem:$0x17930] =	vst v63  }
0x152: {  	s31 =	sadd.s32 $0x410, s26;
	s25 =	sadd.s32 $0x640, s25  }
0x153: {  	[tilespmem:s18], [sflag:$0x4] =	stream.indirect.gather [hbm4b:s16+s12], $0x40, s31, s12, $0xb8;
	[tilespmem:$0x17930] =	vst v63  }
.LBB2_11:
0x154: {  	[tilespmem:s9], [sflag:$0x1] =	stream.indirect.gather [hbm4b:s22+s12], $0x40, s25, s12, $0xb8;
	[tilespmem:$0x17930] =	vst v63  }
0x155: {  	_ = 	snop  }
0x156: {  	[tilespmem:s13], [sflag:$0x2] =	stream.indirect.gather [hbm4b:s22+s12], $0x40, s12, s12, $0xb8;
	[tilespmem:$0x17930] =	vst v63  }
0x157: {  	s29 =	simm.s32 $0xA0  }
0x158: {  	[tilespmem:s15], [sflag:$0x3] =	stream.indirect.gather [hbm4b:s22+s12], $0x40, s29, s12, $0xb8;
	[tilespmem:$0x17930] =	vst v63  }
0x159: {  	s30 =	simm.s32 $0xF0  }
0x15a: {  	[tilespmem:s18], [sflag:$0x4] =	stream.indirect.gather [hbm4b:s22+s12], $0x40, s30, s12, $0xb8;
	[tilespmem:$0x17930] =	vst v63  }
0x15b: {  	s31 =	simm.s32 $0x140;
	s26 =	simm.s32 $0x0;
	s25 =	simm.s32 $0x40  }
0x15c: {  	[tilespmem:s17], [sflag:$0x5] =	stream.indirect.gather [hbm4b:s22+s12], $0x40, s31, s12, $0xb8;
	[tilespmem:$0x17930] =	vst v63  }
.LBB2_12:
0x15d: {  	p3 =	sne.s32 s25, $0x9C00;
	v8 =	vld [tilespmem:s26+$0x2710];
	_ =	sdelay $0x3  }
.Ltmp8:
0x15e: {  	(pc) =	sbr.rel @p3 .LBB2_12-.Ltmp8, $2  }
0x15f: {  	_ =	sdelay $0x2  }
0x160: {  	s26 =	sshra.s32 s25, $0x2;
	s25 =	sadd.s32 $0x40, s25;
	[tilespmem:v8+s14+$0x0] =	vst.idx.add.f32.msk $0xffff, v7  }
0x161: {  	v8 =	vld [tilespmem:s26+$0x2710];
	_ =	sdelay $0x7  }
0x162: {  	[tilespmem:v8+s14+$0x0] =	vst.idx.add.f32.msk $0xffff, v7  }
0x163: {  	_ =	swait.ge [sflag:s2], $0x1400  }
0x164: {  	[sflag:s2] =	ssyncset.done $0x0  }
0x165: {  	s25 =	simm.s32 $0x2710;
	[sflag:s2] =	ssyncadd.s32 $0xFFFFEC00  }
0x166: {  	[spmem:s19] =	stream.indirect.scatter.add.bf16 [tilespmem:s9], [sflag:$0x6], $0x40, s25, s12, $0xb8;
	[tilespmem:$0x17930] =	vst v63  }
0x167: {  	_ =	swait.ge [sflag:s3], $0x1400  }
0x168: {  	[sflag:s3] =	ssyncset.done $0x0  }
0x169: {  	[sflag:s3] =	ssyncadd.s32 $0xFFFFEC00  }
0x16a: {  	_ =	swait.ge [sflag:s4], $0x1400  }
0x16b: {  	[sflag:s4] =	ssyncset.done $0x0  }
0x16c: {  	s26 =	simm.s32 $0x2760;
	[sflag:s4] =	ssyncadd.s32 $0xFFFFEC00  }
0x16d: {  	[spmem:s19] =	stream.indirect.scatter.add.bf16 [tilespmem:s13], [sflag:$0x7], $0x40, s26, s12, $0xb8;
	[tilespmem:$0x17930] =	vst v63  }
0x16e: {  	s28 =	simm.s32 $0x190;
	s29 =	simm.s32 $0x3  }
0x16f: {  	[tilespmem:s9], [sflag:$0x1] =	stream.indirect.gather [hbm4b:s22+s12], $0x40, s28, s12, $0xb8;
	[tilespmem:$0x17930] =	vst v63  }
0x170: {  	_ =	swait.ge [sflag:s29], $0x1400  }
0x171: {  	[sflag:s29] =	ssyncset.done $0x0  }
0x172: {  	s30 =	simm.s32 $0x7;
	[sflag:s29] =	ssyncadd.s32 $0xFFFFEC00  }
0x173: {  	_ =	swait.ge [sflag:s30], $0x1400  }
0x174: {  	[sflag:s30] =	ssyncset.done $0x0  }
0x175: {  	s31 =	simm.s32 $0x27B0;
	[sflag:s30] =	ssyncadd.s32 $0xFFFFEC00  }
0x176: {  	[spmem:s19] =	stream.indirect.scatter.add.bf16 [tilespmem:s15], [sflag:$0x8], $0x40, s31, s12, $0xb8;
	[tilespmem:$0x17930] =	vst v63  }
0x177: {  	s26 =	simm.s32 $0x1E0  }
0x178: {  	[tilespmem:s13], [sflag:$0x2] =	stream.indirect.gather [hbm4b:s22+s12], $0x40, s26, s12, $0xb8;
	[tilespmem:$0x17930] =	vst v63  }
0x179: {  	_ =	swait.ge [sflag:s21], $0x1400  }
0x17a: {  	[sflag:s21] =	ssyncset.done $0x0  }
0x17b: {  	[sflag:s21] =	ssyncadd.s32 $0xFFFFEC00  }
0x17c: {  	_ =	swait.ge [sflag:s23], $0x1400  }
0x17d: {  	[sflag:s23] =	ssyncset.done $0x0  }
0x17e: {  	s28 =	simm.s32 $0x2800;
	[sflag:s23] =	ssyncadd.s32 $0xFFFFEC00  }
0x17f: {  	[spmem:s19] =	stream.indirect.scatter.add.bf16 [tilespmem:s18], [sflag:$0x9], $0x40, s28, s12, $0xb8;
	[tilespmem:$0x17930] =	vst v63  }
0x180: {  	s29 =	simm.s32 $0x230  }
0x181: {  	[tilespmem:s15], [sflag:$0x3] =	stream.indirect.gather [hbm4b:s22+s12], $0x40, s29, s12, $0xb8;
	[tilespmem:$0x17930] =	vst v63  }
0x182: {  	_ =	swait.ge [sflag:s24], $0x1400  }
0x183: {  	[sflag:s24] =	ssyncset.done $0x0  }
0x184: {  	[sflag:s24] =	ssyncadd.s32 $0xFFFFEC00  }
0x185: {  	_ =	swait.ge [sflag:s8], $0x1400  }
0x186: {  	[sflag:s8] =	ssyncset.done $0x0  }
0x187: {  	s30 =	simm.s32 $0x2850;
	[sflag:s8] =	ssyncadd.s32 $0xFFFFEC00  }
0x188: {  	[spmem:s19] =	stream.indirect.scatter.add.bf16 [tilespmem:s17], [sflag:$0xA], $0x40, s30, s12, $0xb8;
	[tilespmem:$0x17930] =	vst v63  }
0x189: {  	s25 =	simm.s32 $0x0;
	s31 =	simm.s32 $0x280  }
0x18a: {  	[tilespmem:s18], [sflag:$0x4] =	stream.indirect.gather [hbm4b:s22+s12], $0x40, s31, s12, $0xb8;
	[tilespmem:$0x17930] =	vst v63  }
.LBB2_14:
0x18b: {  	_ =	swait.ge [sflag:s2], $0x1400  }
0x18c: {  	[sflag:s2] =	ssyncset.done $0x0  }
0x18d: {  	[sflag:s2] =	ssyncadd.s32 $0xFFFFEC00  }
0x18e: {  	_ =	swait.ge [sflag:s7], $0x1400  }
0x18f: {  	s26 =	sshra.s32 s25, $0x2;
	[sflag:s7] =	ssyncset.done $0x0  }
0x190: {  	s28 =	sadd.s32 $0x28A0, s26;
	[sflag:s7] =	ssyncadd.s32 $0xFFFFEC00  }
0x191: {  	[spmem:s19] =	stream.indirect.scatter.add.bf16 [tilespmem:s9], [sflag:$0x6], $0x40, s28, s12, $0xb8;
	[tilespmem:$0x17930] =	vst v63  }
0x192: {  	s29 =	sadd.s32 $0x2D0, s26  }
0x193: {  	[tilespmem:s17], [sflag:$0x5] =	stream.indirect.gather [hbm4b:s22+s12], $0x40, s29, s12, $0xb8;
	[tilespmem:$0x17930] =	vst v63  }
0x194: {  	_ =	swait.ge [sflag:s3], $0x1400  }
0x195: {  	[sflag:s3] =	ssyncset.done $0x0  }
0x196: {  	[sflag:s3] =	ssyncadd.s32 $0xFFFFEC00  }
0x197: {  	_ =	swait.ge [sflag:s4], $0x1400  }
0x198: {  	p3 =	seq.s32 s25, $0x8FC0;
	[sflag:s4] =	ssyncset.done $0x0  }
0x199: {  	s30 =	sadd.s32 $0x28F0, s26;
	s28 =	simm.s32 @p3 $0x3;
	[sflag:s4] =	ssyncadd.s32 $0xFFFFEC00  }
0x19a: {  	[spmem:s19] =	stream.indirect.scatter.add.bf16 [tilespmem:s13], [sflag:$0x7], $0x40, s30, s12, $0xb8;
	[tilespmem:$0x17930] =	vst v63  }
0x19b: {  	_ =	swait.ge @p3 [sflag:s28], $0x1400  }
0x19c: {  	[sflag:s28] =	ssyncset.done @p3 $0x0  }
0x19d: {  	[sflag:s28] =	ssyncadd.s32 @p3 $0xFFFFEC00;
	s28 =	simm.s32 @p3 $0x7  }
0x19e: {  	_ =	swait.ge @p3 [sflag:s28], $0x1400  }
0x19f: {  	[sflag:s28] =	ssyncset.done @p3 $0x0  }
0x1a0: {  	[sflag:s28] =	ssyncadd.s32 @p3 $0xFFFFEC00;
	s28 =	sshra.s32 @p3 s25, $0x2  }
0x1a1: {  	s29 =	simm.s32 @p3 $0x50;
	s30 =	simm.s32 @p3 $0x7620;
	s28 =	sadd.s32 @p3 $0x2940, s28  }
0x1a2: {  	[spmem:s19] =	stream.indirect.scatter.add.bf16 @p3 [tilespmem:s30], [sflag:$0x8], $0x40, s28, s29, $0xb8;
	[tilespmem:$0x17930] =	vst v63  }
0x1a3: {  	s28 =	sshra.s32 @!p3 s25, $0x2  }
0x1a4: {  	s31 =	simm.s32 @!p3 $0x4E20;
	s30 =	simm.s32 @!p3 $0x50;
	s29 =	sadd.s32 @!p3 $0x320, s28  }
0x1a5: {  	[tilespmem:s31], [sflag:$0x1] =	stream.indirect.gather @!p3 [hbm4b:s22+s30], $0x40, s29, s30, $0xb8;
	[tilespmem:$0x17930] =	vst v63  }
0x1a6: {  	s29 =	simm.s32 @!p3 $0x3  }
0x1a7: {  	_ =	swait.ge @!p3 [sflag:s29], $0x1400  }
0x1a8: {  	[sflag:s29] =	ssyncset.done @!p3 $0x0  }
0x1a9: {  	[sflag:s29] =	ssyncadd.s32 @!p3 $0xFFFFEC00;
	s29 =	simm.s32 @!p3 $0x7  }
0x1aa: {  	_ =	swait.ge @!p3 [sflag:s29], $0x1400  }
0x1ab: {  	[sflag:s29] =	ssyncset.done @!p3 $0x0  }
0x1ac: {  	s31 =	simm.s32 @!p3 $0x7620;
	[sflag:s29] =	ssyncadd.s32 @!p3 $0xFFFFEC00;
	s29 =	sadd.s32 @!p3 $0x2940, s28  }
0x1ad: {  	[spmem:s19] =	stream.indirect.scatter.add.bf16 @!p3 [tilespmem:s31], [sflag:$0x8], $0x40, s29, s30, $0xb8;
	[tilespmem:$0x17930] =	vst v63  }
0x1ae: {  	s28 =	sadd.s32 @!p3 $0x370, s28;
	s29 =	simm.s32 @!p3 $0x6220  }
0x1af: {  	[tilespmem:s29], [sflag:$0x2] =	stream.indirect.gather @!p3 [hbm4b:s22+s30], $0x40, s28, s30, $0xb8;
	[tilespmem:$0x17930] =	vst v63  }
0x1b0: {  	_ =	swait.ge [sflag:s21], $0x1400  }
0x1b1: {  	[sflag:s21] =	ssyncset.done $0x0  }
.Ltmp9:
0x1b2: {  	[sflag:s21] =	ssyncadd.s32 $0xFFFFEC00;
	(pc) =	sbr.rel @p3 .LBB2_17-.Ltmp9, $4  }
0x1b3: {  	_ =	swait.ge [sflag:s23], $0x1400  }
0x1b4: {  	[sflag:s23] =	ssyncset.done $0x0  }
0x1b5: {  	s31 =	sadd.s32 $0x2990, s26;
	[sflag:s23] =	ssyncadd.s32 $0xFFFFEC00  }
0x1b6: {  	[spmem:s19] =	stream.indirect.scatter.add.bf16 [tilespmem:s18], [sflag:$0x9], $0x40, s31, s12, $0xb8;
	[tilespmem:$0x17930] =	vst v63  }
0x1b7: {  	s28 =	sadd.s32 $0x3C0, s26  }
0x1b8: {  	[tilespmem:s15], [sflag:$0x3] =	stream.indirect.gather [hbm4b:s22+s12], $0x40, s28, s12, $0xb8;
	[tilespmem:$0x17930] =	vst v63  }
0x1b9: {  	_ =	swait.ge [sflag:s24], $0x1400  }
0x1ba: {  	[sflag:s24] =	ssyncset.done $0x0  }
0x1bb: {  	[sflag:s24] =	ssyncadd.s32 $0xFFFFEC00  }
0x1bc: {  	_ =	swait.ge [sflag:s8], $0x1400  }
.Ltmp10:
0x1bd: {  	[sflag:s8] =	ssyncset.done $0x0;
	(pc) =	sbr.rel .LBB2_14-.Ltmp10, $4  }
0x1be: {  	s30 =	sadd.s32 $0x29E0, s26;
	[sflag:s8] =	ssyncadd.s32 $0xFFFFEC00  }
0x1bf: {  	[spmem:s19] =	stream.indirect.scatter.add.bf16 [tilespmem:s17], [sflag:$0xA], $0x40, s30, s12, $0xb8;
	[tilespmem:$0x17930] =	vst v63  }
0x1c0: {  	s31 =	sadd.s32 $0x410, s26;
	s25 =	sadd.s32 $0x640, s25  }
0x1c1: {  	[tilespmem:s18], [sflag:$0x4] =	stream.indirect.gather [hbm4b:s22+s12], $0x40, s31, s12, $0xb8;
	[tilespmem:$0x17930] =	vst v63  }
.LBB2_16:
.Ltmp11:
0x1c2: {  	(pc) =	sbr.rel .LBB2_18-.Ltmp11, $3  }
0x1c3: {  	_ =	sdelay $0x1  }
0x1c4: {  	s30 =	rddreg [dreg:$0x19]  }
0x1c5: {  	s25 =	sadd.s32 $0xB40, s25;
	s31 =	rddreg [dreg:$0x1a]  }
.LBB2_17:
0x1c6: {  	s30 =	rddreg [dreg:$0x19]  }
0x1c7: {  	s25 =	sadd.s32 $0xB40, s25;
	s31 =	rddreg [dreg:$0x1a]  }
.LBB2_18:
0x1c8: {  	_ =	swait.ge [sflag:s24], $0x1400  }
0x1c9: {  	[sflag:s24] =	ssyncset.done $0x0  }
0x1ca: {  	[sflag:s24] =	ssyncadd.s32 $0xFFFFEC00  }
0x1cb: {  	_ =	swait.ge [sflag:s8], $0x1400  }
0x1cc: {  	s25 =	sshra.s32 s25, $0x2;
	[sflag:s8] =	ssyncset.done $0x0  }
0x1cd: {  	s25 =	sadd.s32 $0x2710, s25;
	[sflag:s8] =	ssyncadd.s32 $0xFFFFEC00  }
0x1ce: {  	[spmem:s19] =	stream.indirect.scatter.add.bf16 [tilespmem:s17], [sflag:$0xA], $0x40, s25, s12, $0xb8;
	[tilespmem:$0x17930] =	vst v63  }
0x1cf: {  	_ =	swait.ge [sflag:s7], $0x1400  }
0x1d0: {  	[sflag:s7] =	ssyncset.done $0x0  }
0x1d1: {  	[sflag:s7] =	ssyncadd.s32 $0xFFFFEC00  }
0x1d2: {  	[bflag:$0x0] =	sbarrier.arrive $0xFFFF  }
0x1d3: {  	s26 =	simm.s32 $0xDA20;
	s28 =	rddreg [dreg:$0x3]  }
0x1d4: {  	[spmem:s28] =	stream.indirect.scatter.add.f32 [tilespmem:s14], [sflag:$0xD], $0x80, s26, s12, $0xb8;
	[tilespmem:$0x17930] =	vst v63  }
0x1d5: {  	_ =	swait.ge [sflag:s6], $0x2800  }
0x1d6: {  	[sflag:s6] =	ssyncset.done $0x0  }
0x1d7: {  	[sflag:s6] =	ssyncadd.s32 $0xFFFFD800  }
0x1d8: {  	[bflag:$0x0] =	sbarrier.arrive $0xFFFF  }
.Ltmp12:
0x1d9: {  	s29 =	rddreg [dreg:$0x18];
	(pc) =	sbr.rel @p1 .LBB2_20-.Ltmp12, $4  }
0x1da: {  	[tilespmem:s9], [sflag:$0xD] =	stream.linear.gather [spmem:s29], $0x1400, $0x38;
	[tilespmem:$0x17930] =	vst v63  }
0x1db: {  	_ =	swait.ge [sflag:s6], $0x1400  }
0x1dc: {  	[sflag:s6] =	ssyncset.done $0x0  }
0x1dd: {  	[sflag:s6] =	ssyncadd.s32 $0xFFFFEC00  }
0x1de: {  	s25 =	rddreg [dreg:$0x5]  }
0x1df: {  	[hbm4b:s25+s0] =	stream.linear.scatter [tilespmem:s9], [sflag:$0xC], $0x1400, $0x38;
	[tilespmem:$0x17930] =	vst v63  }
0x1e0: {  	_ = 	snop  }
0x1e1: {  	[tilespmem:s13], [sflag:$0xD] =	stream.linear.gather [spmem:s30], $0x1400, $0x38;
	[tilespmem:$0x17930] =	vst v63  }
0x1e2: {  	_ =	swait.ge [sflag:s6], $0x1400  }
0x1e3: {  	[sflag:s6] =	ssyncset.done $0x0  }
0x1e4: {  	s26 =	rddreg [dreg:$0x6];
	[sflag:s6] =	ssyncadd.s32 $0xFFFFEC00  }
0x1e5: {  	[hbm4b:s26+s0] =	stream.linear.scatter [tilespmem:s13], [sflag:$0xC], $0x1400, $0x38;
	[tilespmem:$0x17930] =	vst v63  }
0x1e6: {  	_ =	swait.ge [sflag:s10], $0x1400  }
0x1e7: {  	[sflag:s10] =	ssyncset.done $0x0  }
0x1e8: {  	[sflag:s10] =	ssyncadd.s32 $0xFFFFEC00  }
0x1e9: {  	[tilespmem:s9], [sflag:$0xD] =	stream.linear.gather [spmem:s31], $0x1400, $0x38;
	[tilespmem:$0x17930] =	vst v63  }
0x1ea: {  	_ =	swait.ge [sflag:s6], $0x1400  }
0x1eb: {  	[sflag:s6] =	ssyncset.done $0x0  }
0x1ec: {  	s26 =	rddreg [dreg:$0x7];
	[sflag:s6] =	ssyncadd.s32 $0xFFFFEC00  }
0x1ed: {  	[hbm4b:s26+s0] =	stream.linear.scatter [tilespmem:s9], [sflag:$0xC], $0x1400, $0x38;
	[tilespmem:$0x17930] =	vst v63  }
0x1ee: {  	_ =	swait.ge [sflag:s10], $0x1400  }
0x1ef: {  	[sflag:s10] =	ssyncset.done $0x0  }
0x1f0: {  	s26 =	rddreg [dreg:$0x1b];
	[sflag:s10] =	ssyncadd.s32 $0xFFFFEC00  }
0x1f1: {  	[tilespmem:s13], [sflag:$0xD] =	stream.linear.gather [spmem:s26], $0x1400, $0x38;
	[tilespmem:$0x17930] =	vst v63  }
0x1f2: {  	_ =	swait.ge [sflag:s6], $0x1400  }
0x1f3: {  	[sflag:s6] =	ssyncset.done $0x0  }
0x1f4: {  	s26 =	rddreg [dreg:$0x8];
	[sflag:s6] =	ssyncadd.s32 $0xFFFFEC00  }
0x1f5: {  	[hbm4b:s26+s0] =	stream.linear.scatter [tilespmem:s13], [sflag:$0xC], $0x1400, $0x38;
	[tilespmem:$0x17930] =	vst v63  }
0x1f6: {  	_ =	swait.ge [sflag:s10], $0x1400  }
0x1f7: {  	[sflag:s10] =	ssyncset.done $0x0  }
0x1f8: {  	s26 =	rddreg [dreg:$0x1c];
	[sflag:s10] =	ssyncadd.s32 $0xFFFFEC00  }
0x1f9: {  	[tilespmem:s9], [sflag:$0xD] =	stream.linear.gather [spmem:s26], $0x1400, $0x38;
	[tilespmem:$0x17930] =	vst v63  }
0x1fa: {  	_ =	swait.ge [sflag:s6], $0x1400  }
0x1fb: {  	[sflag:s6] =	ssyncset.done $0x0  }
0x1fc: {  	s26 =	rddreg [dreg:$0x9];
	[sflag:s6] =	ssyncadd.s32 $0xFFFFEC00  }
0x1fd: {  	[hbm4b:s26+s0] =	stream.linear.scatter [tilespmem:s9], [sflag:$0xC], $0x1400, $0x38;
	[tilespmem:$0x17930] =	vst v63  }
0x1fe: {  	_ =	swait.ge [sflag:s10], $0x1400  }
0x1ff: {  	[sflag:s10] =	ssyncset.done $0x0  }
0x200: {  	s26 =	rddreg [dreg:$0x1d];
	[sflag:s10] =	ssyncadd.s32 $0xFFFFEC00  }
0x201: {  	[tilespmem:s13], [sflag:$0xD] =	stream.linear.gather [spmem:s26], $0x1400, $0x38;
	[tilespmem:$0x17930] =	vst v63  }
0x202: {  	_ =	swait.ge [sflag:s6], $0x1400  }
0x203: {  	[sflag:s6] =	ssyncset.done $0x0  }
0x204: {  	s26 =	rddreg [dreg:$0xa];
	[sflag:s6] =	ssyncadd.s32 $0xFFFFEC00  }
0x205: {  	[hbm4b:s26+s0] =	stream.linear.scatter [tilespmem:s13], [sflag:$0xC], $0x1400, $0x38;
	[tilespmem:$0x17930] =	vst v63  }
0x206: {  	_ =	swait.ge [sflag:s10], $0x1400  }
0x207: {  	[sflag:s10] =	ssyncset.done $0x0  }
0x208: {  	[sflag:s10] =	ssyncadd.s32 $0xFFFFEC00  }
0x209: {  	[tilespmem:s9], [sflag:$0xD] =	stream.linear.gather [spmem:s20], $0x1400, $0x38;
	[tilespmem:$0x17930] =	vst v63  }
0x20a: {  	_ =	swait.ge [sflag:s6], $0x1400  }
0x20b: {  	[sflag:s6] =	ssyncset.done $0x0  }
0x20c: {  	s26 =	rddreg [dreg:$0xb];
	[sflag:s6] =	ssyncadd.s32 $0xFFFFEC00  }
0x20d: {  	[hbm4b:s26+s0] =	stream.linear.scatter [tilespmem:s9], [sflag:$0xC], $0x1400, $0x38;
	[tilespmem:$0x17930] =	vst v63  }
0x20e: {  	_ =	swait.ge [sflag:s10], $0x1400  }
0x20f: {  	[sflag:s10] =	ssyncset.done $0x0  }
0x210: {  	[sflag:s10] =	ssyncadd.s32 $0xFFFFEC00  }
0x211: {  	[tilespmem:s13], [sflag:$0xD] =	stream.linear.gather [spmem:s1], $0x1040, $0x38;
	[tilespmem:$0x17930] =	vst v63  }
0x212: {  	_ =	swait.ge [sflag:s6], $0x1040  }
0x213: {  	[sflag:s6] =	ssyncset.done $0x0  }
0x214: {  	s26 =	rddreg [dreg:$0xc];
	[sflag:s6] =	ssyncadd.s32 $0xFFFFEFC0  }
0x215: {  	[hbm4b:s26+s0] =	stream.linear.scatter [tilespmem:s13], [sflag:$0xC], $0x1040, $0x38;
	[tilespmem:$0x17930] =	vst v63  }
0x216: {  	_ =	swait.ge [sflag:s10], $0x1400  }
.Ltmp13:
0x217: {  	[sflag:s10] =	ssyncset.done $0x0;
	(pc) =	sbr.rel .LBB2_21-.Ltmp13, $4  }
0x218: {  	[sflag:s10] =	ssyncadd.s32 $0xFFFFEC00  }
0x219: {  	_ =	swait.ge [sflag:s10], $0x1040  }
0x21a: {  	[sflag:s10] =	ssyncset.done $0x0  }
0x21b: {  	[sflag:s10] =	ssyncadd.s32 $0xFFFFEFC0  }
.LBB2_22:
0x21c: {  	_ =	sfence.sel $0x180000  }
0x21d: {  	[bflag:$0x0] =	sbarrier.arrive $0xFFFF  }
0x21e: {  	_ =	strace $0x90000047  }
0x21f: {  	[bflag:$0x2] =	sbarrier.arrive $0xFFFF  }
0x220: {  	s0 =	rddreg [dreg:$0x4]  }
0x221: {  	s0 =	sadd.s32 @!p2 $0x100000, s0  }
0x222: {  	[sflag:s0] =	ssyncadd.tile.s32 @!p2 $0x1;
	_ =	shalt  }
.Lfunc_end2:
_tile_overlayer_lowered:
.L_overlay_start_2:
0x223: {  	(tag) =	ssettag $0x2  }
0x224: {  	s0 =	rddreg [dreg:$0x0];
	s2 =	stileid.u32  }
0x225: {  	s1 =	rddreg [dreg:$0x1];
	p0 =	sne.s32 s2, $0x0  }
0x226: {  	s3 =	rddreg [dreg:$0x2];
	[bflag:$0x3] =	sbarrier.arrive $0xFFFF;
	s2 =	simm.s32 @!p0 $0x1C0D  }
0x227: {  	[timem:s3], [sflag:s2] =	dma.local @!p0 [hbm:s0], s1  }
0x228: {  	s0 =	simm.s32 @!p0 $0xD  }
0x229: {  	_ =	swait.ge @!p0 [sflag:s0], s1  }
0x22a: {  	s1 =	ssub.s32 @!p0 $0x0, s1;
	[sflag:s0] =	ssyncset.done @!p0 $0x0  }
0x22b: {  	[sflag:s0] =	ssyncadd.s32 @!p0 s1  }
0x22c: {  	[bflag:$0x3] =	sbarrier.arrive $0xFFFF  }
0x22d: {  	_ =	shalt  }

</sc_bundles>
